<compile_context>
chip_gen: v7x
topology: tpu7x:2x2x1
jax: 0.10.2.dev20260603
libtpu: 0.0.44.dev20260713+nightly
codegen_flags: <defaults>
</compile_context>

<pallas_src>
import functools
import math

import jax
import jax.numpy as jnp
from jax import lax
from jax.experimental import pallas as pl
from jax.experimental.pallas import tpu as pltpu
from jax.experimental.pallas import tpu_sc as plsc

N = 10000
E = 320000
D = 128
G = 128
INV_BN = 1.0 / math.sqrt(1.0 + 1e-5)

NC, NS = 2, 16
NW = NC * NS
E_PER_TILE = E // NW
CH = 128
N_CHUNKS = E_PER_TILE // CH
TAIL = E_PER_TILE - N_CHUNKS * CH
N_PAD = 10240
ROWS_PER_TILE = N_PAD // NS


def _sc_scatter(h, src2, dst1):
    mesh = plsc.VectorSubcoreMesh(core_axis_name="c", subcore_axis_name="s")

    @functools.partial(
        pl.kernel,
        out_type=jax.ShapeDtypeStruct((NC, N_PAD, D), jnp.float32),
        mesh=mesh,
        scratch_types=[
            pltpu.VMEM((E_PER_TILE,), jnp.int32),
            pltpu.VMEM((CH,), jnp.int32),
            pltpu.VMEM((CH,), jnp.int32),
            pltpu.VMEM((TAIL,), jnp.int32),
            pltpu.VMEM((CH, D), jnp.float32),
            pltpu.VMEM((CH, D), jnp.float32),
            pltpu.VMEM((TAIL, D), jnp.float32),
            pltpu.VMEM_SHARED((N_PAD, D), jnp.float32),
            pltpu.SemaphoreType.DMA,
            pltpu.SemaphoreType.DMA,
            pltpu.SemaphoreType.DMA,
            pltpu.SemaphoreType.DMA,
            pltpu.SemaphoreType.DMA,
        ],
    )
    def k(h_hbm, src_hbm, dst_hbm, out_hbm, src_v, dst_a, dst_b, dst_t,
          rows_a, rows_b, rows_t, acc_sh, sem_a, sem_b, sem_da, sem_db,
          sem_t):
        c = lax.axis_index("c")
        s = lax.axis_index("s")
        wid = s * NC + c
        ebase = wid * E_PER_TILE

        stage = pltpu.make_async_copy(src_hbm.at[wid], src_v, sem_da)
        stage.start()

        def fire(chunk, rows, sem, dstb, dsem):
            off = pl.multiple_of(chunk * CH, 8)
            pltpu.async_copy(dst_hbm.at[pl.ds(ebase + off, CH)], dstb, dsem)
            pltpu.async_copy(h_hbm.at[src_v.at[pl.ds(off, CH)]], rows, sem)

        def drain(rows, sem, dstb, dsem):
            pltpu.make_async_copy(dst_hbm.at[pl.ds(0, CH)], dstb, dsem).wait()
            pltpu.make_async_copy(h_hbm.at[src_v.at[pl.ds(0, CH)]],
                                  rows, sem).wait()

        def scat(rows, dstb):
            pltpu.sync_copy(rows, acc_sh.at[dstb], add=True)

        zvec = jnp.zeros((16,), jnp.float32)

        def zrow(i, carry):
            for j in range(D // 16):
                rows_b[i, pl.ds(j * 16, 16)] = zvec
            return carry

        lax.fori_loop(0, CH, zrow, 0)
        stage.wait()
        fire(0, rows_a, sem_a, dst_a, sem_da)
        row0 = s * ROWS_PER_TILE
        zcops = [pltpu.make_async_copy(
            rows_b, acc_sh.at[pl.ds(row0 + r * CH, CH)], sem_db)
            for r in range(ROWS_PER_TILE // CH)]
        for z in zcops:
            z.start()
        for z in zcops:
            z.wait()
        fire(1, rows_b, sem_b, dst_b, sem_db)
        toff = N_CHUNKS * CH
        pltpu.async_copy(dst_hbm.at[pl.ds(ebase + toff, TAIL)], dst_t, sem_t)
        pltpu.async_copy(h_hbm.at[src_v.at[pl.ds(toff, TAIL)]], rows_t, sem_t)
        plsc.subcore_barrier()

        def body(kk, carry):
            drain(rows_a, sem_a, dst_a, sem_da)
            scat(rows_a, dst_a)
            fire(2 * kk + 2, rows_a, sem_a, dst_a, sem_da)
            drain(rows_b, sem_b, dst_b, sem_db)
            scat(rows_b, dst_b)
            fire(2 * kk + 3, rows_b, sem_b, dst_b, sem_db)
            return carry

        lax.fori_loop(0, (N_CHUNKS - 4) // 2, body, 0)
        drain(rows_a, sem_a, dst_a, sem_da)
        scat(rows_a, dst_a)
        fire(N_CHUNKS - 2, rows_a, sem_a, dst_a, sem_da)
        drain(rows_b, sem_b, dst_b, sem_db)
        scat(rows_b, dst_b)
        fire(N_CHUNKS - 1, rows_b, sem_b, dst_b, sem_db)
        drain(rows_a, sem_a, dst_a, sem_da)
        scat(rows_a, dst_a)
        drain(rows_b, sem_b, dst_b, sem_db)
        scat(rows_b, dst_b)
        pltpu.make_async_copy(dst_hbm.at[pl.ds(0, TAIL)], dst_t, sem_t).wait()
        pltpu.make_async_copy(h_hbm.at[src_v.at[pl.ds(0, TAIL)]],
                              rows_t, sem_t).wait()
        pltpu.sync_copy(rows_t, acc_sh.at[dst_t], add=True)
        plsc.subcore_barrier()

        pltpu.sync_copy(acc_sh.at[pl.ds(row0, ROWS_PER_TILE)],
                        out_hbm.at[c, pl.ds(row0, ROWS_PER_TILE)])

    return k(h, src2, dst1)


RB = 2000
N_RB = N // RB


def _tc_layer(h, agg, batch3d, W1, b1, W2, b2, prev_pooled=None):
    final = prev_pooled is not None

    def body(h_ref, a_ref, b_ref, W1_ref, b1_ref, W2_ref, b2_ref,
             *rest):
        if final:
            p1_ref, p2_ref, o_ref, p_ref = rest
        else:
            o_ref, p_ref = rest
        i = pl.program_id(0)

        @pl.when(i == 0)
        def _():
            if final:
                p_ref[:, 0:D] = p1_ref[...]
                p_ref[:, D:2 * D] = p2_ref[...]
                p_ref[:, 2 * D:3 * D] = jnp.zeros((G, D), jnp.float32)
            else:
                p_ref[...] = jnp.zeros_like(p_ref)

        m = a_ref[0] + a_ref[1] + h_ref[...]
        z = jnp.maximum(
            jnp.dot(m, W1_ref[...], preferred_element_type=jnp.float32)
            + b1_ref[...], 0.0)
        o = jnp.maximum(
            jnp.dot(z, W2_ref[...], preferred_element_type=jnp.float32)
            + b2_ref[...], 0.0) * INV_BN
        o_ref[...] = o
        sel = (lax.broadcasted_iota(jnp.int32, (G, RB), 0)
               == b_ref[...].reshape(1, RB)).astype(jnp.float32)
        pool = jnp.dot(sel, o, preferred_element_type=jnp.float32)
        if final:
            p_ref[:, 2 * D:3 * D] += pool
        else:
            p_ref[...] += pool

    gd = pl.BlockSpec((G, D), lambda i: (0, 0))
    in_specs = [
        pl.BlockSpec((RB, D), lambda i: (i, 0)),
        pl.BlockSpec((2, RB, D), lambda i: (0, i, 0)),
        pl.BlockSpec((1, 1, RB), lambda i: (i, 0, 0)),
        pl.BlockSpec((D, D), lambda i: (0, 0)),
        pl.BlockSpec((1, D), lambda i: (0, 0)),
        pl.BlockSpec((D, D), lambda i: (0, 0)),
        pl.BlockSpec((1, D), lambda i: (0, 0)),
    ]
    args = [h, agg, batch3d, W1, b1, W2, b2]
    pw = 3 * D if final else D
    if final:
        in_specs += [gd, gd]
        args += list(prev_pooled)
    return pl.pallas_call(
        body,
        grid=(N_RB,),
        in_specs=in_specs,
        out_specs=[
            pl.BlockSpec((RB, D), lambda i: (i, 0)),
            pl.BlockSpec((G, pw), lambda i: (0, 0)),
        ],
        out_shape=[
            jax.ShapeDtypeStruct((N, D), jnp.float32),
            jax.ShapeDtypeStruct((G, pw), jnp.float32),
        ],
    )(*args)


def kernel(x, edge_index, batch, num_graphs, W1_0, b1_0, W2_0, b2_0,
           W1_1, b1_1, W2_1, b2_1, W1_2, b1_2, W2_2, b2_2):
    src2 = edge_index[0].reshape(NW, E_PER_TILE)
    dst1 = edge_index[1]
    batch3d = batch.reshape(N_RB, 1, RB)
    params = [(W1_0, b1_0, W2_0, b2_0), (W1_1, b1_1, W2_1, b2_1),
              (W1_2, b1_2, W2_2, b2_2)]
    h = x
    pooled = []
    for li, (W1, b1, W2, b2) in enumerate(params):
        agg = _sc_scatter(h, src2, dst1)
        prev = tuple(pooled) if li == 2 else None
        h, p = _tc_layer(h, agg, batch3d,
                         W1, b1.reshape(1, D), W2, b2.reshape(1, D),
                         prev_pooled=prev)
        pooled.append(p)
    return pooled[2]

# --- scband reference (transcript-rebuilt; emitter-appended) ---
"""Pipeline reference for scband-simclr-79637283602623 (READ-ONLY COPY).

The authoritative reference and input builder live on the scoring server;
editing this copy changes nothing except your own understanding.
"""

import jax, jax.numpy as jnp
import numpy as np

N_NODES = 10000
N_EDGES = 320000
D_FEAT = 128
HIDDEN_DIM = 128
NUM_LAYERS = 3
NUM_GRAPHS = 128


def setup_inputs(seed: int = 0) -> dict:
    key = jax.random.key(seed)
    ks = jax.random.split(key, 3 + 2 * NUM_LAYERS)
    inp = {}
    inp['x'] = jax.random.normal(ks[0], (N_NODES, D_FEAT), dtype=jnp.float32)
    inp['edge_index'] = jax.random.randint(ks[1], (2, N_EDGES), 0, N_NODES, dtype=jnp.int32)
    inp['batch'] = jnp.sort(jax.random.randint(ks[2], (N_NODES,), 0, NUM_GRAPHS, dtype=jnp.int32))
    inp['num_graphs'] = NUM_GRAPHS
    in_dim = D_FEAT
    for i in range(NUM_LAYERS):
        k1 = ks[3 + 2 * i]
        k2 = ks[4 + 2 * i]
        inp['W1_%d' % i] = jax.random.normal(k1, (in_dim, HIDDEN_DIM), dtype=jnp.float32) * (1.0 / np.sqrt(in_dim))
        inp['b1_%d' % i] = jnp.zeros((HIDDEN_DIM,), dtype=jnp.float32)
        inp['W2_%d' % i] = jax.random.normal(k2, (HIDDEN_DIM, HIDDEN_DIM), dtype=jnp.float32) * (1.0 / np.sqrt(HIDDEN_DIM))
        inp['b2_%d' % i] = jnp.zeros((HIDDEN_DIM,), dtype=jnp.float32)
        in_dim = HIDDEN_DIM
    return inp


def reference(x, edge_index, batch, num_graphs, W1_0, b1_0, W2_0, b2_0, W1_1, b1_1, W2_1, b2_1, W1_2, b1_2, W2_2, b2_2):
    # GIN-style Encoder (standard GraphCL/InfoGraph encoder) in eval mode:
    #   per layer: GINConv(eps=0): mlp((1+eps)*h + sum_{j in N(i)} h_j), then ReLU, then BatchNorm (eval, running stats 0/1, affine 1/0)
    #   global_add_pool per layer, concat -> y [num_graphs, hidden_dim * num_layers]
    # dropout is identity in eval; nmb_prototypes=0 -> prototypes is None -> return y only.
    src = edge_index[0]
    dst = edge_index[1]
    params = [(W1_0, b1_0, W2_0, b2_0), (W1_1, b1_1, W2_1, b2_1), (W1_2, b1_2, W2_2, b2_2)]
    h = x
    xs = []
    for (W1, b1, W2, b2) in params:
        agg = jax.ops.segment_sum(h[src], dst, num_segments=h.shape[0])
        m = agg + h  # (1 + eps) * h + aggregated neighbors, eps = 0
        m = jnp.maximum(jnp.dot(m, W1) + b1, 0.0)
        m = jnp.dot(m, W2) + b2
        h = jnp.maximum(m, 0.0)
        h = h / jnp.sqrt(1.0 + 1e-5)  # BatchNorm1d eval with running_mean=0, running_var=1, weight=1, bias=0
        xs.append(h)
    pooled = [jax.ops.segment_sum(t, batch, num_segments=NUM_GRAPHS) for t in xs]
    y = jnp.concatenate(pooled, axis=1)
    y = y + jnp.asarray(num_graphs - num_graphs).astype(y.dtype)
    return y

if __name__ == "__main__":
    import jax
    _d = setup_inputs()
    print(jax.jit(kernel)(*tuple(_d.values())))

</pallas_src>

<mosaic_0001>
#map = affine_map<(d0, d1) -> (0, 0)>
#map1 = affine_map<(d0, d1) -> (0)>
#map2 = affine_map<(d0, d1) -> (0, 0, 0)>
module attributes {stable_mosaic.version = 14 : i64} {
  func.func @k(%arg0: i32, %arg1: i32, %arg2: memref<10000x128xf32, #tpu.memory_space<hbm>>, %arg3: memref<32x10000xi32, #tpu.memory_space<hbm>>, %arg4: memref<320000xi32, #tpu.memory_space<hbm>>, %arg5: memref<2x10240x128xf32, #tpu.memory_space<hbm>>, %arg6: memref<10000xi32, #tpu.memory_space<vmem>>, %arg7: memref<128xi32, #tpu.memory_space<vmem>>, %arg8: memref<128xi32, #tpu.memory_space<vmem>>, %arg9: memref<16xi32, #tpu.memory_space<vmem>>, %arg10: memref<128x128xf32, #tpu.memory_space<vmem>>, %arg11: memref<128x128xf32, #tpu.memory_space<vmem>>, %arg12: memref<16x128xf32, #tpu.memory_space<vmem>>, %arg13: memref<10240x128xf32, #tpu.memory_space<vmem_shared>>, %arg14: memref<!tpu.dma_semaphore, #tpu.memory_space<semaphore_mem>>, %arg15: memref<!tpu.dma_semaphore, #tpu.memory_space<semaphore_mem>>, %arg16: memref<!tpu.dma_semaphore, #tpu.memory_space<semaphore_mem>>, %arg17: memref<!tpu.dma_semaphore, #tpu.memory_space<semaphore_mem>>, %arg18: memref<!tpu.dma_semaphore, #tpu.memory_space<semaphore_mem>>) attributes {dimension_semantics = [#tpu.dimension_semantics<core_parallel>, #tpu.dimension_semantics<subcore_parallel>], iteration_bounds = array<i64: 2, 16>, scalar_prefetch = 0 : i64, scratch_operands = 13 : i64, tpu.core_type = #tpu.core_type<sc_vector_subcore>, window_params = [{transform_indices = #map}, {transform_indices = #map}, {transform_indices = #map1}, {transform_indices = #map2}]} {
    %mul3A = arith.constant 2 : i32
    %mul3A_0 = arith.muli %arg1, %mul3A : i32
    %add3A = arith.addi %mul3A_0, %arg0 : i32
    %mul3A_1 = arith.constant 10000 : i32
    %mul3A_2 = arith.muli %add3A, %mul3A_1 : i32
    %dma_start3A = arith.constant 0 : i32
    %dma_start3A_3 = tpu.memref_slice %arg3[%add3A, %dma_start3A] : memref<32x10000xi32, #tpu.memory_space<hbm>> -> memref<1x10000xi32, #tpu.memory_space<hbm>>
    %dma_start3A_4 = tpu.memref_squeeze %dma_start3A_3 : memref<1x10000xi32, #tpu.memory_space<hbm>> -> memref<10000xi32, #tpu.memory_space<hbm>>
    %dma_start3A_5 = arith.constant 0 : i32
    %dma_start3A_6 = tpu.memref_slice %arg3[%add3A, %dma_start3A_5] : memref<32x10000xi32, #tpu.memory_space<hbm>> -> memref<1x10000xi32, #tpu.memory_space<hbm>>
    %dma_start3A_7 = tpu.memref_squeeze %dma_start3A_6 : memref<1x10000xi32, #tpu.memory_space<hbm>> -> memref<10000xi32, #tpu.memory_space<hbm>>
    tpu.enqueue_dma source(%dma_start3A_7 : memref<10000xi32, #tpu.memory_space<hbm>>) target(%arg6 : memref<10000xi32, #tpu.memory_space<vmem>>) target_semaphore(%arg16 : memref<!tpu.dma_semaphore, #tpu.memory_space<semaphore_mem>>)
    %broadcast_in_dim3A = arith.constant 0.000000e+00 : f32
    %broadcast_in_dim3A_8 = vector.broadcast %broadcast_in_dim3A : f32 to vector<16xf32>
    %scan3A = arith.constant 0 : i32
    %scan3A_9 = arith.constant 0 : i32
    %scan3A_10 = arith.constant 128 : i32
    %scan3A_11 = arith.addi %scan3A_9, %scan3A_10 : i32
    %scan3A_12 = arith.constant 1 : i32
    scf.for %scan3A_167 = %scan3A_9 to %scan3A_11 step %scan3A_12  : i32 {
      %swap3A = arith.index_cast %scan3A_167 : i32 to index
      %swap3A_168 = arith.constant 0 : index
      %swap3A_169 = tpu.vector_load %arg11[%swap3A, %swap3A_168] {strides = array<i32>} : memref<128x128xf32, #tpu.memory_space<vmem>>, vector<1x16xf32>,
      %swap3A_170 = vector.shape_cast %swap3A_169 : vector<1x16xf32> to vector<16xf32>
      %swap3A_171 = vector.shape_cast %broadcast_in_dim3A_8 : vector<16xf32> to vector<1x16xf32>
      tpu.vector_store %arg11[%swap3A, %swap3A_168], %swap3A_171 {strides = array<i32>} : memref<128x128xf32, #tpu.memory_space<vmem>>, vector<1x16xf32>,
      %swap3A_172 = arith.index_cast %scan3A_167 : i32 to index
      %swap3A_173 = arith.constant 16 : index
      %swap3A_174 = tpu.vector_load %arg11[%swap3A_172, %swap3A_173] {strides = array<i32>} : memref<128x128xf32, #tpu.memory_space<vmem>>, vector<1x16xf32>,
      %swap3A_175 = vector.shape_cast %swap3A_174 : vector<1x16xf32> to vector<16xf32>
      %swap3A_176 = vector.shape_cast %broadcast_in_dim3A_8 : vector<16xf32> to vector<1x16xf32>
      tpu.vector_store %arg11[%swap3A_172, %swap3A_173], %swap3A_176 {strides = array<i32>} : memref<128x128xf32, #tpu.memory_space<vmem>>, vector<1x16xf32>,
      %swap3A_177 = arith.index_cast %scan3A_167 : i32 to index
      %swap3A_178 = arith.constant 32 : index
      %swap3A_179 = tpu.vector_load %arg11[%swap3A_177, %swap3A_178] {strides = array<i32>} : memref<128x128xf32, #tpu.memory_space<vmem>>, vector<1x16xf32>,
      %swap3A_180 = vector.shape_cast %swap3A_179 : vector<1x16xf32> to vector<16xf32>
      %swap3A_181 = vector.shape_cast %broadcast_in_dim3A_8 : vector<16xf32> to vector<1x16xf32>
      tpu.vector_store %arg11[%swap3A_177, %swap3A_178], %swap3A_181 {strides = array<i32>} : memref<128x128xf32, #tpu.memory_space<vmem>>, vector<1x16xf32>,
      %swap3A_182 = arith.index_cast %scan3A_167 : i32 to index
      %swap3A_183 = arith.constant 48 : index
      %swap3A_184 = tpu.vector_load %arg11[%swap3A_182, %swap3A_183] {strides = array<i32>} : memref<128x128xf32, #tpu.memory_space<vmem>>, vector<1x16xf32>,
      %swap3A_185 = vector.shape_cast %swap3A_184 : vector<1x16xf32> to vector<16xf32>
      %swap3A_186 = vector.shape_cast %broadcast_in_dim3A_8 : vector<16xf32> to vector<1x16xf32>
      tpu.vector_store %arg11[%swap3A_182, %swap3A_183], %swap3A_186 {strides = array<i32>} : memref<128x128xf32, #tpu.memory_space<vmem>>, vector<1x16xf32>,
      %swap3A_187 = arith.index_cast %scan3A_167 : i32 to index
      %swap3A_188 = arith.constant 64 : index
      %swap3A_189 = tpu.vector_load %arg11[%swap3A_187, %swap3A_188] {strides = array<i32>} : memref<128x128xf32, #tpu.memory_space<vmem>>, vector<1x16xf32>,
      %swap3A_190 = vector.shape_cast %swap3A_189 : vector<1x16xf32> to vector<16xf32>
      %swap3A_191 = vector.shape_cast %broadcast_in_dim3A_8 : vector<16xf32> to vector<1x16xf32>
      tpu.vector_store %arg11[%swap3A_187, %swap3A_188], %swap3A_191 {strides = array<i32>} : memref<128x128xf32, #tpu.memory_space<vmem>>, vector<1x16xf32>,
      %swap3A_192 = arith.index_cast %scan3A_167 : i32 to index
      %swap3A_193 = arith.constant 80 : index
      %swap3A_194 = tpu.vector_load %arg11[%swap3A_192, %swap3A_193] {strides = array<i32>} : memref<128x128xf32, #tpu.memory_space<vmem>>, vector<1x16xf32>,
      %swap3A_195 = vector.shape_cast %swap3A_194 : vector<1x16xf32> to vector<16xf32>
      %swap3A_196 = vector.shape_cast %broadcast_in_dim3A_8 : vector<16xf32> to vector<1x16xf32>
      tpu.vector_store %arg11[%swap3A_192, %swap3A_193], %swap3A_196 {strides = array<i32>} : memref<128x128xf32, #tpu.memory_space<vmem>>, vector<1x16xf32>,
      %swap3A_197 = arith.index_cast %scan3A_167 : i32 to index
      %swap3A_198 = arith.constant 96 : index
      %swap3A_199 = tpu.vector_load %arg11[%swap3A_197, %swap3A_198] {strides = array<i32>} : memref<128x128xf32, #tpu.memory_space<vmem>>, vector<1x16xf32>,
      %swap3A_200 = vector.shape_cast %swap3A_199 : vector<1x16xf32> to vector<16xf32>
      %swap3A_201 = vector.shape_cast %broadcast_in_dim3A_8 : vector<16xf32> to vector<1x16xf32>
      tpu.vector_store %arg11[%swap3A_197, %swap3A_198], %swap3A_201 {strides = array<i32>} : memref<128x128xf32, #tpu.memory_space<vmem>>, vector<1x16xf32>,
      %swap3A_202 = arith.index_cast %scan3A_167 : i32 to index
      %swap3A_203 = arith.constant 112 : index
      %swap3A_204 = tpu.vector_load %arg11[%swap3A_202, %swap3A_203] {strides = array<i32>} : memref<128x128xf32, #tpu.memory_space<vmem>>, vector<1x16xf32>,
      %swap3A_205 = vector.shape_cast %swap3A_204 : vector<1x16xf32> to vector<16xf32>
      %swap3A_206 = vector.shape_cast %broadcast_in_dim3A_8 : vector<16xf32> to vector<1x16xf32>
      tpu.vector_store %arg11[%swap3A_202, %swap3A_203], %swap3A_206 {strides = array<i32>} : memref<128x128xf32, #tpu.memory_space<vmem>>, vector<1x16xf32>,
    }
    %scan3A_13 = arith.constant 128 : i32
    %dma_wait3A = arith.constant 0 : i32
    %dma_wait3A_14 = tpu.memref_slice %arg3[%add3A, %dma_wait3A] : memref<32x10000xi32, #tpu.memory_space<hbm>> -> memref<1x10000xi32, #tpu.memory_space<hbm>>
    %dma_wait3A_15 = tpu.memref_squeeze %dma_wait3A_14 : memref<1x10000xi32, #tpu.memory_space<hbm>> -> memref<10000xi32, #tpu.memory_space<hbm>>
    %dma_wait3A_16 = arith.constant 0 : i32
    %dma_wait3A_17 = tpu.memref_slice %arg3[%add3A, %dma_wait3A_16] : memref<32x10000xi32, #tpu.memory_space<hbm>> -> memref<1x10000xi32, #tpu.memory_space<hbm>>
    %dma_wait3A_18 = tpu.memref_squeeze %dma_wait3A_17 : memref<1x10000xi32, #tpu.memory_space<hbm>> -> memref<10000xi32, #tpu.memory_space<hbm>>
    tpu.wait_dma2 semaphore(%arg16 : memref<!tpu.dma_semaphore, #tpu.memory_space<semaphore_mem>>) src(%dma_wait3A_18 : memref<10000xi32, #tpu.memory_space<hbm>>) dst(%arg6 : memref<10000xi32, #tpu.memory_space<vmem>>)
    %multiple_of3A = arith.constant 0 : i32
    %multiple_of3A_19 = tpu.assume_multiple %multiple_of3A, 8 : i32
    %add3A_20 = arith.addi %mul3A_2, %multiple_of3A_19 : i32
    %dma_start3A_21 = tpu.memref_slice %arg4[%add3A_20] : memref<320000xi32, #tpu.memory_space<hbm>> -> memref<128xi32, #tpu.memory_space<hbm>>
    %dma_start3A_22 = tpu.memref_slice %arg4[%add3A_20] : memref<320000xi32, #tpu.memory_space<hbm>> -> memref<128xi32, #tpu.memory_space<hbm>>
    tpu.enqueue_dma source(%dma_start3A_22 : memref<128xi32, #tpu.memory_space<hbm>>) target(%arg7 : memref<128xi32, #tpu.memory_space<vmem>>) target_semaphore(%arg16 : memref<!tpu.dma_semaphore, #tpu.memory_space<semaphore_mem>>)
    %dma_start3A_23 = tpu.memref_slice %arg6[%multiple_of3A_19] : memref<10000xi32, #tpu.memory_space<vmem>> -> memref<128xi32, #tpu.memory_space<vmem>>
    %dma_start3A_24 = arith.constant 0 : i32
    %dma_start3A_25 = arith.constant 0 : i32
    %dma_start3A_26 = tpu.memref_slice %arg2[%dma_start3A_24, %dma_start3A_25] : memref<10000x128xf32, #tpu.memory_space<hbm>> -> memref<10000x128xf32, #tpu.memory_space<hbm>>
    tpu.enqueue_indirect_dma source(%dma_start3A_26 : memref<10000x128xf32, #tpu.memory_space<hbm>>) target(%arg10 : memref<128x128xf32, #tpu.memory_space<vmem>>) offsets(%dma_start3A_23 : memref<128xi32, #tpu.memory_space<vmem>>) semaphore(%arg14 : memref<!tpu.dma_semaphore, #tpu.memory_space<semaphore_mem>>)
    %mul3A_27 = arith.constant 640 : i32
    %mul3A_28 = arith.muli %arg1, %mul3A_27 : i32
    %add3A_29 = arith.constant 0 : i32
    %add3A_30 = arith.addi %mul3A_28, %add3A_29 : i32
    %add3A_31 = arith.constant 128 : i32
    %add3A_32 = arith.addi %mul3A_28, %add3A_31 : i32
    %add3A_33 = arith.constant 256 : i32
    %add3A_34 = arith.addi %mul3A_28, %add3A_33 : i32
    %add3A_35 = arith.constant 384 : i32
    %add3A_36 = arith.addi %mul3A_28, %add3A_35 : i32
    %add3A_37 = arith.constant 512 : i32
    %add3A_38 = arith.addi %mul3A_28, %add3A_37 : i32
    %dma_start3A_39 = arith.constant 0 : i32
    %dma_start3A_40 = tpu.memref_slice %arg13[%add3A_30, %dma_start3A_39] : memref<10240x128xf32, #tpu.memory_space<vmem_shared>> -> memref<128x128xf32, #tpu.memory_space<vmem_shared>>
    %dma_start3A_41 = arith.constant 0 : i32
    %dma_start3A_42 = tpu.memref_slice %arg13[%add3A_30, %dma_start3A_41] : memref<10240x128xf32, #tpu.memory_space<vmem_shared>> -> memref<128x128xf32, #tpu.memory_space<vmem_shared>>
    tpu.enqueue_dma source(%arg11 : memref<128x128xf32, #tpu.memory_space<vmem>>) target(%dma_start3A_42 : memref<128x128xf32, #tpu.memory_space<vmem_shared>>) target_semaphore(%arg17 : memref<!tpu.dma_semaphore, #tpu.memory_space<semaphore_mem>>)
    %dma_start3A_43 = arith.constant 0 : i32
    %dma_start3A_44 = tpu.memref_slice %arg13[%add3A_32, %dma_start3A_43] : memref<10240x128xf32, #tpu.memory_space<vmem_shared>> -> memref<128x128xf32, #tpu.memory_space<vmem_shared>>
    %dma_start3A_45 = arith.constant 0 : i32
    %dma_start3A_46 = tpu.memref_slice %arg13[%add3A_32, %dma_start3A_45] : memref<10240x128xf32, #tpu.memory_space<vmem_shared>> -> memref<128x128xf32, #tpu.memory_space<vmem_shared>>
    tpu.enqueue_dma source(%arg11 : memref<128x128xf32, #tpu.memory_space<vmem>>) target(%dma_start3A_46 : memref<128x128xf32, #tpu.memory_space<vmem_shared>>) target_semaphore(%arg17 : memref<!tpu.dma_semaphore, #tpu.memory_space<semaphore_mem>>)
    %dma_start3A_47 = arith.constant 0 : i32
    %dma_start3A_48 = tpu.memref_slice %arg13[%add3A_34, %dma_start3A_47] : memref<10240x128xf32, #tpu.memory_space<vmem_shared>> -> memref<128x128xf32, #tpu.memory_space<vmem_shared>>
    %dma_start3A_49 = arith.constant 0 : i32
    %dma_start3A_50 = tpu.memref_slice %arg13[%add3A_34, %dma_start3A_49] : memref<10240x128xf32, #tpu.memory_space<vmem_shared>> -> memref<128x128xf32, #tpu.memory_space<vmem_shared>>
    tpu.enqueue_dma source(%arg11 : memref<128x128xf32, #tpu.memory_space<vmem>>) target(%dma_start3A_50 : memref<128x128xf32, #tpu.memory_space<vmem_shared>>) target_semaphore(%arg17 : memref<!tpu.dma_semaphore, #tpu.memory_space<semaphore_mem>>)
    %dma_start3A_51 = arith.constant 0 : i32
    %dma_start3A_52 = tpu.memref_slice %arg13[%add3A_36, %dma_start3A_51] : memref<10240x128xf32, #tpu.memory_space<vmem_shared>> -> memref<128x128xf32, #tpu.memory_space<vmem_shared>>
    %dma_start3A_53 = arith.constant 0 : i32
    %dma_start3A_54 = tpu.memref_slice %arg13[%add3A_36, %dma_start3A_53] : memref<10240x128xf32, #tpu.memory_space<vmem_shared>> -> memref<128x128xf32, #tpu.memory_space<vmem_shared>>
    tpu.enqueue_dma source(%arg11 : memref<128x128xf32, #tpu.memory_space<vmem>>) target(%dma_start3A_54 : memref<128x128xf32, #tpu.memory_space<vmem_shared>>) target_semaphore(%arg17 : memref<!tpu.dma_semaphore, #tpu.memory_space<semaphore_mem>>)
    %dma_start3A_55 = arith.constant 0 : i32
    %dma_start3A_56 = tpu.memref_slice %arg13[%add3A_38, %dma_start3A_55] : memref<10240x128xf32, #tpu.memory_space<vmem_shared>> -> memref<128x128xf32, #tpu.memory_space<vmem_shared>>
    %dma_start3A_57 = arith.constant 0 : i32
    %dma_start3A_58 = tpu.memref_slice %arg13[%add3A_38, %dma_start3A_57] : memref<10240x128xf32, #tpu.memory_space<vmem_shared>> -> memref<128x128xf32, #tpu.memory_space<vmem_shared>>
    tpu.enqueue_dma source(%arg11 : memref<128x128xf32, #tpu.memory_space<vmem>>) target(%dma_start3A_58 : memref<128x128xf32, #tpu.memory_space<vmem_shared>>) target_semaphore(%arg17 : memref<!tpu.dma_semaphore, #tpu.memory_space<semaphore_mem>>)
    %dma_wait3A_59 = arith.constant 0 : i32
    %dma_wait3A_60 = tpu.memref_slice %arg13[%add3A_30, %dma_wait3A_59] : memref<10240x128xf32, #tpu.memory_space<vmem_shared>> -> memref<128x128xf32, #tpu.memory_space<vmem_shared>>
    %dma_wait3A_61 = arith.constant 0 : i32
    %dma_wait3A_62 = tpu.memref_slice %arg13[%add3A_30, %dma_wait3A_61] : memref<10240x128xf32, #tpu.memory_space<vmem_shared>> -> memref<128x128xf32, #tpu.memory_space<vmem_shared>>
    tpu.wait_dma2 semaphore(%arg17 : memref<!tpu.dma_semaphore, #tpu.memory_space<semaphore_mem>>) src(%arg11 : memref<128x128xf32, #tpu.memory_space<vmem>>) dst(%dma_wait3A_62 : memref<128x128xf32, #tpu.memory_space<vmem_shared>>)
    %dma_wait3A_63 = arith.constant 0 : i32
    %dma_wait3A_64 = tpu.memref_slice %arg13[%add3A_32, %dma_wait3A_63] : memref<10240x128xf32, #tpu.memory_space<vmem_shared>> -> memref<128x128xf32, #tpu.memory_space<vmem_shared>>
    %dma_wait3A_65 = arith.constant 0 : i32
    %dma_wait3A_66 = tpu.memref_slice %arg13[%add3A_32, %dma_wait3A_65] : memref<10240x128xf32, #tpu.memory_space<vmem_shared>> -> memref<128x128xf32, #tpu.memory_space<vmem_shared>>
    tpu.wait_dma2 semaphore(%arg17 : memref<!tpu.dma_semaphore, #tpu.memory_space<semaphore_mem>>) src(%arg11 : memref<128x128xf32, #tpu.memory_space<vmem>>) dst(%dma_wait3A_66 : memref<128x128xf32, #tpu.memory_space<vmem_shared>>)
    %dma_wait3A_67 = arith.constant 0 : i32
    %dma_wait3A_68 = tpu.memref_slice %arg13[%add3A_34, %dma_wait3A_67] : memref<10240x128xf32, #tpu.memory_space<vmem_shared>> -> memref<128x128xf32, #tpu.memory_space<vmem_shared>>
    %dma_wait3A_69 = arith.constant 0 : i32
    %dma_wait3A_70 = tpu.memref_slice %arg13[%add3A_34, %dma_wait3A_69] : memref<10240x128xf32, #tpu.memory_space<vmem_shared>> -> memref<128x128xf32, #tpu.memory_space<vmem_shared>>
    tpu.wait_dma2 semaphore(%arg17 : memref<!tpu.dma_semaphore, #tpu.memory_space<semaphore_mem>>) src(%arg11 : memref<128x128xf32, #tpu.memory_space<vmem>>) dst(%dma_wait3A_70 : memref<128x128xf32, #tpu.memory_space<vmem_shared>>)
    %dma_wait3A_71 = arith.constant 0 : i32
    %dma_wait3A_72 = tpu.memref_slice %arg13[%add3A_36, %dma_wait3A_71] : memref<10240x128xf32, #tpu.memory_space<vmem_shared>> -> memref<128x128xf32, #tpu.memory_space<vmem_shared>>
    %dma_wait3A_73 = arith.constant 0 : i32
    %dma_wait3A_74 = tpu.memref_slice %arg13[%add3A_36, %dma_wait3A_73] : memref<10240x128xf32, #tpu.memory_space<vmem_shared>> -> memref<128x128xf32, #tpu.memory_space<vmem_shared>>
    tpu.wait_dma2 semaphore(%arg17 : memref<!tpu.dma_semaphore, #tpu.memory_space<semaphore_mem>>) src(%arg11 : memref<128x128xf32, #tpu.memory_space<vmem>>) dst(%dma_wait3A_74 : memref<128x128xf32, #tpu.memory_space<vmem_shared>>)
    %dma_wait3A_75 = arith.constant 0 : i32
    %dma_wait3A_76 = tpu.memref_slice %arg13[%add3A_38, %dma_wait3A_75] : memref<10240x128xf32, #tpu.memory_space<vmem_shared>> -> memref<128x128xf32, #tpu.memory_space<vmem_shared>>
    %dma_wait3A_77 = arith.constant 0 : i32
    %dma_wait3A_78 = tpu.memref_slice %arg13[%add3A_38, %dma_wait3A_77] : memref<10240x128xf32, #tpu.memory_space<vmem_shared>> -> memref<128x128xf32, #tpu.memory_space<vmem_shared>>
    tpu.wait_dma2 semaphore(%arg17 : memref<!tpu.dma_semaphore, #tpu.memory_space<semaphore_mem>>) src(%arg11 : memref<128x128xf32, #tpu.memory_space<vmem>>) dst(%dma_wait3A_78 : memref<128x128xf32, #tpu.memory_space<vmem_shared>>)
    %multiple_of3A_79 = arith.constant 128 : i32
    %multiple_of3A_80 = tpu.assume_multiple %multiple_of3A_79, 8 : i32
    %add3A_81 = arith.addi %mul3A_2, %multiple_of3A_80 : i32
    %dma_start3A_82 = tpu.memref_slice %arg4[%add3A_81] : memref<320000xi32, #tpu.memory_space<hbm>> -> memref<128xi32, #tpu.memory_space<hbm>>
    %dma_start3A_83 = tpu.memref_slice %arg4[%add3A_81] : memref<320000xi32, #tpu.memory_space<hbm>> -> memref<128xi32, #tpu.memory_space<hbm>>
    tpu.enqueue_dma source(%dma_start3A_83 : memref<128xi32, #tpu.memory_space<hbm>>) target(%arg8 : memref<128xi32, #tpu.memory_space<vmem>>) target_semaphore(%arg17 : memref<!tpu.dma_semaphore, #tpu.memory_space<semaphore_mem>>)
    %dma_start3A_84 = tpu.memref_slice %arg6[%multiple_of3A_80] : memref<10000xi32, #tpu.memory_space<vmem>> -> memref<128xi32, #tpu.memory_space<vmem>>
    %dma_start3A_85 = arith.constant 0 : i32
    %dma_start3A_86 = arith.constant 0 : i32
    %dma_start3A_87 = tpu.memref_slice %arg2[%dma_start3A_85, %dma_start3A_86] : memref<10000x128xf32, #tpu.memory_space<hbm>> -> memref<10000x128xf32, #tpu.memory_space<hbm>>
    tpu.enqueue_indirect_dma source(%dma_start3A_87 : memref<10000x128xf32, #tpu.memory_space<hbm>>) target(%arg11 : memref<128x128xf32, #tpu.memory_space<vmem>>) offsets(%dma_start3A_84 : memref<128xi32, #tpu.memory_space<vmem>>) semaphore(%arg15 : memref<!tpu.dma_semaphore, #tpu.memory_space<semaphore_mem>>)
    %add3A_88 = arith.constant 9984 : i32
    %add3A_89 = arith.addi %mul3A_2, %add3A_88 : i32
    %dma_start3A_90 = tpu.memref_slice %arg4[%add3A_89] : memref<320000xi32, #tpu.memory_space<hbm>> -> memref<16xi32, #tpu.memory_space<hbm>>
    %dma_start3A_91 = tpu.memref_slice %arg4[%add3A_89] : memref<320000xi32, #tpu.memory_space<hbm>> -> memref<16xi32, #tpu.memory_space<hbm>>
    tpu.enqueue_dma source(%dma_start3A_91 : memref<16xi32, #tpu.memory_space<hbm>>) target(%arg9 : memref<16xi32, #tpu.memory_space<vmem>>) target_semaphore(%arg18 : memref<!tpu.dma_semaphore, #tpu.memory_space<semaphore_mem>>)
    %dma_start3A_92 = arith.constant 9984 : i32
    %dma_start3A_93 = tpu.memref_slice %arg6[%dma_start3A_92] : memref<10000xi32, #tpu.memory_space<vmem>> -> memref<16xi32, #tpu.memory_space<vmem>>
    %dma_start3A_94 = arith.constant 0 : i32
    %dma_start3A_95 = arith.constant 0 : i32
    %dma_start3A_96 = tpu.memref_slice %arg2[%dma_start3A_94, %dma_start3A_95] : memref<10000x128xf32, #tpu.memory_space<hbm>> -> memref<10000x128xf32, #tpu.memory_space<hbm>>
    tpu.enqueue_indirect_dma source(%dma_start3A_96 : memref<10000x128xf32, #tpu.memory_space<hbm>>) target(%arg12 : memref<16x128xf32, #tpu.memory_space<vmem>>) offsets(%dma_start3A_93 : memref<16xi32, #tpu.memory_space<vmem>>) semaphore(%arg18 : memref<!tpu.dma_semaphore, #tpu.memory_space<semaphore_mem>>)
    %barrier3A = arith.constant 0 : index
    tpu.barrier barrier_id(%barrier3A)
    %scan3A_97 = arith.constant 0 : i32
    %scan3A_98 = arith.constant 0 : i32
    %scan3A_99 = arith.constant 37 : i32
    %scan3A_100 = arith.addi %scan3A_98, %scan3A_99 : i32
    %scan3A_101 = arith.constant 1 : i32
    scf.for %scan3A_167 = %scan3A_98 to %scan3A_100 step %scan3A_101  : i32 {
      %dma_wait3A_168 = arith.constant 0 : i32
      %dma_wait3A_169 = tpu.memref_slice %arg4[%dma_wait3A_168] : memref<320000xi32, #tpu.memory_space<hbm>> -> memref<128xi32, #tpu.memory_space<hbm>>
      %dma_wait3A_170 = arith.constant 0 : i32
      %dma_wait3A_171 = tpu.memref_slice %arg4[%dma_wait3A_170] : memref<320000xi32, #tpu.memory_space<hbm>> -> memref<128xi32, #tpu.memory_space<hbm>>
      tpu.wait_dma2 semaphore(%arg16 : memref<!tpu.dma_semaphore, #tpu.memory_space<semaphore_mem>>) src(%dma_wait3A_171 : memref<128xi32, #tpu.memory_space<hbm>>) dst(%arg7 : memref<128xi32, #tpu.memory_space<vmem>>)
      %dma_wait3A_172 = arith.constant 0 : i32
      %dma_wait3A_173 = tpu.memref_slice %arg6[%dma_wait3A_172] : memref<10000xi32, #tpu.memory_space<vmem>> -> memref<128xi32, #tpu.memory_space<vmem>>
      %dma_wait3A_174 = arith.constant 0 : i32
      %dma_wait3A_175 = arith.constant 0 : i32
      %dma_wait3A_176 = tpu.memref_slice %arg2[%dma_wait3A_174, %dma_wait3A_175] : memref<10000x128xf32, #tpu.memory_space<hbm>> -> memref<10000x128xf32, #tpu.memory_space<hbm>>
      tpu.wait_indirect_dma semaphore(%arg14 : memref<!tpu.dma_semaphore, #tpu.memory_space<semaphore_mem>>) src(%dma_wait3A_176 : memref<10000x128xf32, #tpu.memory_space<hbm>>) dst(%arg10 : memref<128x128xf32, #tpu.memory_space<vmem>>)
      "tpu.region"() ({
        %run_scoped3A = tpu.sem_alloc : memref<!tpu.dma_semaphore, #tpu.memory_space<semaphore_mem>>
        %dma_start3A_214 = arith.constant 0 : i32
        %dma_start3A_215 = arith.constant 0 : i32
        %dma_start3A_216 = tpu.memref_slice %arg13[%dma_start3A_214, %dma_start3A_215] : memref<10240x128xf32, #tpu.memory_space<vmem_shared>> -> memref<10240x128xf32, #tpu.memory_space<vmem_shared>>
        tpu.enqueue_indirect_dma source(%arg10 : memref<128x128xf32, #tpu.memory_space<vmem>>) target(%dma_start3A_216 : memref<10240x128xf32, #tpu.memory_space<vmem_shared>>) offsets(%arg7 : memref<128xi32, #tpu.memory_space<vmem>>) semaphore(%run_scoped3A : memref<!tpu.dma_semaphore, #tpu.memory_space<semaphore_mem>>) {add = true}
        %dma_wait3A_217 = arith.constant 0 : i32
        %dma_wait3A_218 = arith.constant 0 : i32
        %dma_wait3A_219 = tpu.memref_slice %arg13[%dma_wait3A_217, %dma_wait3A_218] : memref<10240x128xf32, #tpu.memory_space<vmem_shared>> -> memref<10240x128xf32, #tpu.memory_space<vmem_shared>>
        tpu.wait_indirect_dma semaphore(%run_scoped3A : memref<!tpu.dma_semaphore, #tpu.memory_space<semaphore_mem>>) src(%arg10 : memref<128x128xf32, #tpu.memory_space<vmem>>) dst(%dma_wait3A_219 : memref<10240x128xf32, #tpu.memory_space<vmem_shared>>)
        tpu.yield
      }) : () -> ()
      %mul3A_177 = arith.constant 2 : i32
      %mul3A_178 = arith.muli %mul3A_177, %scan3A_167 : i32
      %add3A_179 = arith.constant 2 : i32
      %add3A_180 = arith.addi %mul3A_178, %add3A_179 : i32
      %mul3A_181 = arith.constant 128 : i32
      %mul3A_182 = arith.muli %add3A_180, %mul3A_181 : i32
      %multiple_of3A_183 = tpu.assume_multiple %mul3A_182, 8 : i32
      %add3A_184 = arith.addi %mul3A_2, %multiple_of3A_183 : i32
      %dma_start3A_185 = tpu.memref_slice %arg4[%add3A_184] : memref<320000xi32, #tpu.memory_space<hbm>> -> memref<128xi32, #tpu.memory_space<hbm>>
      %dma_start3A_186 = tpu.memref_slice %arg4[%add3A_184] : memref<320000xi32, #tpu.memory_space<hbm>> -> memref<128xi32, #tpu.memory_space<hbm>>
      tpu.enqueue_dma source(%dma_start3A_186 : memref<128xi32, #tpu.memory_space<hbm>>) target(%arg7 : memref<128xi32, #tpu.memory_space<vmem>>) target_semaphore(%arg16 : memref<!tpu.dma_semaphore, #tpu.memory_space<semaphore_mem>>)
      %dma_start3A_187 = tpu.memref_slice %arg6[%multiple_of3A_183] : memref<10000xi32, #tpu.memory_space<vmem>> -> memref<128xi32, #tpu.memory_space<vmem>>
      %dma_start3A_188 = arith.constant 0 : i32
      %dma_start3A_189 = arith.constant 0 : i32
      %dma_start3A_190 = tpu.memref_slice %arg2[%dma_start3A_188, %dma_start3A_189] : memref<10000x128xf32, #tpu.memory_space<hbm>> -> memref<10000x128xf32, #tpu.memory_space<hbm>>
      tpu.enqueue_indirect_dma source(%dma_start3A_190 : memref<10000x128xf32, #tpu.memory_space<hbm>>) target(%arg10 : memref<128x128xf32, #tpu.memory_space<vmem>>) offsets(%dma_start3A_187 : memref<128xi32, #tpu.memory_space<vmem>>) semaphore(%arg14 : memref<!tpu.dma_semaphore, #tpu.memory_space<semaphore_mem>>)
      %dma_wait3A_191 = arith.constant 0 : i32
      %dma_wait3A_192 = tpu.memref_slice %arg4[%dma_wait3A_191] : memref<320000xi32, #tpu.memory_space<hbm>> -> memref<128xi32, #tpu.memory_space<hbm>>
      %dma_wait3A_193 = arith.constant 0 : i32
      %dma_wait3A_194 = tpu.memref_slice %arg4[%dma_wait3A_193] : memref<320000xi32, #tpu.memory_space<hbm>> -> memref<128xi32, #tpu.memory_space<hbm>>
      tpu.wait_dma2 semaphore(%arg17 : memref<!tpu.dma_semaphore, #tpu.memory_space<semaphore_mem>>) src(%dma_wait3A_194 : memref<128xi32, #tpu.memory_space<hbm>>) dst(%arg8 : memref<128xi32, #tpu.memory_space<vmem>>)
      %dma_wait3A_195 = arith.constant 0 : i32
      %dma_wait3A_196 = tpu.memref_slice %arg6[%dma_wait3A_195] : memref<10000xi32, #tpu.memory_space<vmem>> -> memref<128xi32, #tpu.memory_space<vmem>>
      %dma_wait3A_197 = arith.constant 0 : i32
      %dma_wait3A_198 = arith.constant 0 : i32
      %dma_wait3A_199 = tpu.memref_slice %arg2[%dma_wait3A_197, %dma_wait3A_198] : memref<10000x128xf32, #tpu.memory_space<hbm>> -> memref<10000x128xf32, #tpu.memory_space<hbm>>
      tpu.wait_indirect_dma semaphore(%arg15 : memref<!tpu.dma_semaphore, #tpu.memory_space<semaphore_mem>>) src(%dma_wait3A_199 : memref<10000x128xf32, #tpu.memory_space<hbm>>) dst(%arg11 : memref<128x128xf32, #tpu.memory_space<vmem>>)
      "tpu.region"() ({
        %run_scoped3A = tpu.sem_alloc : memref<!tpu.dma_semaphore, #tpu.memory_space<semaphore_mem>>
        %dma_start3A_214 = arith.constant 0 : i32
        %dma_start3A_215 = arith.constant 0 : i32
        %dma_start3A_216 = tpu.memref_slice %arg13[%dma_start3A_214, %dma_start3A_215] : memref<10240x128xf32, #tpu.memory_space<vmem_shared>> -> memref<10240x128xf32, #tpu.memory_space<vmem_shared>>
        tpu.enqueue_indirect_dma source(%arg11 : memref<128x128xf32, #tpu.memory_space<vmem>>) target(%dma_start3A_216 : memref<10240x128xf32, #tpu.memory_space<vmem_shared>>) offsets(%arg8 : memref<128xi32, #tpu.memory_space<vmem>>) semaphore(%run_scoped3A : memref<!tpu.dma_semaphore, #tpu.memory_space<semaphore_mem>>) {add = true}
        %dma_wait3A_217 = arith.constant 0 : i32
        %dma_wait3A_218 = arith.constant 0 : i32
        %dma_wait3A_219 = tpu.memref_slice %arg13[%dma_wait3A_217, %dma_wait3A_218] : memref<10240x128xf32, #tpu.memory_space<vmem_shared>> -> memref<10240x128xf32, #tpu.memory_space<vmem_shared>>
        tpu.wait_indirect_dma semaphore(%run_scoped3A : memref<!tpu.dma_semaphore, #tpu.memory_space<semaphore_mem>>) src(%arg11 : memref<128x128xf32, #tpu.memory_space<vmem>>) dst(%dma_wait3A_219 : memref<10240x128xf32, #tpu.memory_space<vmem_shared>>)
        tpu.yield
      }) : () -> ()
      %mul3A_200 = arith.constant 2 : i32
      %mul3A_201 = arith.muli %mul3A_200, %scan3A_167 : i32
      %add3A_202 = arith.constant 3 : i32
      %add3A_203 = arith.addi %mul3A_201, %add3A_202 : i32
      %mul3A_204 = arith.constant 128 : i32
      %mul3A_205 = arith.muli %add3A_203, %mul3A_204 : i32
      %multiple_of3A_206 = tpu.assume_multiple %mul3A_205, 8 : i32
      %add3A_207 = arith.addi %mul3A_2, %multiple_of3A_206 : i32
      %dma_start3A_208 = tpu.memref_slice %arg4[%add3A_207] : memref<320000xi32, #tpu.memory_space<hbm>> -> memref<128xi32, #tpu.memory_space<hbm>>
      %dma_start3A_209 = tpu.memref_slice %arg4[%add3A_207] : memref<320000xi32, #tpu.memory_space<hbm>> -> memref<128xi32, #tpu.memory_space<hbm>>
      tpu.enqueue_dma source(%dma_start3A_209 : memref<128xi32, #tpu.memory_space<hbm>>) target(%arg8 : memref<128xi32, #tpu.memory_space<vmem>>) target_semaphore(%arg17 : memref<!tpu.dma_semaphore, #tpu.memory_space<semaphore_mem>>)
      %dma_start3A_210 = tpu.memref_slice %arg6[%multiple_of3A_206] : memref<10000xi32, #tpu.memory_space<vmem>> -> memref<128xi32, #tpu.memory_space<vmem>>
      %dma_start3A_211 = arith.constant 0 : i32
      %dma_start3A_212 = arith.constant 0 : i32
      %dma_start3A_213 = tpu.memref_slice %arg2[%dma_start3A_211, %dma_start3A_212] : memref<10000x128xf32, #tpu.memory_space<hbm>> -> memref<10000x128xf32, #tpu.memory_space<hbm>>
      tpu.enqueue_indirect_dma source(%dma_start3A_213 : memref<10000x128xf32, #tpu.memory_space<hbm>>) target(%arg11 : memref<128x128xf32, #tpu.memory_space<vmem>>) offsets(%dma_start3A_210 : memref<128xi32, #tpu.memory_space<vmem>>) semaphore(%arg15 : memref<!tpu.dma_semaphore, #tpu.memory_space<semaphore_mem>>)
    }
    %scan3A_102 = arith.constant 37 : i32
    %dma_wait3A_103 = arith.constant 0 : i32
    %dma_wait3A_104 = tpu.memref_slice %arg4[%dma_wait3A_103] : memref<320000xi32, #tpu.memory_space<hbm>> -> memref<128xi32, #tpu.memory_space<hbm>>
    %dma_wait3A_105 = arith.constant 0 : i32
    %dma_wait3A_106 = tpu.memref_slice %arg4[%dma_wait3A_105] : memref<320000xi32, #tpu.memory_space<hbm>> -> memref<128xi32, #tpu.memory_space<hbm>>
    tpu.wait_dma2 semaphore(%arg16 : memref<!tpu.dma_semaphore, #tpu.memory_space<semaphore_mem>>) src(%dma_wait3A_106 : memref<128xi32, #tpu.memory_space<hbm>>) dst(%arg7 : memref<128xi32, #tpu.memory_space<vmem>>)
    %dma_wait3A_107 = arith.constant 0 : i32
    %dma_wait3A_108 = tpu.memref_slice %arg6[%dma_wait3A_107] : memref<10000xi32, #tpu.memory_space<vmem>> -> memref<128xi32, #tpu.memory_space<vmem>>
    %dma_wait3A_109 = arith.constant 0 : i32
    %dma_wait3A_110 = arith.constant 0 : i32
    %dma_wait3A_111 = tpu.memref_slice %arg2[%dma_wait3A_109, %dma_wait3A_110] : memref<10000x128xf32, #tpu.memory_space<hbm>> -> memref<10000x128xf32, #tpu.memory_space<hbm>>
    tpu.wait_indirect_dma semaphore(%arg14 : memref<!tpu.dma_semaphore, #tpu.memory_space<semaphore_mem>>) src(%dma_wait3A_111 : memref<10000x128xf32, #tpu.memory_space<hbm>>) dst(%arg10 : memref<128x128xf32, #tpu.memory_space<vmem>>)
    "tpu.region"() ({
      %run_scoped3A = tpu.sem_alloc : memref<!tpu.dma_semaphore, #tpu.memory_space<semaphore_mem>>
      %dma_start3A_167 = arith.constant 0 : i32
      %dma_start3A_168 = arith.constant 0 : i32
      %dma_start3A_169 = tpu.memref_slice %arg13[%dma_start3A_167, %dma_start3A_168] : memref<10240x128xf32, #tpu.memory_space<vmem_shared>> -> memref<10240x128xf32, #tpu.memory_space<vmem_shared>>
      tpu.enqueue_indirect_dma source(%arg10 : memref<128x128xf32, #tpu.memory_space<vmem>>) target(%dma_start3A_169 : memref<10240x128xf32, #tpu.memory_space<vmem_shared>>) offsets(%arg7 : memref<128xi32, #tpu.memory_space<vmem>>) semaphore(%run_scoped3A : memref<!tpu.dma_semaphore, #tpu.memory_space<semaphore_mem>>) {add = true}
      %dma_wait3A_170 = arith.constant 0 : i32
      %dma_wait3A_171 = arith.constant 0 : i32
      %dma_wait3A_172 = tpu.memref_slice %arg13[%dma_wait3A_170, %dma_wait3A_171] : memref<10240x128xf32, #tpu.memory_space<vmem_shared>> -> memref<10240x128xf32, #tpu.memory_space<vmem_shared>>
      tpu.wait_indirect_dma semaphore(%run_scoped3A : memref<!tpu.dma_semaphore, #tpu.memory_space<semaphore_mem>>) src(%arg10 : memref<128x128xf32, #tpu.memory_space<vmem>>) dst(%dma_wait3A_172 : memref<10240x128xf32, #tpu.memory_space<vmem_shared>>)
      tpu.yield
    }) : () -> ()
    %multiple_of3A_112 = arith.constant 9728 : i32
    %multiple_of3A_113 = tpu.assume_multiple %multiple_of3A_112, 8 : i32
    %add3A_114 = arith.addi %mul3A_2, %multiple_of3A_113 : i32
    %dma_start3A_115 = tpu.memref_slice %arg4[%add3A_114] : memref<320000xi32, #tpu.memory_space<hbm>> -> memref<128xi32, #tpu.memory_space<hbm>>
    %dma_start3A_116 = tpu.memref_slice %arg4[%add3A_114] : memref<320000xi32, #tpu.memory_space<hbm>> -> memref<128xi32, #tpu.memory_space<hbm>>
    tpu.enqueue_dma source(%dma_start3A_116 : memref<128xi32, #tpu.memory_space<hbm>>) target(%arg7 : memref<128xi32, #tpu.memory_space<vmem>>) target_semaphore(%arg16 : memref<!tpu.dma_semaphore, #tpu.memory_space<semaphore_mem>>)
    %dma_start3A_117 = tpu.memref_slice %arg6[%multiple_of3A_113] : memref<10000xi32, #tpu.memory_space<vmem>> -> memref<128xi32, #tpu.memory_space<vmem>>
    %dma_start3A_118 = arith.constant 0 : i32
    %dma_start3A_119 = arith.constant 0 : i32
    %dma_start3A_120 = tpu.memref_slice %arg2[%dma_start3A_118, %dma_start3A_119] : memref<10000x128xf32, #tpu.memory_space<hbm>> -> memref<10000x128xf32, #tpu.memory_space<hbm>>
    tpu.enqueue_indirect_dma source(%dma_start3A_120 : memref<10000x128xf32, #tpu.memory_space<hbm>>) target(%arg10 : memref<128x128xf32, #tpu.memory_space<vmem>>) offsets(%dma_start3A_117 : memref<128xi32, #tpu.memory_space<vmem>>) semaphore(%arg14 : memref<!tpu.dma_semaphore, #tpu.memory_space<semaphore_mem>>)
    %dma_wait3A_121 = arith.constant 0 : i32
    %dma_wait3A_122 = tpu.memref_slice %arg4[%dma_wait3A_121] : memref<320000xi32, #tpu.memory_space<hbm>> -> memref<128xi32, #tpu.memory_space<hbm>>
    %dma_wait3A_123 = arith.constant 0 : i32
    %dma_wait3A_124 = tpu.memref_slice %arg4[%dma_wait3A_123] : memref<320000xi32, #tpu.memory_space<hbm>> -> memref<128xi32, #tpu.memory_space<hbm>>
    tpu.wait_dma2 semaphore(%arg17 : memref<!tpu.dma_semaphore, #tpu.memory_space<semaphore_mem>>) src(%dma_wait3A_124 : memref<128xi32, #tpu.memory_space<hbm>>) dst(%arg8 : memref<128xi32, #tpu.memory_space<vmem>>)
    %dma_wait3A_125 = arith.constant 0 : i32
    %dma_wait3A_126 = tpu.memref_slice %arg6[%dma_wait3A_125] : memref<10000xi32, #tpu.memory_space<vmem>> -> memref<128xi32, #tpu.memory_space<vmem>>
    %dma_wait3A_127 = arith.constant 0 : i32
    %dma_wait3A_128 = arith.constant 0 : i32
    %dma_wait3A_129 = tpu.memref_slice %arg2[%dma_wait3A_127, %dma_wait3A_128] : memref<10000x128xf32, #tpu.memory_space<hbm>> -> memref<10000x128xf32, #tpu.memory_space<hbm>>
    tpu.wait_indirect_dma semaphore(%arg15 : memref<!tpu.dma_semaphore, #tpu.memory_space<semaphore_mem>>) src(%dma_wait3A_129 : memref<10000x128xf32, #tpu.memory_space<hbm>>) dst(%arg11 : memref<128x128xf32, #tpu.memory_space<vmem>>)
    "tpu.region"() ({
      %run_scoped3A = tpu.sem_alloc : memref<!tpu.dma_semaphore, #tpu.memory_space<semaphore_mem>>
      %dma_start3A_167 = arith.constant 0 : i32
      %dma_start3A_168 = arith.constant 0 : i32
      %dma_start3A_169 = tpu.memref_slice %arg13[%dma_start3A_167, %dma_start3A_168] : memref<10240x128xf32, #tpu.memory_space<vmem_shared>> -> memref<10240x128xf32, #tpu.memory_space<vmem_shared>>
      tpu.enqueue_indirect_dma source(%arg11 : memref<128x128xf32, #tpu.memory_space<vmem>>) target(%dma_start3A_169 : memref<10240x128xf32, #tpu.memory_space<vmem_shared>>) offsets(%arg8 : memref<128xi32, #tpu.memory_space<vmem>>) semaphore(%run_scoped3A : memref<!tpu.dma_semaphore, #tpu.memory_space<semaphore_mem>>) {add = true}
      %dma_wait3A_170 = arith.constant 0 : i32
      %dma_wait3A_171 = arith.constant 0 : i32
      %dma_wait3A_172 = tpu.memref_slice %arg13[%dma_wait3A_170, %dma_wait3A_171] : memref<10240x128xf32, #tpu.memory_space<vmem_shared>> -> memref<10240x128xf32, #tpu.memory_space<vmem_shared>>
      tpu.wait_indirect_dma semaphore(%run_scoped3A : memref<!tpu.dma_semaphore, #tpu.memory_space<semaphore_mem>>) src(%arg11 : memref<128x128xf32, #tpu.memory_space<vmem>>) dst(%dma_wait3A_172 : memref<10240x128xf32, #tpu.memory_space<vmem_shared>>)
      tpu.yield
    }) : () -> ()
    %multiple_of3A_130 = arith.constant 9856 : i32
    %multiple_of3A_131 = tpu.assume_multiple %multiple_of3A_130, 8 : i32
    %add3A_132 = arith.addi %mul3A_2, %multiple_of3A_131 : i32
    %dma_start3A_133 = tpu.memref_slice %arg4[%add3A_132] : memref<320000xi32, #tpu.memory_space<hbm>> -> memref<128xi32, #tpu.memory_space<hbm>>
    %dma_start3A_134 = tpu.memref_slice %arg4[%add3A_132] : memref<320000xi32, #tpu.memory_space<hbm>> -> memref<128xi32, #tpu.memory_space<hbm>>
    tpu.enqueue_dma source(%dma_start3A_134 : memref<128xi32, #tpu.memory_space<hbm>>) target(%arg8 : memref<128xi32, #tpu.memory_space<vmem>>) target_semaphore(%arg17 : memref<!tpu.dma_semaphore, #tpu.memory_space<semaphore_mem>>)
    %dma_start3A_135 = tpu.memref_slice %arg6[%multiple_of3A_131] : memref<10000xi32, #tpu.memory_space<vmem>> -> memref<128xi32, #tpu.memory_space<vmem>>
    %dma_start3A_136 = arith.constant 0 : i32
    %dma_start3A_137 = arith.constant 0 : i32
    %dma_start3A_138 = tpu.memref_slice %arg2[%dma_start3A_136, %dma_start3A_137] : memref<10000x128xf32, #tpu.memory_space<hbm>> -> memref<10000x128xf32, #tpu.memory_space<hbm>>
    tpu.enqueue_indirect_dma source(%dma_start3A_138 : memref<10000x128xf32, #tpu.memory_space<hbm>>) target(%arg11 : memref<128x128xf32, #tpu.memory_space<vmem>>) offsets(%dma_start3A_135 : memref<128xi32, #tpu.memory_space<vmem>>) semaphore(%arg15 : memref<!tpu.dma_semaphore, #tpu.memory_space<semaphore_mem>>)
    %dma_wait3A_139 = arith.constant 0 : i32
    %dma_wait3A_140 = tpu.memref_slice %arg4[%dma_wait3A_139] : memref<320000xi32, #tpu.memory_space<hbm>> -> memref<128xi32, #tpu.memory_space<hbm>>
    %dma_wait3A_141 = arith.constant 0 : i32
    %dma_wait3A_142 = tpu.memref_slice %arg4[%dma_wait3A_141] : memref<320000xi32, #tpu.memory_space<hbm>> -> memref<128xi32, #tpu.memory_space<hbm>>
    tpu.wait_dma2 semaphore(%arg16 : memref<!tpu.dma_semaphore, #tpu.memory_space<semaphore_mem>>) src(%dma_wait3A_142 : memref<128xi32, #tpu.memory_space<hbm>>) dst(%arg7 : memref<128xi32, #tpu.memory_space<vmem>>)
    %dma_wait3A_143 = arith.constant 0 : i32
    %dma_wait3A_144 = tpu.memref_slice %arg6[%dma_wait3A_143] : memref<10000xi32, #tpu.memory_space<vmem>> -> memref<128xi32, #tpu.memory_space<vmem>>
    %dma_wait3A_145 = arith.constant 0 : i32
    %dma_wait3A_146 = arith.constant 0 : i32
    %dma_wait3A_147 = tpu.memref_slice %arg2[%dma_wait3A_145, %dma_wait3A_146] : memref<10000x128xf32, #tpu.memory_space<hbm>> -> memref<10000x128xf32, #tpu.memory_space<hbm>>
    tpu.wait_indirect_dma semaphore(%arg14 : memref<!tpu.dma_semaphore, #tpu.memory_space<semaphore_mem>>) src(%dma_wait3A_147 : memref<10000x128xf32, #tpu.memory_space<hbm>>) dst(%arg10 : memref<128x128xf32, #tpu.memory_space<vmem>>)
    "tpu.region"() ({
      %run_scoped3A = tpu.sem_alloc : memref<!tpu.dma_semaphore, #tpu.memory_space<semaphore_mem>>
      %dma_start3A_167 = arith.constant 0 : i32
      %dma_start3A_168 = arith.constant 0 : i32
      %dma_start3A_169 = tpu.memref_slice %arg13[%dma_start3A_167, %dma_start3A_168] : memref<10240x128xf32, #tpu.memory_space<vmem_shared>> -> memref<10240x128xf32, #tpu.memory_space<vmem_shared>>
      tpu.enqueue_indirect_dma source(%arg10 : memref<128x128xf32, #tpu.memory_space<vmem>>) target(%dma_start3A_169 : memref<10240x128xf32, #tpu.memory_space<vmem_shared>>) offsets(%arg7 : memref<128xi32, #tpu.memory_space<vmem>>) semaphore(%run_scoped3A : memref<!tpu.dma_semaphore, #tpu.memory_space<semaphore_mem>>) {add = true}
      %dma_wait3A_170 = arith.constant 0 : i32
      %dma_wait3A_171 = arith.constant 0 : i32
      %dma_wait3A_172 = tpu.memref_slice %arg13[%dma_wait3A_170, %dma_wait3A_171] : memref<10240x128xf32, #tpu.memory_space<vmem_shared>> -> memref<10240x128xf32, #tpu.memory_space<vmem_shared>>
      tpu.wait_indirect_dma semaphore(%run_scoped3A : memref<!tpu.dma_semaphore, #tpu.memory_space<semaphore_mem>>) src(%arg10 : memref<128x128xf32, #tpu.memory_space<vmem>>) dst(%dma_wait3A_172 : memref<10240x128xf32, #tpu.memory_space<vmem_shared>>)
      tpu.yield
    }) : () -> ()
    %dma_wait3A_148 = arith.constant 0 : i32
    %dma_wait3A_149 = tpu.memref_slice %arg4[%dma_wait3A_148] : memref<320000xi32, #tpu.memory_space<hbm>> -> memref<128xi32, #tpu.memory_space<hbm>>
    %dma_wait3A_150 = arith.constant 0 : i32
    %dma_wait3A_151 = tpu.memref_slice %arg4[%dma_wait3A_150] : memref<320000xi32, #tpu.memory_space<hbm>> -> memref<128xi32, #tpu.memory_space<hbm>>
    tpu.wait_dma2 semaphore(%arg17 : memref<!tpu.dma_semaphore, #tpu.memory_space<semaphore_mem>>) src(%dma_wait3A_151 : memref<128xi32, #tpu.memory_space<hbm>>) dst(%arg8 : memref<128xi32, #tpu.memory_space<vmem>>)
    %dma_wait3A_152 = arith.constant 0 : i32
    %dma_wait3A_153 = tpu.memref_slice %arg6[%dma_wait3A_152] : memref<10000xi32, #tpu.memory_space<vmem>> -> memref<128xi32, #tpu.memory_space<vmem>>
    %dma_wait3A_154 = arith.constant 0 : i32
    %dma_wait3A_155 = arith.constant 0 : i32
    %dma_wait3A_156 = tpu.memref_slice %arg2[%dma_wait3A_154, %dma_wait3A_155] : memref<10000x128xf32, #tpu.memory_space<hbm>> -> memref<10000x128xf32, #tpu.memory_space<hbm>>
    tpu.wait_indirect_dma semaphore(%arg15 : memref<!tpu.dma_semaphore, #tpu.memory_space<semaphore_mem>>) src(%dma_wait3A_156 : memref<10000x128xf32, #tpu.memory_space<hbm>>) dst(%arg11 : memref<128x128xf32, #tpu.memory_space<vmem>>)
    "tpu.region"() ({
      %run_scoped3A = tpu.sem_alloc : memref<!tpu.dma_semaphore, #tpu.memory_space<semaphore_mem>>
      %dma_start3A_167 = arith.constant 0 : i32
      %dma_start3A_168 = arith.constant 0 : i32
      %dma_start3A_169 = tpu.memref_slice %arg13[%dma_start3A_167, %dma_start3A_168] : memref<10240x128xf32, #tpu.memory_space<vmem_shared>> -> memref<10240x128xf32, #tpu.memory_space<vmem_shared>>
      tpu.enqueue_indirect_dma source(%arg11 : memref<128x128xf32, #tpu.memory_space<vmem>>) target(%dma_start3A_169 : memref<10240x128xf32, #tpu.memory_space<vmem_shared>>) offsets(%arg8 : memref<128xi32, #tpu.memory_space<vmem>>) semaphore(%run_scoped3A : memref<!tpu.dma_semaphore, #tpu.memory_space<semaphore_mem>>) {add = true}
      %dma_wait3A_170 = arith.constant 0 : i32
      %dma_wait3A_171 = arith.constant 0 : i32
      %dma_wait3A_172 = tpu.memref_slice %arg13[%dma_wait3A_170, %dma_wait3A_171] : memref<10240x128xf32, #tpu.memory_space<vmem_shared>> -> memref<10240x128xf32, #tpu.memory_space<vmem_shared>>
      tpu.wait_indirect_dma semaphore(%run_scoped3A : memref<!tpu.dma_semaphore, #tpu.memory_space<semaphore_mem>>) src(%arg11 : memref<128x128xf32, #tpu.memory_space<vmem>>) dst(%dma_wait3A_172 : memref<10240x128xf32, #tpu.memory_space<vmem_shared>>)
      tpu.yield
    }) : () -> ()
    %dma_wait3A_157 = arith.constant 0 : i32
    %dma_wait3A_158 = tpu.memref_slice %arg4[%dma_wait3A_157] : memref<320000xi32, #tpu.memory_space<hbm>> -> memref<16xi32, #tpu.memory_space<hbm>>
    %dma_wait3A_159 = arith.constant 0 : i32
    %dma_wait3A_160 = tpu.memref_slice %arg4[%dma_wait3A_159] : memref<320000xi32, #tpu.memory_space<hbm>> -> memref<16xi32, #tpu.memory_space<hbm>>
    tpu.wait_dma2 semaphore(%arg18 : memref<!tpu.dma_semaphore, #tpu.memory_space<semaphore_mem>>) src(%dma_wait3A_160 : memref<16xi32, #tpu.memory_space<hbm>>) dst(%arg9 : memref<16xi32, #tpu.memory_space<vmem>>)
    %dma_wait3A_161 = arith.constant 0 : i32
    %dma_wait3A_162 = tpu.memref_slice %arg6[%dma_wait3A_161] : memref<10000xi32, #tpu.memory_space<vmem>> -> memref<16xi32, #tpu.memory_space<vmem>>
    %dma_wait3A_163 = arith.constant 0 : i32
    %dma_wait3A_164 = arith.constant 0 : i32
    %dma_wait3A_165 = tpu.memref_slice %arg2[%dma_wait3A_163, %dma_wait3A_164] : memref<10000x128xf32, #tpu.memory_space<hbm>> -> memref<10000x128xf32, #tpu.memory_space<hbm>>
    tpu.wait_indirect_dma semaphore(%arg18 : memref<!tpu.dma_semaphore, #tpu.memory_space<semaphore_mem>>) src(%dma_wait3A_165 : memref<10000x128xf32, #tpu.memory_space<hbm>>) dst(%arg12 : memref<16x128xf32, #tpu.memory_space<vmem>>)
    "tpu.region"() ({
      %run_scoped3A = tpu.sem_alloc : memref<!tpu.dma_semaphore, #tpu.memory_space<semaphore_mem>>
      %dma_start3A_167 = arith.constant 0 : i32
      %dma_start3A_168 = arith.constant 0 : i32
      %dma_start3A_169 = tpu.memref_slice %arg13[%dma_start3A_167, %dma_start3A_168] : memref<10240x128xf32, #tpu.memory_space<vmem_shared>> -> memref<10240x128xf32, #tpu.memory_space<vmem_shared>>
      tpu.enqueue_indirect_dma source(%arg12 : memref<16x128xf32, #tpu.memory_space<vmem>>) target(%dma_start3A_169 : memref<10240x128xf32, #tpu.memory_space<vmem_shared>>) offsets(%arg9 : memref<16xi32, #tpu.memory_space<vmem>>) semaphore(%run_scoped3A : memref<!tpu.dma_semaphore, #tpu.memory_space<semaphore_mem>>) {add = true}
      %dma_wait3A_170 = arith.constant 0 : i32
      %dma_wait3A_171 = arith.constant 0 : i32
      %dma_wait3A_172 = tpu.memref_slice %arg13[%dma_wait3A_170, %dma_wait3A_171] : memref<10240x128xf32, #tpu.memory_space<vmem_shared>> -> memref<10240x128xf32, #tpu.memory_space<vmem_shared>>
      tpu.wait_indirect_dma semaphore(%run_scoped3A : memref<!tpu.dma_semaphore, #tpu.memory_space<semaphore_mem>>) src(%arg12 : memref<16x128xf32, #tpu.memory_space<vmem>>) dst(%dma_wait3A_172 : memref<10240x128xf32, #tpu.memory_space<vmem_shared>>)
      tpu.yield
    }) : () -> ()
    %barrier3A_166 = arith.constant 0 : index
    tpu.barrier barrier_id(%barrier3A_166)
    "tpu.region"() ({
      %run_scoped3A = tpu.sem_alloc : memref<!tpu.dma_semaphore, #tpu.memory_space<semaphore_mem>>
      %dma_start3A_167 = arith.constant 0 : i32
      %dma_start3A_168 = tpu.memref_slice %arg5[%arg0, %mul3A_28, %dma_start3A_167] : memref<2x10240x128xf32, #tpu.memory_space<hbm>> -> memref<1x640x128xf32, #tpu.memory_space<hbm>>
      %dma_start3A_169 = tpu.memref_squeeze %dma_start3A_168 : memref<1x640x128xf32, #tpu.memory_space<hbm>> -> memref<640x128xf32, #tpu.memory_space<hbm>>
      %dma_start3A_170 = arith.constant 0 : i32
      %dma_start3A_171 = tpu.memref_slice %arg13[%mul3A_28, %dma_start3A_170] : memref<10240x128xf32, #tpu.memory_space<vmem_shared>> -> memref<640x128xf32, #tpu.memory_space<vmem_shared>>
      tpu.enqueue_dma source(%dma_start3A_171 : memref<640x128xf32, #tpu.memory_space<vmem_shared>>) target(%dma_start3A_169 : memref<640x128xf32, #tpu.memory_space<hbm>>) target_semaphore(%run_scoped3A : memref<!tpu.dma_semaphore, #tpu.memory_space<semaphore_mem>>)
      %dma_wait3A_172 = arith.constant 0 : i32
      %dma_wait3A_173 = tpu.memref_slice %arg5[%arg0, %mul3A_28, %dma_wait3A_172] : memref<2x10240x128xf32, #tpu.memory_space<hbm>> -> memref<1x640x128xf32, #tpu.memory_space<hbm>>
      %dma_wait3A_174 = tpu.memref_squeeze %dma_wait3A_173 : memref<1x640x128xf32, #tpu.memory_space<hbm>> -> memref<640x128xf32, #tpu.memory_space<hbm>>
      %dma_wait3A_175 = arith.constant 0 : i32
      %dma_wait3A_176 = tpu.memref_slice %arg13[%mul3A_28, %dma_wait3A_175] : memref<10240x128xf32, #tpu.memory_space<vmem_shared>> -> memref<640x128xf32, #tpu.memory_space<vmem_shared>>
      tpu.wait_dma2 semaphore(%run_scoped3A : memref<!tpu.dma_semaphore, #tpu.memory_space<semaphore_mem>>) src(%dma_wait3A_176 : memref<640x128xf32, #tpu.memory_space<vmem_shared>>) dst(%dma_wait3A_174 : memref<640x128xf32, #tpu.memory_space<hbm>>)
      tpu.yield
    }) : () -> ()
    return
  }
}

#map = affine_map<(d0, d1) -> (0, 0)>
#map1 = affine_map<(d0, d1) -> (0)>
#map2 = affine_map<(d0, d1) -> (0, 0, 0)>
module attributes {stable_mosaic.version = 14 : i64} {
  func.func @k(%arg0: i32, %arg1: i32, %arg2: memref<10000x128xf32, #tpu.memory_space<hbm>>, %arg3: memref<32x10000xi32, #tpu.memory_space<hbm>>, %arg4: memref<320000xi32, #tpu.memory_space<hbm>>, %arg5: memref<2x10240x128xf32, #tpu.memory_space<hbm>>, %arg6: memref<10000xi32, #tpu.memory_space<vmem>>, %arg7: memref<128xi32, #tpu.memory_space<vmem>>, %arg8: memref<128xi32, #tpu.memory_space<vmem>>, %arg9: memref<16xi32, #tpu.memory_space<vmem>>, %arg10: memref<128x128xf32, #tpu.memory_space<vmem>>, %arg11: memref<128x128xf32, #tpu.memory_space<vmem>>, %arg12: memref<16x128xf32, #tpu.memory_space<vmem>>, %arg13: memref<10240x128xf32, #tpu.memory_space<vmem_shared>>, %arg14: memref<!tpu.dma_semaphore, #tpu.memory_space<semaphore_mem>>, %arg15: memref<!tpu.dma_semaphore, #tpu.memory_space<semaphore_mem>>, %arg16: memref<!tpu.dma_semaphore, #tpu.memory_space<semaphore_mem>>, %arg17: memref<!tpu.dma_semaphore, #tpu.memory_space<semaphore_mem>>, %arg18: memref<!tpu.dma_semaphore, #tpu.memory_space<semaphore_mem>>) attributes {dimension_semantics = [#tpu.dimension_semantics<core_parallel>, #tpu.dimension_semantics<subcore_parallel>], iteration_bounds = array<i64: 2, 16>, scalar_prefetch = 0 : i64, scratch_operands = 13 : i64, tpu.core_type = #tpu.core_type<sc_vector_subcore>, window_params = [{transform_indices = #map}, {transform_indices = #map}, {transform_indices = #map1}, {transform_indices = #map2}]} {
    %mul3A = arith.constant 2 : i32
    %mul3A_0 = arith.muli %arg1, %mul3A : i32
    %add3A = arith.addi %mul3A_0, %arg0 : i32
    %mul3A_1 = arith.constant 10000 : i32
    %mul3A_2 = arith.muli %add3A, %mul3A_1 : i32
    %dma_start3A = arith.constant 0 : i32
    %dma_start3A_3 = tpu.memref_slice %arg3[%add3A, %dma_start3A] : memref<32x10000xi32, #tpu.memory_space<hbm>> -> memref<1x10000xi32, #tpu.memory_space<hbm>>
    %dma_start3A_4 = tpu.memref_squeeze %dma_start3A_3 : memref<1x10000xi32, #tpu.memory_space<hbm>> -> memref<10000xi32, #tpu.memory_space<hbm>>
    %dma_start3A_5 = arith.constant 0 : i32
    %dma_start3A_6 = tpu.memref_slice %arg3[%add3A, %dma_start3A_5] : memref<32x10000xi32, #tpu.memory_space<hbm>> -> memref<1x10000xi32, #tpu.memory_space<hbm>>
    %dma_start3A_7 = tpu.memref_squeeze %dma_start3A_6 : memref<1x10000xi32, #tpu.memory_space<hbm>> -> memref<10000xi32, #tpu.memory_space<hbm>>
    tpu.enqueue_dma source(%dma_start3A_7 : memref<10000xi32, #tpu.memory_space<hbm>>) target(%arg6 : memref<10000xi32, #tpu.memory_space<vmem>>) target_semaphore(%arg16 : memref<!tpu.dma_semaphore, #tpu.memory_space<semaphore_mem>>)
    %broadcast_in_dim3A = arith.constant 0.000000e+00 : f32
    %broadcast_in_dim3A_8 = vector.broadcast %broadcast_in_dim3A : f32 to vector<16xf32>
    %scan3A = arith.constant 0 : i32
    %scan3A_9 = arith.constant 0 : i32
    %scan3A_10 = arith.constant 128 : i32
    %scan3A_11 = arith.addi %scan3A_9, %scan3A_10 : i32
    %scan3A_12 = arith.constant 1 : i32
    scf.for %scan3A_167 = %scan3A_9 to %scan3A_11 step %scan3A_12  : i32 {
      %swap3A = arith.index_cast %scan3A_167 : i32 to index
      %swap3A_168 = arith.constant 0 : index
      %swap3A_169 = tpu.vector_load %arg11[%swap3A, %swap3A_168] {strides = array<i32>} : memref<128x128xf32, #tpu.memory_space<vmem>>, vector<1x16xf32>,
      %swap3A_170 = vector.shape_cast %swap3A_169 : vector<1x16xf32> to vector<16xf32>
      %swap3A_171 = vector.shape_cast %broadcast_in_dim3A_8 : vector<16xf32> to vector<1x16xf32>
      tpu.vector_store %arg11[%swap3A, %swap3A_168], %swap3A_171 {strides = array<i32>} : memref<128x128xf32, #tpu.memory_space<vmem>>, vector<1x16xf32>,
      %swap3A_172 = arith.index_cast %scan3A_167 : i32 to index
      %swap3A_173 = arith.constant 16 : index
      %swap3A_174 = tpu.vector_load %arg11[%swap3A_172, %swap3A_173] {strides = array<i32>} : memref<128x128xf32, #tpu.memory_space<vmem>>, vector<1x16xf32>,
      %swap3A_175 = vector.shape_cast %swap3A_174 : vector<1x16xf32> to vector<16xf32>
      %swap3A_176 = vector.shape_cast %broadcast_in_dim3A_8 : vector<16xf32> to vector<1x16xf32>
      tpu.vector_store %arg11[%swap3A_172, %swap3A_173], %swap3A_176 {strides = array<i32>} : memref<128x128xf32, #tpu.memory_space<vmem>>, vector<1x16xf32>,
      %swap3A_177 = arith.index_cast %scan3A_167 : i32 to index
      %swap3A_178 = arith.constant 32 : index
      %swap3A_179 = tpu.vector_load %arg11[%swap3A_177, %swap3A_178] {strides = array<i32>} : memref<128x128xf32, #tpu.memory_space<vmem>>, vector<1x16xf32>,
      %swap3A_180 = vector.shape_cast %swap3A_179 : vector<1x16xf32> to vector<16xf32>
      %swap3A_181 = vector.shape_cast %broadcast_in_dim3A_8 : vector<16xf32> to vector<1x16xf32>
      tpu.vector_store %arg11[%swap3A_177, %swap3A_178], %swap3A_181 {strides = array<i32>} : memref<128x128xf32, #tpu.memory_space<vmem>>, vector<1x16xf32>,
      %swap3A_182 = arith.index_cast %scan3A_167 : i32 to index
      %swap3A_183 = arith.constant 48 : index
      %swap3A_184 = tpu.vector_load %arg11[%swap3A_182, %swap3A_183] {strides = array<i32>} : memref<128x128xf32, #tpu.memory_space<vmem>>, vector<1x16xf32>,
      %swap3A_185 = vector.shape_cast %swap3A_184 : vector<1x16xf32> to vector<16xf32>
      %swap3A_186 = vector.shape_cast %broadcast_in_dim3A_8 : vector<16xf32> to vector<1x16xf32>
      tpu.vector_store %arg11[%swap3A_182, %swap3A_183], %swap3A_186 {strides = array<i32>} : memref<128x128xf32, #tpu.memory_space<vmem>>, vector<1x16xf32>,
      %swap3A_187 = arith.index_cast %scan3A_167 : i32 to index
      %swap3A_188 = arith.constant 64 : index
      %swap3A_189 = tpu.vector_load %arg11[%swap3A_187, %swap3A_188] {strides = array<i32>} : memref<128x128xf32, #tpu.memory_space<vmem>>, vector<1x16xf32>,
      %swap3A_190 = vector.shape_cast %swap3A_189 : vector<1x16xf32> to vector<16xf32>
      %swap3A_191 = vector.shape_cast %broadcast_in_dim3A_8 : vector<16xf32> to vector<1x16xf32>
      tpu.vector_store %arg11[%swap3A_187, %swap3A_188], %swap3A_191 {strides = array<i32>} : memref<128x128xf32, #tpu.memory_space<vmem>>, vector<1x16xf32>,
      %swap3A_192 = arith.index_cast %scan3A_167 : i32 to index
      %swap3A_193 = arith.constant 80 : index
      %swap3A_194 = tpu.vector_load %arg11[%swap3A_192, %swap3A_193] {strides = array<i32>} : memref<128x128xf32, #tpu.memory_space<vmem>>, vector<1x16xf32>,
      %swap3A_195 = vector.shape_cast %swap3A_194 : vector<1x16xf32> to vector<16xf32>
      %swap3A_196 = vector.shape_cast %broadcast_in_dim3A_8 : vector<16xf32> to vector<1x16xf32>
      tpu.vector_store %arg11[%swap3A_192, %swap3A_193], %swap3A_196 {strides = array<i32>} : memref<128x128xf32, #tpu.memory_space<vmem>>, vector<1x16xf32>,
      %swap3A_197 = arith.index_cast %scan3A_167 : i32 to index
      %swap3A_198 = arith.constant 96 : index
      %swap3A_199 = tpu.vector_load %arg11[%swap3A_197, %swap3A_198] {strides = array<i32>} : memref<128x128xf32, #tpu.memory_space<vmem>>, vector<1x16xf32>,
      %swap3A_200 = vector.shape_cast %swap3A_199 : vector<1x16xf32> to vector<16xf32>
      %swap3A_201 = vector.shape_cast %broadcast_in_dim3A_8 : vector<16xf32> to vector<1x16xf32>
      tpu.vector_store %arg11[%swap3A_197, %swap3A_198], %swap3A_201 {strides = array<i32>} : memref<128x128xf32, #tpu.memory_space<vmem>>, vector<1x16xf32>,
      %swap3A_202 = arith.index_cast %scan3A_167 : i32 to index
      %swap3A_203 = arith.constant 112 : index
      %swap3A_204 = tpu.vector_load %arg11[%swap3A_202, %swap3A_203] {strides = array<i32>} : memref<128x128xf32, #tpu.memory_space<vmem>>, vector<1x16xf32>,
      %swap3A_205 = vector.shape_cast %swap3A_204 : vector<1x16xf32> to vector<16xf32>
      %swap3A_206 = vector.shape_cast %broadcast_in_dim3A_8 : vector<16xf32> to vector<1x16xf32>
      tpu.vector_store %arg11[%swap3A_202, %swap3A_203], %swap3A_206 {strides = array<i32>} : memref<128x128xf32, #tpu.memory_space<vmem>>, vector<1x16xf32>,
    }
    %scan3A_13 = arith.constant 128 : i32
    %dma_wait3A = arith.constant 0 : i32
    %dma_wait3A_14 = tpu.memref_slice %arg3[%add3A, %dma_wait3A] : memref<32x10000xi32, #tpu.memory_space<hbm>> -> memref<1x10000xi32, #tpu.memory_space<hbm>>
    %dma_wait3A_15 = tpu.memref_squeeze %dma_wait3A_14 : memref<1x10000xi32, #tpu.memory_space<hbm>> -> memref<10000xi32, #tpu.memory_space<hbm>>
    %dma_wait3A_16 = arith.constant 0 : i32
    %dma_wait3A_17 = tpu.memref_slice %arg3[%add3A, %dma_wait3A_16] : memref<32x10000xi32, #tpu.memory_space<hbm>> -> memref<1x10000xi32, #tpu.memory_space<hbm>>
    %dma_wait3A_18 = tpu.memref_squeeze %dma_wait3A_17 : memref<1x10000xi32, #tpu.memory_space<hbm>> -> memref<10000xi32, #tpu.memory_space<hbm>>
    tpu.wait_dma2 semaphore(%arg16 : memref<!tpu.dma_semaphore, #tpu.memory_space<semaphore_mem>>) src(%dma_wait3A_18 : memref<10000xi32, #tpu.memory_space<hbm>>) dst(%arg6 : memref<10000xi32, #tpu.memory_space<vmem>>)
    %multiple_of3A = arith.constant 0 : i32
    %multiple_of3A_19 = tpu.assume_multiple %multiple_of3A, 8 : i32
    %add3A_20 = arith.addi %mul3A_2, %multiple_of3A_19 : i32
    %dma_start3A_21 = tpu.memref_slice %arg4[%add3A_20] : memref<320000xi32, #tpu.memory_space<hbm>> -> memref<128xi32, #tpu.memory_space<hbm>>
    %dma_start3A_22 = tpu.memref_slice %arg4[%add3A_20] : memref<320000xi32, #tpu.memory_space<hbm>> -> memref<128xi32, #tpu.memory_space<hbm>>
    tpu.enqueue_dma source(%dma_start3A_22 : memref<128xi32, #tpu.memory_space<hbm>>) target(%arg7 : memref<128xi32, #tpu.memory_space<vmem>>) target_semaphore(%arg16 : memref<!tpu.dma_semaphore, #tpu.memory_space<semaphore_mem>>)
    %dma_start3A_23 = tpu.memref_slice %arg6[%multiple_of3A_19] : memref<10000xi32, #tpu.memory_space<vmem>> -> memref<128xi32, #tpu.memory_space<vmem>>
    %dma_start3A_24 = arith.constant 0 : i32
    %dma_start3A_25 = arith.constant 0 : i32
    %dma_start3A_26 = tpu.memref_slice %arg2[%dma_start3A_24, %dma_start3A_25] : memref<10000x128xf32, #tpu.memory_space<hbm>> -> memref<10000x128xf32, #tpu.memory_space<hbm>>
    tpu.enqueue_indirect_dma source(%dma_start3A_26 : memref<10000x128xf32, #tpu.memory_space<hbm>>) target(%arg10 : memref<128x128xf32, #tpu.memory_space<vmem>>) offsets(%dma_start3A_23 : memref<128xi32, #tpu.memory_space<vmem>>) semaphore(%arg14 : memref<!tpu.dma_semaphore, #tpu.memory_space<semaphore_mem>>)
    %mul3A_27 = arith.constant 640 : i32
    %mul3A_28 = arith.muli %arg1, %mul3A_27 : i32
    %add3A_29 = arith.constant 0 : i32
    %add3A_30 = arith.addi %mul3A_28, %add3A_29 : i32
    %add3A_31 = arith.constant 128 : i32
    %add3A_32 = arith.addi %mul3A_28, %add3A_31 : i32
    %add3A_33 = arith.constant 256 : i32
    %add3A_34 = arith.addi %mul3A_28, %add3A_33 : i32
    %add3A_35 = arith.constant 384 : i32
    %add3A_36 = arith.addi %mul3A_28, %add3A_35 : i32
    %add3A_37 = arith.constant 512 : i32
    %add3A_38 = arith.addi %mul3A_28, %add3A_37 : i32
    %dma_start3A_39 = arith.constant 0 : i32
    %dma_start3A_40 = tpu.memref_slice %arg13[%add3A_30, %dma_start3A_39] : memref<10240x128xf32, #tpu.memory_space<vmem_shared>> -> memref<128x128xf32, #tpu.memory_space<vmem_shared>>
    %dma_start3A_41 = arith.constant 0 : i32
    %dma_start3A_42 = tpu.memref_slice %arg13[%add3A_30, %dma_start3A_41] : memref<10240x128xf32, #tpu.memory_space<vmem_shared>> -> memref<128x128xf32, #tpu.memory_space<vmem_shared>>
    tpu.enqueue_dma source(%arg11 : memref<128x128xf32, #tpu.memory_space<vmem>>) target(%dma_start3A_42 : memref<128x128xf32, #tpu.memory_space<vmem_shared>>) target_semaphore(%arg17 : memref<!tpu.dma_semaphore, #tpu.memory_space<semaphore_mem>>)
    %dma_start3A_43 = arith.constant 0 : i32
    %dma_start3A_44 = tpu.memref_slice %arg13[%add3A_32, %dma_start3A_43] : memref<10240x128xf32, #tpu.memory_space<vmem_shared>> -> memref<128x128xf32, #tpu.memory_space<vmem_shared>>
    %dma_start3A_45 = arith.constant 0 : i32
    %dma_start3A_46 = tpu.memref_slice %arg13[%add3A_32, %dma_start3A_45] : memref<10240x128xf32, #tpu.memory_space<vmem_shared>> -> memref<128x128xf32, #tpu.memory_space<vmem_shared>>
    tpu.enqueue_dma source(%arg11 : memref<128x128xf32, #tpu.memory_space<vmem>>) target(%dma_start3A_46 : memref<128x128xf32, #tpu.memory_space<vmem_shared>>) target_semaphore(%arg17 : memref<!tpu.dma_semaphore, #tpu.memory_space<semaphore_mem>>)
    %dma_start3A_47 = arith.constant 0 : i32
    %dma_start3A_48 = tpu.memref_slice %arg13[%add3A_34, %dma_start3A_47] : memref<10240x128xf32, #tpu.memory_space<vmem_shared>> -> memref<128x128xf32, #tpu.memory_space<vmem_shared>>
    %dma_start3A_49 = arith.constant 0 : i32
    %dma_start3A_50 = tpu.memref_slice %arg13[%add3A_34, %dma_start3A_49] : memref<10240x128xf32, #tpu.memory_space<vmem_shared>> -> memref<128x128xf32, #tpu.memory_space<vmem_shared>>
    tpu.enqueue_dma source(%arg11 : memref<128x128xf32, #tpu.memory_space<vmem>>) target(%dma_start3A_50 : memref<128x128xf32, #tpu.memory_space<vmem_shared>>) target_semaphore(%arg17 : memref<!tpu.dma_semaphore, #tpu.memory_space<semaphore_mem>>)
    %dma_start3A_51 = arith.constant 0 : i32
    %dma_start3A_52 = tpu.memref_slice %arg13[%add3A_36, %dma_start3A_51] : memref<10240x128xf32, #tpu.memory_space<vmem_shared>> -> memref<128x128xf32, #tpu.memory_space<vmem_shared>>
    %dma_start3A_53 = arith.constant 0 : i32
    %dma_start3A_54 = tpu.memref_slice %arg13[%add3A_36, %dma_start3A_53] : memref<10240x128xf32, #tpu.memory_space<vmem_shared>> -> memref<128x128xf32, #tpu.memory_space<vmem_shared>>
    tpu.enqueue_dma source(%arg11 : memref<128x128xf32, #tpu.memory_space<vmem>>) target(%dma_start3A_54 : memref<128x128xf32, #tpu.memory_space<vmem_shared>>) target_semaphore(%arg17 : memref<!tpu.dma_semaphore, #tpu.memory_space<semaphore_mem>>)
    %dma_start3A_55 = arith.constant 0 : i32
    %dma_start3A_56 = tpu.memref_slice %arg13[%add3A_38, %dma_start3A_55] : memref<10240x128xf32, #tpu.memory_space<vmem_shared>> -> memref<128x128xf32, #tpu.memory_space<vmem_shared>>
    %dma_start3A_57 = arith.constant 0 : i32
    %dma_start3A_58 = tpu.memref_slice %arg13[%add3A_38, %dma_start3A_57] : memref<10240x128xf32, #tpu.memory_space<vmem_shared>> -> memref<128x128xf32, #tpu.memory_space<vmem_shared>>
    tpu.enqueue_dma source(%arg11 : memref<128x128xf32, #tpu.memory_space<vmem>>) target(%dma_start3A_58 : memref<128x128xf32, #tpu.memory_space<vmem_shared>>) target_semaphore(%arg17 : memref<!tpu.dma_semaphore, #tpu.memory_space<semaphore_mem>>)
    %dma_wait3A_59 = arith.constant 0 : i32
    %dma_wait3A_60 = tpu.memref_slice %arg13[%add3A_30, %dma_wait3A_59] : memref<10240x128xf32, #tpu.memory_space<vmem_shared>> -> memref<128x128xf32, #tpu.memory_space<vmem_shared>>
    %dma_wait3A_61 = arith.constant 0 : i32
    %dma_wait3A_62 = tpu.memref_slice %arg13[%add3A_30, %dma_wait3A_61] : memref<10240x128xf32, #tpu.memory_space<vmem_shared>> -> memref<128x128xf32, #tpu.memory_space<vmem_shared>>
    tpu.wait_dma2 semaphore(%arg17 : memref<!tpu.dma_semaphore, #tpu.memory_space<semaphore_mem>>) src(%arg11 : memref<128x128xf32, #tpu.memory_space<vmem>>) dst(%dma_wait3A_62 : memref<128x128xf32, #tpu.memory_space<vmem_shared>>)
    %dma_wait3A_63 = arith.constant 0 : i32
    %dma_wait3A_64 = tpu.memref_slice %arg13[%add3A_32, %dma_wait3A_63] : memref<10240x128xf32, #tpu.memory_space<vmem_shared>> -> memref<128x128xf32, #tpu.memory_space<vmem_shared>>
    %dma_wait3A_65 = arith.constant 0 : i32
    %dma_wait3A_66 = tpu.memref_slice %arg13[%add3A_32, %dma_wait3A_65] : memref<10240x128xf32, #tpu.memory_space<vmem_shared>> -> memref<128x128xf32, #tpu.memory_space<vmem_shared>>
    tpu.wait_dma2 semaphore(%arg17 : memref<!tpu.dma_semaphore, #tpu.memory_space<semaphore_mem>>) src(%arg11 : memref<128x128xf32, #tpu.memory_space<vmem>>) dst(%dma_wait3A_66 : memref<128x128xf32, #tpu.memory_space<vmem_shared>>)
    %dma_wait3A_67 = arith.constant 0 : i32
    %dma_wait3A_68 = tpu.memref_slice %arg13[%add3A_34, %dma_wait3A_67] : memref<10240x128xf32, #tpu.memory_space<vmem_shared>> -> memref<128x128xf32, #tpu.memory_space<vmem_shared>>
    %dma_wait3A_69 = arith.constant 0 : i32
    %dma_wait3A_70 = tpu.memref_slice %arg13[%add3A_34, %dma_wait3A_69] : memref<10240x128xf32, #tpu.memory_space<vmem_shared>> -> memref<128x128xf32, #tpu.memory_space<vmem_shared>>
    tpu.wait_dma2 semaphore(%arg17 : memref<!tpu.dma_semaphore, #tpu.memory_space<semaphore_mem>>) src(%arg11 : memref<128x128xf32, #tpu.memory_space<vmem>>) dst(%dma_wait3A_70 : memref<128x128xf32, #tpu.memory_space<vmem_shared>>)
    %dma_wait3A_71 = arith.constant 0 : i32
    %dma_wait3A_72 = tpu.memref_slice %arg13[%add3A_36, %dma_wait3A_71] : memref<10240x128xf32, #tpu.memory_space<vmem_shared>> -> memref<128x128xf32, #tpu.memory_space<vmem_shared>>
    %dma_wait3A_73 = arith.constant 0 : i32
    %dma_wait3A_74 = tpu.memref_slice %arg13[%add3A_36, %dma_wait3A_73] : memref<10240x128xf32, #tpu.memory_space<vmem_shared>> -> memref<128x128xf32, #tpu.memory_space<vmem_shared>>
    tpu.wait_dma2 semaphore(%arg17 : memref<!tpu.dma_semaphore, #tpu.memory_space<semaphore_mem>>) src(%arg11 : memref<128x128xf32, #tpu.memory_space<vmem>>) dst(%dma_wait3A_74 : memref<128x128xf32, #tpu.memory_space<vmem_shared>>)
    %dma_wait3A_75 = arith.constant 0 : i32
    %dma_wait3A_76 = tpu.memref_slice %arg13[%add3A_38, %dma_wait3A_75] : memref<10240x128xf32, #tpu.memory_space<vmem_shared>> -> memref<128x128xf32, #tpu.memory_space<vmem_shared>>
    %dma_wait3A_77 = arith.constant 0 : i32
    %dma_wait3A_78 = tpu.memref_slice %arg13[%add3A_38, %dma_wait3A_77] : memref<10240x128xf32, #tpu.memory_space<vmem_shared>> -> memref<128x128xf32, #tpu.memory_space<vmem_shared>>
    tpu.wait_dma2 semaphore(%arg17 : memref<!tpu.dma_semaphore, #tpu.memory_space<semaphore_mem>>) src(%arg11 : memref<128x128xf32, #tpu.memory_space<vmem>>) dst(%dma_wait3A_78 : memref<128x128xf32, #tpu.memory_space<vmem_shared>>)
    %multiple_of3A_79 = arith.constant 128 : i32
    %multiple_of3A_80 = tpu.assume_multiple %multiple_of3A_79, 8 : i32
    %add3A_81 = arith.addi %mul3A_2, %multiple_of3A_80 : i32
    %dma_start3A_82 = tpu.memref_slice %arg4[%add3A_81] : memref<320000xi32, #tpu.memory_space<hbm>> -> memref<128xi32, #tpu.memory_space<hbm>>
    %dma_start3A_83 = tpu.memref_slice %arg4[%add3A_81] : memref<320000xi32, #tpu.memory_space<hbm>> -> memref<128xi32, #tpu.memory_space<hbm>>
    tpu.enqueue_dma source(%dma_start3A_83 : memref<128xi32, #tpu.memory_space<hbm>>) target(%arg8 : memref<128xi32, #tpu.memory_space<vmem>>) target_semaphore(%arg17 : memref<!tpu.dma_semaphore, #tpu.memory_space<semaphore_mem>>)
    %dma_start3A_84 = tpu.memref_slice %arg6[%multiple_of3A_80] : memref<10000xi32, #tpu.memory_space<vmem>> -> memref<128xi32, #tpu.memory_space<vmem>>
    %dma_start3A_85 = arith.constant 0 : i32
    %dma_start3A_86 = arith.constant 0 : i32
    %dma_start3A_87 = tpu.memref_slice %arg2[%dma_start3A_85, %dma_start3A_86] : memref<10000x128xf32, #tpu.memory_space<hbm>> -> memref<10000x128xf32, #tpu.memory_space<hbm>>
    tpu.enqueue_indirect_dma source(%dma_start3A_87 : memref<10000x128xf32, #tpu.memory_space<hbm>>) target(%arg11 : memref<128x128xf32, #tpu.memory_space<vmem>>) offsets(%dma_start3A_84 : memref<128xi32, #tpu.memory_space<vmem>>) semaphore(%arg15 : memref<!tpu.dma_semaphore, #tpu.memory_space<semaphore_mem>>)
    %add3A_88 = arith.constant 9984 : i32
    %add3A_89 = arith.addi %mul3A_2, %add3A_88 : i32
    %dma_start3A_90 = tpu.memref_slice %arg4[%add3A_89] : memref<320000xi32, #tpu.memory_space<hbm>> -> memref<16xi32, #tpu.memory_space<hbm>>
    %dma_start3A_91 = tpu.memref_slice %arg4[%add3A_89] : memref<320000xi32, #tpu.memory_space<hbm>> -> memref<16xi32, #tpu.memory_space<hbm>>
    tpu.enqueue_dma source(%dma_start3A_91 : memref<16xi32, #tpu.memory_space<hbm>>) target(%arg9 : memref<16xi32, #tpu.memory_space<vmem>>) target_semaphore(%arg18 : memref<!tpu.dma_semaphore, #tpu.memory_space<semaphore_mem>>)
    %dma_start3A_92 = arith.constant 9984 : i32
    %dma_start3A_93 = tpu.memref_slice %arg6[%dma_start3A_92] : memref<10000xi32, #tpu.memory_space<vmem>> -> memref<16xi32, #tpu.memory_space<vmem>>
    %dma_start3A_94 = arith.constant 0 : i32
    %dma_start3A_95 = arith.constant 0 : i32
    %dma_start3A_96 = tpu.memref_slice %arg2[%dma_start3A_94, %dma_start3A_95] : memref<10000x128xf32, #tpu.memory_space<hbm>> -> memref<10000x128xf32, #tpu.memory_space<hbm>>
    tpu.enqueue_indirect_dma source(%dma_start3A_96 : memref<10000x128xf32, #tpu.memory_space<hbm>>) target(%arg12 : memref<16x128xf32, #tpu.memory_space<vmem>>) offsets(%dma_start3A_93 : memref<16xi32, #tpu.memory_space<vmem>>) semaphore(%arg18 : memref<!tpu.dma_semaphore, #tpu.memory_space<semaphore_mem>>)
    %barrier3A = arith.constant 0 : index
    tpu.barrier barrier_id(%barrier3A)
    %scan3A_97 = arith.constant 0 : i32
    %scan3A_98 = arith.constant 0 : i32
    %scan3A_99 = arith.constant 37 : i32
    %scan3A_100 = arith.addi %scan3A_98, %scan3A_99 : i32
    %scan3A_101 = arith.constant 1 : i32
    scf.for %scan3A_167 = %scan3A_98 to %scan3A_100 step %scan3A_101  : i32 {
      %dma_wait3A_168 = arith.constant 0 : i32
      %dma_wait3A_169 = tpu.memref_slice %arg4[%dma_wait3A_168] : memref<320000xi32, #tpu.memory_space<hbm>> -> memref<128xi32, #tpu.memory_space<hbm>>
      %dma_wait3A_170 = arith.constant 0 : i32
      %dma_wait3A_171 = tpu.memref_slice %arg4[%dma_wait3A_170] : memref<320000xi32, #tpu.memory_space<hbm>> -> memref<128xi32, #tpu.memory_space<hbm>>
      tpu.wait_dma2 semaphore(%arg16 : memref<!tpu.dma_semaphore, #tpu.memory_space<semaphore_mem>>) src(%dma_wait3A_171 : memref<128xi32, #tpu.memory_space<hbm>>) dst(%arg7 : memref<128xi32, #tpu.memory_space<vmem>>)
      %dma_wait3A_172 = arith.constant 0 : i32
      %dma_wait3A_173 = tpu.memref_slice %arg6[%dma_wait3A_172] : memref<10000xi32, #tpu.memory_space<vmem>> -> memref<128xi32, #tpu.memory_space<vmem>>
      %dma_wait3A_174 = arith.constant 0 : i32
      %dma_wait3A_175 = arith.constant 0 : i32
      %dma_wait3A_176 = tpu.memref_slice %arg2[%dma_wait3A_174, %dma_wait3A_175] : memref<10000x128xf32, #tpu.memory_space<hbm>> -> memref<10000x128xf32, #tpu.memory_space<hbm>>
      tpu.wait_indirect_dma semaphore(%arg14 : memref<!tpu.dma_semaphore, #tpu.memory_space<semaphore_mem>>) src(%dma_wait3A_176 : memref<10000x128xf32, #tpu.memory_space<hbm>>) dst(%arg10 : memref<128x128xf32, #tpu.memory_space<vmem>>)
      "tpu.region"() ({
        %run_scoped3A = tpu.sem_alloc : memref<!tpu.dma_semaphore, #tpu.memory_space<semaphore_mem>>
        %dma_start3A_214 = arith.constant 0 : i32
        %dma_start3A_215 = arith.constant 0 : i32
        %dma_start3A_216 = tpu.memref_slice %arg13[%dma_start3A_214, %dma_start3A_215] : memref<10240x128xf32, #tpu.memory_space<vmem_shared>> -> memref<10240x128xf32, #tpu.memory_space<vmem_shared>>
        tpu.enqueue_indirect_dma source(%arg10 : memref<128x128xf32, #tpu.memory_space<vmem>>) target(%dma_start3A_216 : memref<10240x128xf32, #tpu.memory_space<vmem_shared>>) offsets(%arg7 : memref<128xi32, #tpu.memory_space<vmem>>) semaphore(%run_scoped3A : memref<!tpu.dma_semaphore, #tpu.memory_space<semaphore_mem>>) {add = true}
        %dma_wait3A_217 = arith.constant 0 : i32
        %dma_wait3A_218 = arith.constant 0 : i32
        %dma_wait3A_219 = tpu.memref_slice %arg13[%dma_wait3A_217, %dma_wait3A_218] : memref<10240x128xf32, #tpu.memory_space<vmem_shared>> -> memref<10240x128xf32, #tpu.memory_space<vmem_shared>>
        tpu.wait_indirect_dma semaphore(%run_scoped3A : memref<!tpu.dma_semaphore, #tpu.memory_space<semaphore_mem>>) src(%arg10 : memref<128x128xf32, #tpu.memory_space<vmem>>) dst(%dma_wait3A_219 : memref<10240x128xf32, #tpu.memory_space<vmem_shared>>)
        tpu.yield
      }) : () -> ()
      %mul3A_177 = arith.constant 2 : i32
      %mul3A_178 = arith.muli %mul3A_177, %scan3A_167 : i32
      %add3A_179 = arith.constant 2 : i32
      %add3A_180 = arith.addi %mul3A_178, %add3A_179 : i32
      %mul3A_181 = arith.constant 128 : i32
      %mul3A_182 = arith.muli %add3A_180, %mul3A_181 : i32
      %multiple_of3A_183 = tpu.assume_multiple %mul3A_182, 8 : i32
      %add3A_184 = arith.addi %mul3A_2, %multiple_of3A_183 : i32
      %dma_start3A_185 = tpu.memref_slice %arg4[%add3A_184] : memref<320000xi32, #tpu.memory_space<hbm>> -> memref<128xi32, #tpu.memory_space<hbm>>
      %dma_start3A_186 = tpu.memref_slice %arg4[%add3A_184] : memref<320000xi32, #tpu.memory_space<hbm>> -> memref<128xi32, #tpu.memory_space<hbm>>
      tpu.enqueue_dma source(%dma_start3A_186 : memref<128xi32, #tpu.memory_space<hbm>>) target(%arg7 : memref<128xi32, #tpu.memory_space<vmem>>) target_semaphore(%arg16 : memref<!tpu.dma_semaphore, #tpu.memory_space<semaphore_mem>>)
      %dma_start3A_187 = tpu.memref_slice %arg6[%multiple_of3A_183] : memref<10000xi32, #tpu.memory_space<vmem>> -> memref<128xi32, #tpu.memory_space<vmem>>
      %dma_start3A_188 = arith.constant 0 : i32
      %dma_start3A_189 = arith.constant 0 : i32
      %dma_start3A_190 = tpu.memref_slice %arg2[%dma_start3A_188, %dma_start3A_189] : memref<10000x128xf32, #tpu.memory_space<hbm>> -> memref<10000x128xf32, #tpu.memory_space<hbm>>
      tpu.enqueue_indirect_dma source(%dma_start3A_190 : memref<10000x128xf32, #tpu.memory_space<hbm>>) target(%arg10 : memref<128x128xf32, #tpu.memory_space<vmem>>) offsets(%dma_start3A_187 : memref<128xi32, #tpu.memory_space<vmem>>) semaphore(%arg14 : memref<!tpu.dma_semaphore, #tpu.memory_space<semaphore_mem>>)
      %dma_wait3A_191 = arith.constant 0 : i32
      %dma_wait3A_192 = tpu.memref_slice %arg4[%dma_wait3A_191] : memref<320000xi32, #tpu.memory_space<hbm>> -> memref<128xi32, #tpu.memory_space<hbm>>
      %dma_wait3A_193 = arith.constant 0 : i32
      %dma_wait3A_194 = tpu.memref_slice %arg4[%dma_wait3A_193] : memref<320000xi32, #tpu.memory_space<hbm>> -> memref<128xi32, #tpu.memory_space<hbm>>
      tpu.wait_dma2 semaphore(%arg17 : memref<!tpu.dma_semaphore, #tpu.memory_space<semaphore_mem>>) src(%dma_wait3A_194 : memref<128xi32, #tpu.memory_space<hbm>>) dst(%arg8 : memref<128xi32, #tpu.memory_space<vmem>>)
      %dma_wait3A_195 = arith.constant 0 : i32
      %dma_wait3A_196 = tpu.memref_slice %arg6[%dma_wait3A_195] : memref<10000xi32, #tpu.memory_space<vmem>> -> memref<128xi32, #tpu.memory_space<vmem>>
      %dma_wait3A_197 = arith.constant 0 : i32
      %dma_wait3A_198 = arith.constant 0 : i32
      %dma_wait3A_199 = tpu.memref_slice %arg2[%dma_wait3A_197, %dma_wait3A_198] : memref<10000x128xf32, #tpu.memory_space<hbm>> -> memref<10000x128xf32, #tpu.memory_space<hbm>>
      tpu.wait_indirect_dma semaphore(%arg15 : memref<!tpu.dma_semaphore, #tpu.memory_space<semaphore_mem>>) src(%dma_wait3A_199 : memref<10000x128xf32, #tpu.memory_space<hbm>>) dst(%arg11 : memref<128x128xf32, #tpu.memory_space<vmem>>)
      "tpu.region"() ({
        %run_scoped3A = tpu.sem_alloc : memref<!tpu.dma_semaphore, #tpu.memory_space<semaphore_mem>>
        %dma_start3A_214 = arith.constant 0 : i32
        %dma_start3A_215 = arith.constant 0 : i32
        %dma_start3A_216 = tpu.memref_slice %arg13[%dma_start3A_214, %dma_start3A_215] : memref<10240x128xf32, #tpu.memory_space<vmem_shared>> -> memref<10240x128xf32, #tpu.memory_space<vmem_shared>>
        tpu.enqueue_indirect_dma source(%arg11 : memref<128x128xf32, #tpu.memory_space<vmem>>) target(%dma_start3A_216 : memref<10240x128xf32, #tpu.memory_space<vmem_shared>>) offsets(%arg8 : memref<128xi32, #tpu.memory_space<vmem>>) semaphore(%run_scoped3A : memref<!tpu.dma_semaphore, #tpu.memory_space<semaphore_mem>>) {add = true}
        %dma_wait3A_217 = arith.constant 0 : i32
        %dma_wait3A_218 = arith.constant 0 : i32
        %dma_wait3A_219 = tpu.memref_slice %arg13[%dma_wait3A_217, %dma_wait3A_218] : memref<10240x128xf32, #tpu.memory_space<vmem_shared>> -> memref<10240x128xf32, #tpu.memory_space<vmem_shared>>
        tpu.wait_indirect_dma semaphore(%run_scoped3A : memref<!tpu.dma_semaphore, #tpu.memory_space<semaphore_mem>>) src(%arg11 : memref<128x128xf32, #tpu.memory_space<vmem>>) dst(%dma_wait3A_219 : memref<10240x128xf32, #tpu.memory_space<vmem_shared>>)
        tpu.yield
      }) : () -> ()
      %mul3A_200 = arith.constant 2 : i32
      %mul3A_201 = arith.muli %mul3A_200, %scan3A_167 : i32
      %add3A_202 = arith.constant 3 : i32
      %add3A_203 = arith.addi %mul3A_201, %add3A_202 : i32
      %mul3A_204 = arith.constant 128 : i32
      %mul3A_205 = arith.muli %add3A_203, %mul3A_204 : i32
      %multiple_of3A_206 = tpu.assume_multiple %mul3A_205, 8 : i32
      %add3A_207 = arith.addi %mul3A_2, %multiple_of3A_206 : i32
      %dma_start3A_208 = tpu.memref_slice %arg4[%add3A_207] : memref<320000xi32, #tpu.memory_space<hbm>> -> memref<128xi32, #tpu.memory_space<hbm>>
      %dma_start3A_209 = tpu.memref_slice %arg4[%add3A_207] : memref<320000xi32, #tpu.memory_space<hbm>> -> memref<128xi32, #tpu.memory_space<hbm>>
      tpu.enqueue_dma source(%dma_start3A_209 : memref<128xi32, #tpu.memory_space<hbm>>) target(%arg8 : memref<128xi32, #tpu.memory_space<vmem>>) target_semaphore(%arg17 : memref<!tpu.dma_semaphore, #tpu.memory_space<semaphore_mem>>)
      %dma_start3A_210 = tpu.memref_slice %arg6[%multiple_of3A_206] : memref<10000xi32, #tpu.memory_space<vmem>> -> memref<128xi32, #tpu.memory_space<vmem>>
      %dma_start3A_211 = arith.constant 0 : i32
      %dma_start3A_212 = arith.constant 0 : i32
      %dma_start3A_213 = tpu.memref_slice %arg2[%dma_start3A_211, %dma_start3A_212] : memref<10000x128xf32, #tpu.memory_space<hbm>> -> memref<10000x128xf32, #tpu.memory_space<hbm>>
      tpu.enqueue_indirect_dma source(%dma_start3A_213 : memref<10000x128xf32, #tpu.memory_space<hbm>>) target(%arg11 : memref<128x128xf32, #tpu.memory_space<vmem>>) offsets(%dma_start3A_210 : memref<128xi32, #tpu.memory_space<vmem>>) semaphore(%arg15 : memref<!tpu.dma_semaphore, #tpu.memory_space<semaphore_mem>>)
    }
    %scan3A_102 = arith.constant 37 : i32
    %dma_wait3A_103 = arith.constant 0 : i32
    %dma_wait3A_104 = tpu.memref_slice %arg4[%dma_wait3A_103] : memref<320000xi32, #tpu.memory_space<hbm>> -> memref<128xi32, #tpu.memory_space<hbm>>
    %dma_wait3A_105 = arith.constant 0 : i32
    %dma_wait3A_106 = tpu.memref_slice %arg4[%dma_wait3A_105] : memref<320000xi32, #tpu.memory_space<hbm>> -> memref<128xi32, #tpu.memory_space<hbm>>
    tpu.wait_dma2 semaphore(%arg16 : memref<!tpu.dma_semaphore, #tpu.memory_space<semaphore_mem>>) src(%dma_wait3A_106 : memref<128xi32, #tpu.memory_space<hbm>>) dst(%arg7 : memref<128xi32, #tpu.memory_space<vmem>>)
    %dma_wait3A_107 = arith.constant 0 : i32
    %dma_wait3A_108 = tpu.memref_slice %arg6[%dma_wait3A_107] : memref<10000xi32, #tpu.memory_space<vmem>> -> memref<128xi32, #tpu.memory_space<vmem>>
    %dma_wait3A_109 = arith.constant 0 : i32
    %dma_wait3A_110 = arith.constant 0 : i32
    %dma_wait3A_111 = tpu.memref_slice %arg2[%dma_wait3A_109, %dma_wait3A_110] : memref<10000x128xf32, #tpu.memory_space<hbm>> -> memref<10000x128xf32, #tpu.memory_space<hbm>>
    tpu.wait_indirect_dma semaphore(%arg14 : memref<!tpu.dma_semaphore, #tpu.memory_space<semaphore_mem>>) src(%dma_wait3A_111 : memref<10000x128xf32, #tpu.memory_space<hbm>>) dst(%arg10 : memref<128x128xf32, #tpu.memory_space<vmem>>)
    "tpu.region"() ({
      %run_scoped3A = tpu.sem_alloc : memref<!tpu.dma_semaphore, #tpu.memory_space<semaphore_mem>>
      %dma_start3A_167 = arith.constant 0 : i32
      %dma_start3A_168 = arith.constant 0 : i32
      %dma_start3A_169 = tpu.memref_slice %arg13[%dma_start3A_167, %dma_start3A_168] : memref<10240x128xf32, #tpu.memory_space<vmem_shared>> -> memref<10240x128xf32, #tpu.memory_space<vmem_shared>>
      tpu.enqueue_indirect_dma source(%arg10 : memref<128x128xf32, #tpu.memory_space<vmem>>) target(%dma_start3A_169 : memref<10240x128xf32, #tpu.memory_space<vmem_shared>>) offsets(%arg7 : memref<128xi32, #tpu.memory_space<vmem>>) semaphore(%run_scoped3A : memref<!tpu.dma_semaphore, #tpu.memory_space<semaphore_mem>>) {add = true}
      %dma_wait3A_170 = arith.constant 0 : i32
      %dma_wait3A_171 = arith.constant 0 : i32
      %dma_wait3A_172 = tpu.memref_slice %arg13[%dma_wait3A_170, %dma_wait3A_171] : memref<10240x128xf32, #tpu.memory_space<vmem_shared>> -> memref<10240x128xf32, #tpu.memory_space<vmem_shared>>
      tpu.wait_indirect_dma semaphore(%run_scoped3A : memref<!tpu.dma_semaphore, #tpu.memory_space<semaphore_mem>>) src(%arg10 : memref<128x128xf32, #tpu.memory_space<vmem>>) dst(%dma_wait3A_172 : memref<10240x128xf32, #tpu.memory_space<vmem_shared>>)
      tpu.yield
    }) : () -> ()
    %multiple_of3A_112 = arith.constant 9728 : i32
    %multiple_of3A_113 = tpu.assume_multiple %multiple_of3A_112, 8 : i32
    %add3A_114 = arith.addi %mul3A_2, %multiple_of3A_113 : i32
    %dma_start3A_115 = tpu.memref_slice %arg4[%add3A_114] : memref<320000xi32, #tpu.memory_space<hbm>> -> memref<128xi32, #tpu.memory_space<hbm>>
    %dma_start3A_116 = tpu.memref_slice %arg4[%add3A_114] : memref<320000xi32, #tpu.memory_space<hbm>> -> memref<128xi32, #tpu.memory_space<hbm>>
    tpu.enqueue_dma source(%dma_start3A_116 : memref<128xi32, #tpu.memory_space<hbm>>) target(%arg7 : memref<128xi32, #tpu.memory_space<vmem>>) target_semaphore(%arg16 : memref<!tpu.dma_semaphore, #tpu.memory_space<semaphore_mem>>)
    %dma_start3A_117 = tpu.memref_slice %arg6[%multiple_of3A_113] : memref<10000xi32, #tpu.memory_space<vmem>> -> memref<128xi32, #tpu.memory_space<vmem>>
    %dma_start3A_118 = arith.constant 0 : i32
    %dma_start3A_119 = arith.constant 0 : i32
    %dma_start3A_120 = tpu.memref_slice %arg2[%dma_start3A_118, %dma_start3A_119] : memref<10000x128xf32, #tpu.memory_space<hbm>> -> memref<10000x128xf32, #tpu.memory_space<hbm>>
    tpu.enqueue_indirect_dma source(%dma_start3A_120 : memref<10000x128xf32, #tpu.memory_space<hbm>>) target(%arg10 : memref<128x128xf32, #tpu.memory_space<vmem>>) offsets(%dma_start3A_117 : memref<128xi32, #tpu.memory_space<vmem>>) semaphore(%arg14 : memref<!tpu.dma_semaphore, #tpu.memory_space<semaphore_mem>>)
    %dma_wait3A_121 = arith.constant 0 : i32
    %dma_wait3A_122 = tpu.memref_slice %arg4[%dma_wait3A_121] : memref<320000xi32, #tpu.memory_space<hbm>> -> memref<128xi32, #tpu.memory_space<hbm>>
    %dma_wait3A_123 = arith.constant 0 : i32
    %dma_wait3A_124 = tpu.memref_slice %arg4[%dma_wait3A_123] : memref<320000xi32, #tpu.memory_space<hbm>> -> memref<128xi32, #tpu.memory_space<hbm>>
    tpu.wait_dma2 semaphore(%arg17 : memref<!tpu.dma_semaphore, #tpu.memory_space<semaphore_mem>>) src(%dma_wait3A_124 : memref<128xi32, #tpu.memory_space<hbm>>) dst(%arg8 : memref<128xi32, #tpu.memory_space<vmem>>)
    %dma_wait3A_125 = arith.constant 0 : i32
    %dma_wait3A_126 = tpu.memref_slice %arg6[%dma_wait3A_125] : memref<10000xi32, #tpu.memory_space<vmem>> -> memref<128xi32, #tpu.memory_space<vmem>>
    %dma_wait3A_127 = arith.constant 0 : i32
    %dma_wait3A_128 = arith.constant 0 : i32
    %dma_wait3A_129 = tpu.memref_slice %arg2[%dma_wait3A_127, %dma_wait3A_128] : memref<10000x128xf32, #tpu.memory_space<hbm>> -> memref<10000x128xf32, #tpu.memory_space<hbm>>
    tpu.wait_indirect_dma semaphore(%arg15 : memref<!tpu.dma_semaphore, #tpu.memory_space<semaphore_mem>>) src(%dma_wait3A_129 : memref<10000x128xf32, #tpu.memory_space<hbm>>) dst(%arg11 : memref<128x128xf32, #tpu.memory_space<vmem>>)
    "tpu.region"() ({
      %run_scoped3A = tpu.sem_alloc : memref<!tpu.dma_semaphore, #tpu.memory_space<semaphore_mem>>
      %dma_start3A_167 = arith.constant 0 : i32
      %dma_start3A_168 = arith.constant 0 : i32
      %dma_start3A_169 = tpu.memref_slice %arg13[%dma_start3A_167, %dma_start3A_168] : memref<10240x128xf32, #tpu.memory_space<vmem_shared>> -> memref<10240x128xf32, #tpu.memory_space<vmem_shared>>
      tpu.enqueue_indirect_dma source(%arg11 : memref<128x128xf32, #tpu.memory_space<vmem>>) target(%dma_start3A_169 : memref<10240x128xf32, #tpu.memory_space<vmem_shared>>) offsets(%arg8 : memref<128xi32, #tpu.memory_space<vmem>>) semaphore(%run_scoped3A : memref<!tpu.dma_semaphore, #tpu.memory_space<semaphore_mem>>) {add = true}
      %dma_wait3A_170 = arith.constant 0 : i32
      %dma_wait3A_171 = arith.constant 0 : i32
      %dma_wait3A_172 = tpu.memref_slice %arg13[%dma_wait3A_170, %dma_wait3A_171] : memref<10240x128xf32, #tpu.memory_space<vmem_shared>> -> memref<10240x128xf32, #tpu.memory_space<vmem_shared>>
      tpu.wait_indirect_dma semaphore(%run_scoped3A : memref<!tpu.dma_semaphore, #tpu.memory_space<semaphore_mem>>) src(%arg11 : memref<128x128xf32, #tpu.memory_space<vmem>>) dst(%dma_wait3A_172 : memref<10240x128xf32, #tpu.memory_space<vmem_shared>>)
      tpu.yield
    }) : () -> ()
    %multiple_of3A_130 = arith.constant 9856 : i32
    %multiple_of3A_131 = tpu.assume_multiple %multiple_of3A_130, 8 : i32
    %add3A_132 = arith.addi %mul3A_2, %multiple_of3A_131 : i32
    %dma_start3A_133 = tpu.memref_slice %arg4[%add3A_132] : memref<320000xi32, #tpu.memory_space<hbm>> -> memref<128xi32, #tpu.memory_space<hbm>>
    %dma_start3A_134 = tpu.memref_slice %arg4[%add3A_132] : memref<320000xi32, #tpu.memory_space<hbm>> -> memref<128xi32, #tpu.memory_space<hbm>>
    tpu.enqueue_dma source(%dma_start3A_134 : memref<128xi32, #tpu.memory_space<hbm>>) target(%arg8 : memref<128xi32, #tpu.memory_space<vmem>>) target_semaphore(%arg17 : memref<!tpu.dma_semaphore, #tpu.memory_space<semaphore_mem>>)
    %dma_start3A_135 = tpu.memref_slice %arg6[%multiple_of3A_131] : memref<10000xi32, #tpu.memory_space<vmem>> -> memref<128xi32, #tpu.memory_space<vmem>>
    %dma_start3A_136 = arith.constant 0 : i32
    %dma_start3A_137 = arith.constant 0 : i32
    %dma_start3A_138 = tpu.memref_slice %arg2[%dma_start3A_136, %dma_start3A_137] : memref<10000x128xf32, #tpu.memory_space<hbm>> -> memref<10000x128xf32, #tpu.memory_space<hbm>>
    tpu.enqueue_indirect_dma source(%dma_start3A_138 : memref<10000x128xf32, #tpu.memory_space<hbm>>) target(%arg11 : memref<128x128xf32, #tpu.memory_space<vmem>>) offsets(%dma_start3A_135 : memref<128xi32, #tpu.memory_space<vmem>>) semaphore(%arg15 : memref<!tpu.dma_semaphore, #tpu.memory_space<semaphore_mem>>)
    %dma_wait3A_139 = arith.constant 0 : i32
    %dma_wait3A_140 = tpu.memref_slice %arg4[%dma_wait3A_139] : memref<320000xi32, #tpu.memory_space<hbm>> -> memref<128xi32, #tpu.memory_space<hbm>>
    %dma_wait3A_141 = arith.constant 0 : i32
    %dma_wait3A_142 = tpu.memref_slice %arg4[%dma_wait3A_141] : memref<320000xi32, #tpu.memory_space<hbm>> -> memref<128xi32, #tpu.memory_space<hbm>>
    tpu.wait_dma2 semaphore(%arg16 : memref<!tpu.dma_semaphore, #tpu.memory_space<semaphore_mem>>) src(%dma_wait3A_142 : memref<128xi32, #tpu.memory_space<hbm>>) dst(%arg7 : memref<128xi32, #tpu.memory_space<vmem>>)
    %dma_wait3A_143 = arith.constant 0 : i32
    %dma_wait3A_144 = tpu.memref_slice %arg6[%dma_wait3A_143] : memref<10000xi32, #tpu.memory_space<vmem>> -> memref<128xi32, #tpu.memory_space<vmem>>
    %dma_wait3A_145 = arith.constant 0 : i32
    %dma_wait3A_146 = arith.constant 0 : i32
    %dma_wait3A_147 = tpu.memref_slice %arg2[%dma_wait3A_145, %dma_wait3A_146] : memref<10000x128xf32, #tpu.memory_space<hbm>> -> memref<10000x128xf32, #tpu.memory_space<hbm>>
    tpu.wait_indirect_dma semaphore(%arg14 : memref<!tpu.dma_semaphore, #tpu.memory_space<semaphore_mem>>) src(%dma_wait3A_147 : memref<10000x128xf32, #tpu.memory_space<hbm>>) dst(%arg10 : memref<128x128xf32, #tpu.memory_space<vmem>>)
    "tpu.region"() ({
      %run_scoped3A = tpu.sem_alloc : memref<!tpu.dma_semaphore, #tpu.memory_space<semaphore_mem>>
      %dma_start3A_167 = arith.constant 0 : i32
      %dma_start3A_168 = arith.constant 0 : i32
      %dma_start3A_169 = tpu.memref_slice %arg13[%dma_start3A_167, %dma_start3A_168] : memref<10240x128xf32, #tpu.memory_space<vmem_shared>> -> memref<10240x128xf32, #tpu.memory_space<vmem_shared>>
      tpu.enqueue_indirect_dma source(%arg10 : memref<128x128xf32, #tpu.memory_space<vmem>>) target(%dma_start3A_169 : memref<10240x128xf32, #tpu.memory_space<vmem_shared>>) offsets(%arg7 : memref<128xi32, #tpu.memory_space<vmem>>) semaphore(%run_scoped3A : memref<!tpu.dma_semaphore, #tpu.memory_space<semaphore_mem>>) {add = true}
      %dma_wait3A_170 = arith.constant 0 : i32
      %dma_wait3A_171 = arith.constant 0 : i32
      %dma_wait3A_172 = tpu.memref_slice %arg13[%dma_wait3A_170, %dma_wait3A_171] : memref<10240x128xf32, #tpu.memory_space<vmem_shared>> -> memref<10240x128xf32, #tpu.memory_space<vmem_shared>>
      tpu.wait_indirect_dma semaphore(%run_scoped3A : memref<!tpu.dma_semaphore, #tpu.memory_space<semaphore_mem>>) src(%arg10 : memref<128x128xf32, #tpu.memory_space<vmem>>) dst(%dma_wait3A_172 : memref<10240x128xf32, #tpu.memory_space<vmem_shared>>)
      tpu.yield
    }) : () -> ()
    %dma_wait3A_148 = arith.constant 0 : i32
    %dma_wait3A_149 = tpu.memref_slice %arg4[%dma_wait3A_148] : memref<320000xi32, #tpu.memory_space<hbm>> -> memref<128xi32, #tpu.memory_space<hbm>>
    %dma_wait3A_150 = arith.constant 0 : i32
    %dma_wait3A_151 = tpu.memref_slice %arg4[%dma_wait3A_150] : memref<320000xi32, #tpu.memory_space<hbm>> -> memref<128xi32, #tpu.memory_space<hbm>>
    tpu.wait_dma2 semaphore(%arg17 : memref<!tpu.dma_semaphore, #tpu.memory_space<semaphore_mem>>) src(%dma_wait3A_151 : memref<128xi32, #tpu.memory_space<hbm>>) dst(%arg8 : memref<128xi32, #tpu.memory_space<vmem>>)
    %dma_wait3A_152 = arith.constant 0 : i32
    %dma_wait3A_153 = tpu.memref_slice %arg6[%dma_wait3A_152] : memref<10000xi32, #tpu.memory_space<vmem>> -> memref<128xi32, #tpu.memory_space<vmem>>
    %dma_wait3A_154 = arith.constant 0 : i32
    %dma_wait3A_155 = arith.constant 0 : i32
    %dma_wait3A_156 = tpu.memref_slice %arg2[%dma_wait3A_154, %dma_wait3A_155] : memref<10000x128xf32, #tpu.memory_space<hbm>> -> memref<10000x128xf32, #tpu.memory_space<hbm>>
    tpu.wait_indirect_dma semaphore(%arg15 : memref<!tpu.dma_semaphore, #tpu.memory_space<semaphore_mem>>) src(%dma_wait3A_156 : memref<10000x128xf32, #tpu.memory_space<hbm>>) dst(%arg11 : memref<128x128xf32, #tpu.memory_space<vmem>>)
    "tpu.region"() ({
      %run_scoped3A = tpu.sem_alloc : memref<!tpu.dma_semaphore, #tpu.memory_space<semaphore_mem>>
      %dma_start3A_167 = arith.constant 0 : i32
      %dma_start3A_168 = arith.constant 0 : i32
      %dma_start3A_169 = tpu.memref_slice %arg13[%dma_start3A_167, %dma_start3A_168] : memref<10240x128xf32, #tpu.memory_space<vmem_shared>> -> memref<10240x128xf32, #tpu.memory_space<vmem_shared>>
      tpu.enqueue_indirect_dma source(%arg11 : memref<128x128xf32, #tpu.memory_space<vmem>>) target(%dma_start3A_169 : memref<10240x128xf32, #tpu.memory_space<vmem_shared>>) offsets(%arg8 : memref<128xi32, #tpu.memory_space<vmem>>) semaphore(%run_scoped3A : memref<!tpu.dma_semaphore, #tpu.memory_space<semaphore_mem>>) {add = true}
      %dma_wait3A_170 = arith.constant 0 : i32
      %dma_wait3A_171 = arith.constant 0 : i32
      %dma_wait3A_172 = tpu.memref_slice %arg13[%dma_wait3A_170, %dma_wait3A_171] : memref<10240x128xf32, #tpu.memory_space<vmem_shared>> -> memref<10240x128xf32, #tpu.memory_space<vmem_shared>>
      tpu.wait_indirect_dma semaphore(%run_scoped3A : memref<!tpu.dma_semaphore, #tpu.memory_space<semaphore_mem>>) src(%arg11 : memref<128x128xf32, #tpu.memory_space<vmem>>) dst(%dma_wait3A_172 : memref<10240x128xf32, #tpu.memory_space<vmem_shared>>)
      tpu.yield
    }) : () -> ()
    %dma_wait3A_157 = arith.constant 0 : i32
    %dma_wait3A_158 = tpu.memref_slice %arg4[%dma_wait3A_157] : memref<320000xi32, #tpu.memory_space<hbm>> -> memref<16xi32, #tpu.memory_space<hbm>>
    %dma_wait3A_159 = arith.constant 0 : i32
    %dma_wait3A_160 = tpu.memref_slice %arg4[%dma_wait3A_159] : memref<320000xi32, #tpu.memory_space<hbm>> -> memref<16xi32, #tpu.memory_space<hbm>>
    tpu.wait_dma2 semaphore(%arg18 : memref<!tpu.dma_semaphore, #tpu.memory_space<semaphore_mem>>) src(%dma_wait3A_160 : memref<16xi32, #tpu.memory_space<hbm>>) dst(%arg9 : memref<16xi32, #tpu.memory_space<vmem>>)
    %dma_wait3A_161 = arith.constant 0 : i32
    %dma_wait3A_162 = tpu.memref_slice %arg6[%dma_wait3A_161] : memref<10000xi32, #tpu.memory_space<vmem>> -> memref<16xi32, #tpu.memory_space<vmem>>
    %dma_wait3A_163 = arith.constant 0 : i32
    %dma_wait3A_164 = arith.constant 0 : i32
    %dma_wait3A_165 = tpu.memref_slice %arg2[%dma_wait3A_163, %dma_wait3A_164] : memref<10000x128xf32, #tpu.memory_space<hbm>> -> memref<10000x128xf32, #tpu.memory_space<hbm>>
    tpu.wait_indirect_dma semaphore(%arg18 : memref<!tpu.dma_semaphore, #tpu.memory_space<semaphore_mem>>) src(%dma_wait3A_165 : memref<10000x128xf32, #tpu.memory_space<hbm>>) dst(%arg12 : memref<16x128xf32, #tpu.memory_space<vmem>>)
    "tpu.region"() ({
      %run_scoped3A = tpu.sem_alloc : memref<!tpu.dma_semaphore, #tpu.memory_space<semaphore_mem>>
      %dma_start3A_167 = arith.constant 0 : i32
      %dma_start3A_168 = arith.constant 0 : i32
      %dma_start3A_169 = tpu.memref_slice %arg13[%dma_start3A_167, %dma_start3A_168] : memref<10240x128xf32, #tpu.memory_space<vmem_shared>> -> memref<10240x128xf32, #tpu.memory_space<vmem_shared>>
      tpu.enqueue_indirect_dma source(%arg12 : memref<16x128xf32, #tpu.memory_space<vmem>>) target(%dma_start3A_169 : memref<10240x128xf32, #tpu.memory_space<vmem_shared>>) offsets(%arg9 : memref<16xi32, #tpu.memory_space<vmem>>) semaphore(%run_scoped3A : memref<!tpu.dma_semaphore, #tpu.memory_space<semaphore_mem>>) {add = true}
      %dma_wait3A_170 = arith.constant 0 : i32
      %dma_wait3A_171 = arith.constant 0 : i32
      %dma_wait3A_172 = tpu.memref_slice %arg13[%dma_wait3A_170, %dma_wait3A_171] : memref<10240x128xf32, #tpu.memory_space<vmem_shared>> -> memref<10240x128xf32, #tpu.memory_space<vmem_shared>>
      tpu.wait_indirect_dma semaphore(%run_scoped3A : memref<!tpu.dma_semaphore, #tpu.memory_space<semaphore_mem>>) src(%arg12 : memref<16x128xf32, #tpu.memory_space<vmem>>) dst(%dma_wait3A_172 : memref<10240x128xf32, #tpu.memory_space<vmem_shared>>)
      tpu.yield
    }) : () -> ()
    %barrier3A_166 = arith.constant 0 : index
    tpu.barrier barrier_id(%barrier3A_166)
    "tpu.region"() ({
      %run_scoped3A = tpu.sem_alloc : memref<!tpu.dma_semaphore, #tpu.memory_space<semaphore_mem>>
      %dma_start3A_167 = arith.constant 0 : i32
      %dma_start3A_168 = tpu.memref_slice %arg5[%arg0, %mul3A_28, %dma_start3A_167] : memref<2x10240x128xf32, #tpu.memory_space<hbm>> -> memref<1x640x128xf32, #tpu.memory_space<hbm>>
      %dma_start3A_169 = tpu.memref_squeeze %dma_start3A_168 : memref<1x640x128xf32, #tpu.memory_space<hbm>> -> memref<640x128xf32, #tpu.memory_space<hbm>>
      %dma_start3A_170 = arith.constant 0 : i32
      %dma_start3A_171 = tpu.memref_slice %arg13[%mul3A_28, %dma_start3A_170] : memref<10240x128xf32, #tpu.memory_space<vmem_shared>> -> memref<640x128xf32, #tpu.memory_space<vmem_shared>>
      tpu.enqueue_dma source(%dma_start3A_171 : memref<640x128xf32, #tpu.memory_space<vmem_shared>>) target(%dma_start3A_169 : memref<640x128xf32, #tpu.memory_space<hbm>>) target_semaphore(%run_scoped3A : memref<!tpu.dma_semaphore, #tpu.memory_space<semaphore_mem>>)
      %dma_wait3A_172 = arith.constant 0 : i32
      %dma_wait3A_173 = tpu.memref_slice %arg5[%arg0, %mul3A_28, %dma_wait3A_172] : memref<2x10240x128xf32, #tpu.memory_space<hbm>> -> memref<1x640x128xf32, #tpu.memory_space<hbm>>
      %dma_wait3A_174 = tpu.memref_squeeze %dma_wait3A_173 : memref<1x640x128xf32, #tpu.memory_space<hbm>> -> memref<640x128xf32, #tpu.memory_space<hbm>>
      %dma_wait3A_175 = arith.constant 0 : i32
      %dma_wait3A_176 = tpu.memref_slice %arg13[%mul3A_28, %dma_wait3A_175] : memref<10240x128xf32, #tpu.memory_space<vmem_shared>> -> memref<640x128xf32, #tpu.memory_space<vmem_shared>>
      tpu.wait_dma2 semaphore(%run_scoped3A : memref<!tpu.dma_semaphore, #tpu.memory_space<semaphore_mem>>) src(%dma_wait3A_176 : memref<640x128xf32, #tpu.memory_space<vmem_shared>>) dst(%dma_wait3A_174 : memref<640x128xf32, #tpu.memory_space<hbm>>)
      tpu.yield
    }) : () -> ()
    return
  }
}

#map = affine_map<(d0, d1) -> (0, 0)>
#map1 = affine_map<(d0, d1) -> (0)>
#map2 = affine_map<(d0, d1) -> (0, 0, 0)>
module attributes {stable_mosaic.version = 14 : i64} {
  func.func @k(%arg0: i32, %arg1: i32, %arg2: memref<10000x128xf32, #tpu.memory_space<hbm>>, %arg3: memref<32x10000xi32, #tpu.memory_space<hbm>>, %arg4: memref<320000xi32, #tpu.memory_space<hbm>>, %arg5: memref<2x10240x128xf32, #tpu.memory_space<hbm>>, %arg6: memref<10000xi32, #tpu.memory_space<vmem>>, %arg7: memref<128xi32, #tpu.memory_space<vmem>>, %arg8: memref<128xi32, #tpu.memory_space<vmem>>, %arg9: memref<16xi32, #tpu.memory_space<vmem>>, %arg10: memref<128x128xf32, #tpu.memory_space<vmem>>, %arg11: memref<128x128xf32, #tpu.memory_space<vmem>>, %arg12: memref<16x128xf32, #tpu.memory_space<vmem>>, %arg13: memref<10240x128xf32, #tpu.memory_space<vmem_shared>>, %arg14: memref<!tpu.dma_semaphore, #tpu.memory_space<semaphore_mem>>, %arg15: memref<!tpu.dma_semaphore, #tpu.memory_space<semaphore_mem>>, %arg16: memref<!tpu.dma_semaphore, #tpu.memory_space<semaphore_mem>>, %arg17: memref<!tpu.dma_semaphore, #tpu.memory_space<semaphore_mem>>, %arg18: memref<!tpu.dma_semaphore, #tpu.memory_space<semaphore_mem>>) attributes {dimension_semantics = [#tpu.dimension_semantics<core_parallel>, #tpu.dimension_semantics<subcore_parallel>], iteration_bounds = array<i64: 2, 16>, scalar_prefetch = 0 : i64, scratch_operands = 13 : i64, tpu.core_type = #tpu.core_type<sc_vector_subcore>, window_params = [{transform_indices = #map}, {transform_indices = #map}, {transform_indices = #map1}, {transform_indices = #map2}]} {
    %mul3A = arith.constant 2 : i32
    %mul3A_0 = arith.muli %arg1, %mul3A : i32
    %add3A = arith.addi %mul3A_0, %arg0 : i32
    %mul3A_1 = arith.constant 10000 : i32
    %mul3A_2 = arith.muli %add3A, %mul3A_1 : i32
    %dma_start3A = arith.constant 0 : i32
    %dma_start3A_3 = tpu.memref_slice %arg3[%add3A, %dma_start3A] : memref<32x10000xi32, #tpu.memory_space<hbm>> -> memref<1x10000xi32, #tpu.memory_space<hbm>>
    %dma_start3A_4 = tpu.memref_squeeze %dma_start3A_3 : memref<1x10000xi32, #tpu.memory_space<hbm>> -> memref<10000xi32, #tpu.memory_space<hbm>>
    %dma_start3A_5 = arith.constant 0 : i32
    %dma_start3A_6 = tpu.memref_slice %arg3[%add3A, %dma_start3A_5] : memref<32x10000xi32, #tpu.memory_space<hbm>> -> memref<1x10000xi32, #tpu.memory_space<hbm>>
    %dma_start3A_7 = tpu.memref_squeeze %dma_start3A_6 : memref<1x10000xi32, #tpu.memory_space<hbm>> -> memref<10000xi32, #tpu.memory_space<hbm>>
    tpu.enqueue_dma source(%dma_start3A_7 : memref<10000xi32, #tpu.memory_space<hbm>>) target(%arg6 : memref<10000xi32, #tpu.memory_space<vmem>>) target_semaphore(%arg16 : memref<!tpu.dma_semaphore, #tpu.memory_space<semaphore_mem>>)
    %broadcast_in_dim3A = arith.constant 0.000000e+00 : f32
    %broadcast_in_dim3A_8 = vector.broadcast %broadcast_in_dim3A : f32 to vector<16xf32>
    %scan3A = arith.constant 0 : i32
    %scan3A_9 = arith.constant 0 : i32
    %scan3A_10 = arith.constant 128 : i32
    %scan3A_11 = arith.addi %scan3A_9, %scan3A_10 : i32
    %scan3A_12 = arith.constant 1 : i32
    scf.for %scan3A_167 = %scan3A_9 to %scan3A_11 step %scan3A_12  : i32 {
      %swap3A = arith.index_cast %scan3A_167 : i32 to index
      %swap3A_168 = arith.constant 0 : index
      %swap3A_169 = tpu.vector_load %arg11[%swap3A, %swap3A_168] {strides = array<i32>} : memref<128x128xf32, #tpu.memory_space<vmem>>, vector<1x16xf32>,
      %swap3A_170 = vector.shape_cast %swap3A_169 : vector<1x16xf32> to vector<16xf32>
      %swap3A_171 = vector.shape_cast %broadcast_in_dim3A_8 : vector<16xf32> to vector<1x16xf32>
      tpu.vector_store %arg11[%swap3A, %swap3A_168], %swap3A_171 {strides = array<i32>} : memref<128x128xf32, #tpu.memory_space<vmem>>, vector<1x16xf32>,
      %swap3A_172 = arith.index_cast %scan3A_167 : i32 to index
      %swap3A_173 = arith.constant 16 : index
      %swap3A_174 = tpu.vector_load %arg11[%swap3A_172, %swap3A_173] {strides = array<i32>} : memref<128x128xf32, #tpu.memory_space<vmem>>, vector<1x16xf32>,
      %swap3A_175 = vector.shape_cast %swap3A_174 : vector<1x16xf32> to vector<16xf32>
      %swap3A_176 = vector.shape_cast %broadcast_in_dim3A_8 : vector<16xf32> to vector<1x16xf32>
      tpu.vector_store %arg11[%swap3A_172, %swap3A_173], %swap3A_176 {strides = array<i32>} : memref<128x128xf32, #tpu.memory_space<vmem>>, vector<1x16xf32>,
      %swap3A_177 = arith.index_cast %scan3A_167 : i32 to index
      %swap3A_178 = arith.constant 32 : index
      %swap3A_179 = tpu.vector_load %arg11[%swap3A_177, %swap3A_178] {strides = array<i32>} : memref<128x128xf32, #tpu.memory_space<vmem>>, vector<1x16xf32>,
      %swap3A_180 = vector.shape_cast %swap3A_179 : vector<1x16xf32> to vector<16xf32>
      %swap3A_181 = vector.shape_cast %broadcast_in_dim3A_8 : vector<16xf32> to vector<1x16xf32>
      tpu.vector_store %arg11[%swap3A_177, %swap3A_178], %swap3A_181 {strides = array<i32>} : memref<128x128xf32, #tpu.memory_space<vmem>>, vector<1x16xf32>,
      %swap3A_182 = arith.index_cast %scan3A_167 : i32 to index
      %swap3A_183 = arith.constant 48 : index
      %swap3A_184 = tpu.vector_load %arg11[%swap3A_182, %swap3A_183] {strides = array<i32>} : memref<128x128xf32, #tpu.memory_space<vmem>>, vector<1x16xf32>,
      %swap3A_185 = vector.shape_cast %swap3A_184 : vector<1x16xf32> to vector<16xf32>
      %swap3A_186 = vector.shape_cast %broadcast_in_dim3A_8 : vector<16xf32> to vector<1x16xf32>
      tpu.vector_store %arg11[%swap3A_182, %swap3A_183], %swap3A_186 {strides = array<i32>} : memref<128x128xf32, #tpu.memory_space<vmem>>, vector<1x16xf32>,
      %swap3A_187 = arith.index_cast %scan3A_167 : i32 to index
      %swap3A_188 = arith.constant 64 : index
      %swap3A_189 = tpu.vector_load %arg11[%swap3A_187, %swap3A_188] {strides = array<i32>} : memref<128x128xf32, #tpu.memory_space<vmem>>, vector<1x16xf32>,
      %swap3A_190 = vector.shape_cast %swap3A_189 : vector<1x16xf32> to vector<16xf32>
      %swap3A_191 = vector.shape_cast %broadcast_in_dim3A_8 : vector<16xf32> to vector<1x16xf32>
      tpu.vector_store %arg11[%swap3A_187, %swap3A_188], %swap3A_191 {strides = array<i32>} : memref<128x128xf32, #tpu.memory_space<vmem>>, vector<1x16xf32>,
      %swap3A_192 = arith.index_cast %scan3A_167 : i32 to index
      %swap3A_193 = arith.constant 80 : index
      %swap3A_194 = tpu.vector_load %arg11[%swap3A_192, %swap3A_193] {strides = array<i32>} : memref<128x128xf32, #tpu.memory_space<vmem>>, vector<1x16xf32>,
      %swap3A_195 = vector.shape_cast %swap3A_194 : vector<1x16xf32> to vector<16xf32>
      %swap3A_196 = vector.shape_cast %broadcast_in_dim3A_8 : vector<16xf32> to vector<1x16xf32>
      tpu.vector_store %arg11[%swap3A_192, %swap3A_193], %swap3A_196 {strides = array<i32>} : memref<128x128xf32, #tpu.memory_space<vmem>>, vector<1x16xf32>,
      %swap3A_197 = arith.index_cast %scan3A_167 : i32 to index
      %swap3A_198 = arith.constant 96 : index
      %swap3A_199 = tpu.vector_load %arg11[%swap3A_197, %swap3A_198] {strides = array<i32>} : memref<128x128xf32, #tpu.memory_space<vmem>>, vector<1x16xf32>,
      %swap3A_200 = vector.shape_cast %swap3A_199 : vector<1x16xf32> to vector<16xf32>
      %swap3A_201 = vector.shape_cast %broadcast_in_dim3A_8 : vector<16xf32> to vector<1x16xf32>
      tpu.vector_store %arg11[%swap3A_197, %swap3A_198], %swap3A_201 {strides = array<i32>} : memref<128x128xf32, #tpu.memory_space<vmem>>, vector<1x16xf32>,
      %swap3A_202 = arith.index_cast %scan3A_167 : i32 to index
      %swap3A_203 = arith.constant 112 : index
      %swap3A_204 = tpu.vector_load %arg11[%swap3A_202, %swap3A_203] {strides = array<i32>} : memref<128x128xf32, #tpu.memory_space<vmem>>, vector<1x16xf32>,
      %swap3A_205 = vector.shape_cast %swap3A_204 : vector<1x16xf32> to vector<16xf32>
      %swap3A_206 = vector.shape_cast %broadcast_in_dim3A_8 : vector<16xf32> to vector<1x16xf32>
      tpu.vector_store %arg11[%swap3A_202, %swap3A_203], %swap3A_206 {strides = array<i32>} : memref<128x128xf32, #tpu.memory_space<vmem>>, vector<1x16xf32>,
    }
    %scan3A_13 = arith.constant 128 : i32
    %dma_wait3A = arith.constant 0 : i32
    %dma_wait3A_14 = tpu.memref_slice %arg3[%add3A, %dma_wait3A] : memref<32x10000xi32, #tpu.memory_space<hbm>> -> memref<1x10000xi32, #tpu.memory_space<hbm>>
    %dma_wait3A_15 = tpu.memref_squeeze %dma_wait3A_14 : memref<1x10000xi32, #tpu.memory_space<hbm>> -> memref<10000xi32, #tpu.memory_space<hbm>>
    %dma_wait3A_16 = arith.constant 0 : i32
    %dma_wait3A_17 = tpu.memref_slice %arg3[%add3A, %dma_wait3A_16] : memref<32x10000xi32, #tpu.memory_space<hbm>> -> memref<1x10000xi32, #tpu.memory_space<hbm>>
    %dma_wait3A_18 = tpu.memref_squeeze %dma_wait3A_17 : memref<1x10000xi32, #tpu.memory_space<hbm>> -> memref<10000xi32, #tpu.memory_space<hbm>>
    tpu.wait_dma2 semaphore(%arg16 : memref<!tpu.dma_semaphore, #tpu.memory_space<semaphore_mem>>) src(%dma_wait3A_18 : memref<10000xi32, #tpu.memory_space<hbm>>) dst(%arg6 : memref<10000xi32, #tpu.memory_space<vmem>>)
    %multiple_of3A = arith.constant 0 : i32
    %multiple_of3A_19 = tpu.assume_multiple %multiple_of3A, 8 : i32
    %add3A_20 = arith.addi %mul3A_2, %multiple_of3A_19 : i32
    %dma_start3A_21 = tpu.memref_slice %arg4[%add3A_20] : memref<320000xi32, #tpu.memory_space<hbm>> -> memref<128xi32, #tpu.memory_space<hbm>>
    %dma_start3A_22 = tpu.memref_slice %arg4[%add3A_20] : memref<320000xi32, #tpu.memory_space<hbm>> -> memref<128xi32, #tpu.memory_space<hbm>>
    tpu.enqueue_dma source(%dma_start3A_22 : memref<128xi32, #tpu.memory_space<hbm>>) target(%arg7 : memref<128xi32, #tpu.memory_space<vmem>>) target_semaphore(%arg16 : memref<!tpu.dma_semaphore, #tpu.memory_space<semaphore_mem>>)
    %dma_start3A_23 = tpu.memref_slice %arg6[%multiple_of3A_19] : memref<10000xi32, #tpu.memory_space<vmem>> -> memref<128xi32, #tpu.memory_space<vmem>>
    %dma_start3A_24 = arith.constant 0 : i32
    %dma_start3A_25 = arith.constant 0 : i32
    %dma_start3A_26 = tpu.memref_slice %arg2[%dma_start3A_24, %dma_start3A_25] : memref<10000x128xf32, #tpu.memory_space<hbm>> -> memref<10000x128xf32, #tpu.memory_space<hbm>>
    tpu.enqueue_indirect_dma source(%dma_start3A_26 : memref<10000x128xf32, #tpu.memory_space<hbm>>) target(%arg10 : memref<128x128xf32, #tpu.memory_space<vmem>>) offsets(%dma_start3A_23 : memref<128xi32, #tpu.memory_space<vmem>>) semaphore(%arg14 : memref<!tpu.dma_semaphore, #tpu.memory_space<semaphore_mem>>)
    %mul3A_27 = arith.constant 640 : i32
    %mul3A_28 = arith.muli %arg1, %mul3A_27 : i32
    %add3A_29 = arith.constant 0 : i32
    %add3A_30 = arith.addi %mul3A_28, %add3A_29 : i32
    %add3A_31 = arith.constant 128 : i32
    %add3A_32 = arith.addi %mul3A_28, %add3A_31 : i32
    %add3A_33 = arith.constant 256 : i32
    %add3A_34 = arith.addi %mul3A_28, %add3A_33 : i32
    %add3A_35 = arith.constant 384 : i32
    %add3A_36 = arith.addi %mul3A_28, %add3A_35 : i32
    %add3A_37 = arith.constant 512 : i32
    %add3A_38 = arith.addi %mul3A_28, %add3A_37 : i32
    %dma_start3A_39 = arith.constant 0 : i32
    %dma_start3A_40 = tpu.memref_slice %arg13[%add3A_30, %dma_start3A_39] : memref<10240x128xf32, #tpu.memory_space<vmem_shared>> -> memref<128x128xf32, #tpu.memory_space<vmem_shared>>
    %dma_start3A_41 = arith.constant 0 : i32
    %dma_start3A_42 = tpu.memref_slice %arg13[%add3A_30, %dma_start3A_41] : memref<10240x128xf32, #tpu.memory_space<vmem_shared>> -> memref<128x128xf32, #tpu.memory_space<vmem_shared>>
    tpu.enqueue_dma source(%arg11 : memref<128x128xf32, #tpu.memory_space<vmem>>) target(%dma_start3A_42 : memref<128x128xf32, #tpu.memory_space<vmem_shared>>) target_semaphore(%arg17 : memref<!tpu.dma_semaphore, #tpu.memory_space<semaphore_mem>>)
    %dma_start3A_43 = arith.constant 0 : i32
    %dma_start3A_44 = tpu.memref_slice %arg13[%add3A_32, %dma_start3A_43] : memref<10240x128xf32, #tpu.memory_space<vmem_shared>> -> memref<128x128xf32, #tpu.memory_space<vmem_shared>>
    %dma_start3A_45 = arith.constant 0 : i32
    %dma_start3A_46 = tpu.memref_slice %arg13[%add3A_32, %dma_start3A_45] : memref<10240x128xf32, #tpu.memory_space<vmem_shared>> -> memref<128x128xf32, #tpu.memory_space<vmem_shared>>
    tpu.enqueue_dma source(%arg11 : memref<128x128xf32, #tpu.memory_space<vmem>>) target(%dma_start3A_46 : memref<128x128xf32, #tpu.memory_space<vmem_shared>>) target_semaphore(%arg17 : memref<!tpu.dma_semaphore, #tpu.memory_space<semaphore_mem>>)
    %dma_start3A_47 = arith.constant 0 : i32
    %dma_start3A_48 = tpu.memref_slice %arg13[%add3A_34, %dma_start3A_47] : memref<10240x128xf32, #tpu.memory_space<vmem_shared>> -> memref<128x128xf32, #tpu.memory_space<vmem_shared>>
    %dma_start3A_49 = arith.constant 0 : i32
    %dma_start3A_50 = tpu.memref_slice %arg13[%add3A_34, %dma_start3A_49] : memref<10240x128xf32, #tpu.memory_space<vmem_shared>> -> memref<128x128xf32, #tpu.memory_space<vmem_shared>>
    tpu.enqueue_dma source(%arg11 : memref<128x128xf32, #tpu.memory_space<vmem>>) target(%dma_start3A_50 : memref<128x128xf32, #tpu.memory_space<vmem_shared>>) target_semaphore(%arg17 : memref<!tpu.dma_semaphore, #tpu.memory_space<semaphore_mem>>)
    %dma_start3A_51 = arith.constant 0 : i32
    %dma_start3A_52 = tpu.memref_slice %arg13[%add3A_36, %dma_start3A_51] : memref<10240x128xf32, #tpu.memory_space<vmem_shared>> -> memref<128x128xf32, #tpu.memory_space<vmem_shared>>
    %dma_start3A_53 = arith.constant 0 : i32
    %dma_start3A_54 = tpu.memref_slice %arg13[%add3A_36, %dma_start3A_53] : memref<10240x128xf32, #tpu.memory_space<vmem_shared>> -> memref<128x128xf32, #tpu.memory_space<vmem_shared>>
    tpu.enqueue_dma source(%arg11 : memref<128x128xf32, #tpu.memory_space<vmem>>) target(%dma_start3A_54 : memref<128x128xf32, #tpu.memory_space<vmem_shared>>) target_semaphore(%arg17 : memref<!tpu.dma_semaphore, #tpu.memory_space<semaphore_mem>>)
    %dma_start3A_55 = arith.constant 0 : i32
    %dma_start3A_56 = tpu.memref_slice %arg13[%add3A_38, %dma_start3A_55] : memref<10240x128xf32, #tpu.memory_space<vmem_shared>> -> memref<128x128xf32, #tpu.memory_space<vmem_shared>>
    %dma_start3A_57 = arith.constant 0 : i32
    %dma_start3A_58 = tpu.memref_slice %arg13[%add3A_38, %dma_start3A_57] : memref<10240x128xf32, #tpu.memory_space<vmem_shared>> -> memref<128x128xf32, #tpu.memory_space<vmem_shared>>
    tpu.enqueue_dma source(%arg11 : memref<128x128xf32, #tpu.memory_space<vmem>>) target(%dma_start3A_58 : memref<128x128xf32, #tpu.memory_space<vmem_shared>>) target_semaphore(%arg17 : memref<!tpu.dma_semaphore, #tpu.memory_space<semaphore_mem>>)
    %dma_wait3A_59 = arith.constant 0 : i32
    %dma_wait3A_60 = tpu.memref_slice %arg13[%add3A_30, %dma_wait3A_59] : memref<10240x128xf32, #tpu.memory_space<vmem_shared>> -> memref<128x128xf32, #tpu.memory_space<vmem_shared>>
    %dma_wait3A_61 = arith.constant 0 : i32
    %dma_wait3A_62 = tpu.memref_slice %arg13[%add3A_30, %dma_wait3A_61] : memref<10240x128xf32, #tpu.memory_space<vmem_shared>> -> memref<128x128xf32, #tpu.memory_space<vmem_shared>>
    tpu.wait_dma2 semaphore(%arg17 : memref<!tpu.dma_semaphore, #tpu.memory_space<semaphore_mem>>) src(%arg11 : memref<128x128xf32, #tpu.memory_space<vmem>>) dst(%dma_wait3A_62 : memref<128x128xf32, #tpu.memory_space<vmem_shared>>)
    %dma_wait3A_63 = arith.constant 0 : i32
    %dma_wait3A_64 = tpu.memref_slice %arg13[%add3A_32, %dma_wait3A_63] : memref<10240x128xf32, #tpu.memory_space<vmem_shared>> -> memref<128x128xf32, #tpu.memory_space<vmem_shared>>
    %dma_wait3A_65 = arith.constant 0 : i32
    %dma_wait3A_66 = tpu.memref_slice %arg13[%add3A_32, %dma_wait3A_65] : memref<10240x128xf32, #tpu.memory_space<vmem_shared>> -> memref<128x128xf32, #tpu.memory_space<vmem_shared>>
    tpu.wait_dma2 semaphore(%arg17 : memref<!tpu.dma_semaphore, #tpu.memory_space<semaphore_mem>>) src(%arg11 : memref<128x128xf32, #tpu.memory_space<vmem>>) dst(%dma_wait3A_66 : memref<128x128xf32, #tpu.memory_space<vmem_shared>>)
    %dma_wait3A_67 = arith.constant 0 : i32
    %dma_wait3A_68 = tpu.memref_slice %arg13[%add3A_34, %dma_wait3A_67] : memref<10240x128xf32, #tpu.memory_space<vmem_shared>> -> memref<128x128xf32, #tpu.memory_space<vmem_shared>>
    %dma_wait3A_69 = arith.constant 0 : i32
    %dma_wait3A_70 = tpu.memref_slice %arg13[%add3A_34, %dma_wait3A_69] : memref<10240x128xf32, #tpu.memory_space<vmem_shared>> -> memref<128x128xf32, #tpu.memory_space<vmem_shared>>
    tpu.wait_dma2 semaphore(%arg17 : memref<!tpu.dma_semaphore, #tpu.memory_space<semaphore_mem>>) src(%arg11 : memref<128x128xf32, #tpu.memory_space<vmem>>) dst(%dma_wait3A_70 : memref<128x128xf32, #tpu.memory_space<vmem_shared>>)
    %dma_wait3A_71 = arith.constant 0 : i32
    %dma_wait3A_72 = tpu.memref_slice %arg13[%add3A_36, %dma_wait3A_71] : memref<10240x128xf32, #tpu.memory_space<vmem_shared>> -> memref<128x128xf32, #tpu.memory_space<vmem_shared>>
    %dma_wait3A_73 = arith.constant 0 : i32
    %dma_wait3A_74 = tpu.memref_slice %arg13[%add3A_36, %dma_wait3A_73] : memref<10240x128xf32, #tpu.memory_space<vmem_shared>> -> memref<128x128xf32, #tpu.memory_space<vmem_shared>>
    tpu.wait_dma2 semaphore(%arg17 : memref<!tpu.dma_semaphore, #tpu.memory_space<semaphore_mem>>) src(%arg11 : memref<128x128xf32, #tpu.memory_space<vmem>>) dst(%dma_wait3A_74 : memref<128x128xf32, #tpu.memory_space<vmem_shared>>)
    %dma_wait3A_75 = arith.constant 0 : i32
    %dma_wait3A_76 = tpu.memref_slice %arg13[%add3A_38, %dma_wait3A_75] : memref<10240x128xf32, #tpu.memory_space<vmem_shared>> -> memref<128x128xf32, #tpu.memory_space<vmem_shared>>
    %dma_wait3A_77 = arith.constant 0 : i32
    %dma_wait3A_78 = tpu.memref_slice %arg13[%add3A_38, %dma_wait3A_77] : memref<10240x128xf32, #tpu.memory_space<vmem_shared>> -> memref<128x128xf32, #tpu.memory_space<vmem_shared>>
    tpu.wait_dma2 semaphore(%arg17 : memref<!tpu.dma_semaphore, #tpu.memory_space<semaphore_mem>>) src(%arg11 : memref<128x128xf32, #tpu.memory_space<vmem>>) dst(%dma_wait3A_78 : memref<128x128xf32, #tpu.memory_space<vmem_shared>>)
    %multiple_of3A_79 = arith.constant 128 : i32
    %multiple_of3A_80 = tpu.assume_multiple %multiple_of3A_79, 8 : i32
    %add3A_81 = arith.addi %mul3A_2, %multiple_of3A_80 : i32
    %dma_start3A_82 = tpu.memref_slice %arg4[%add3A_81] : memref<320000xi32, #tpu.memory_space<hbm>> -> memref<128xi32, #tpu.memory_space<hbm>>
    %dma_start3A_83 = tpu.memref_slice %arg4[%add3A_81] : memref<320000xi32, #tpu.memory_space<hbm>> -> memref<128xi32, #tpu.memory_space<hbm>>
    tpu.enqueue_dma source(%dma_start3A_83 : memref<128xi32, #tpu.memory_space<hbm>>) target(%arg8 : memref<128xi32, #tpu.memory_space<vmem>>) target_semaphore(%arg17 : memref<!tpu.dma_semaphore, #tpu.memory_space<semaphore_mem>>)
    %dma_start3A_84 = tpu.memref_slice %arg6[%multiple_of3A_80] : memref<10000xi32, #tpu.memory_space<vmem>> -> memref<128xi32, #tpu.memory_space<vmem>>
    %dma_start3A_85 = arith.constant 0 : i32
    %dma_start3A_86 = arith.constant 0 : i32
    %dma_start3A_87 = tpu.memref_slice %arg2[%dma_start3A_85, %dma_start3A_86] : memref<10000x128xf32, #tpu.memory_space<hbm>> -> memref<10000x128xf32, #tpu.memory_space<hbm>>
    tpu.enqueue_indirect_dma source(%dma_start3A_87 : memref<10000x128xf32, #tpu.memory_space<hbm>>) target(%arg11 : memref<128x128xf32, #tpu.memory_space<vmem>>) offsets(%dma_start3A_84 : memref<128xi32, #tpu.memory_space<vmem>>) semaphore(%arg15 : memref<!tpu.dma_semaphore, #tpu.memory_space<semaphore_mem>>)
    %add3A_88 = arith.constant 9984 : i32
    %add3A_89 = arith.addi %mul3A_2, %add3A_88 : i32
    %dma_start3A_90 = tpu.memref_slice %arg4[%add3A_89] : memref<320000xi32, #tpu.memory_space<hbm>> -> memref<16xi32, #tpu.memory_space<hbm>>
    %dma_start3A_91 = tpu.memref_slice %arg4[%add3A_89] : memref<320000xi32, #tpu.memory_space<hbm>> -> memref<16xi32, #tpu.memory_space<hbm>>
    tpu.enqueue_dma source(%dma_start3A_91 : memref<16xi32, #tpu.memory_space<hbm>>) target(%arg9 : memref<16xi32, #tpu.memory_space<vmem>>) target_semaphore(%arg18 : memref<!tpu.dma_semaphore, #tpu.memory_space<semaphore_mem>>)
    %dma_start3A_92 = arith.constant 9984 : i32
    %dma_start3A_93 = tpu.memref_slice %arg6[%dma_start3A_92] : memref<10000xi32, #tpu.memory_space<vmem>> -> memref<16xi32, #tpu.memory_space<vmem>>
    %dma_start3A_94 = arith.constant 0 : i32
    %dma_start3A_95 = arith.constant 0 : i32
    %dma_start3A_96 = tpu.memref_slice %arg2[%dma_start3A_94, %dma_start3A_95] : memref<10000x128xf32, #tpu.memory_space<hbm>> -> memref<10000x128xf32, #tpu.memory_space<hbm>>
    tpu.enqueue_indirect_dma source(%dma_start3A_96 : memref<10000x128xf32, #tpu.memory_space<hbm>>) target(%arg12 : memref<16x128xf32, #tpu.memory_space<vmem>>) offsets(%dma_start3A_93 : memref<16xi32, #tpu.memory_space<vmem>>) semaphore(%arg18 : memref<!tpu.dma_semaphore, #tpu.memory_space<semaphore_mem>>)
    %barrier3A = arith.constant 0 : index
    tpu.barrier barrier_id(%barrier3A)
    %scan3A_97 = arith.constant 0 : i32
    %scan3A_98 = arith.constant 0 : i32
    %scan3A_99 = arith.constant 37 : i32
    %scan3A_100 = arith.addi %scan3A_98, %scan3A_99 : i32
    %scan3A_101 = arith.constant 1 : i32
    scf.for %scan3A_167 = %scan3A_98 to %scan3A_100 step %scan3A_101  : i32 {
      %dma_wait3A_168 = arith.constant 0 : i32
      %dma_wait3A_169 = tpu.memref_slice %arg4[%dma_wait3A_168] : memref<320000xi32, #tpu.memory_space<hbm>> -> memref<128xi32, #tpu.memory_space<hbm>>
      %dma_wait3A_170 = arith.constant 0 : i32
      %dma_wait3A_171 = tpu.memref_slice %arg4[%dma_wait3A_170] : memref<320000xi32, #tpu.memory_space<hbm>> -> memref<128xi32, #tpu.memory_space<hbm>>
      tpu.wait_dma2 semaphore(%arg16 : memref<!tpu.dma_semaphore, #tpu.memory_space<semaphore_mem>>) src(%dma_wait3A_171 : memref<128xi32, #tpu.memory_space<hbm>>) dst(%arg7 : memref<128xi32, #tpu.memory_space<vmem>>)
      %dma_wait3A_172 = arith.constant 0 : i32
      %dma_wait3A_173 = tpu.memref_slice %arg6[%dma_wait3A_172] : memref<10000xi32, #tpu.memory_space<vmem>> -> memref<128xi32, #tpu.memory_space<vmem>>
      %dma_wait3A_174 = arith.constant 0 : i32
      %dma_wait3A_175 = arith.constant 0 : i32
      %dma_wait3A_176 = tpu.memref_slice %arg2[%dma_wait3A_174, %dma_wait3A_175] : memref<10000x128xf32, #tpu.memory_space<hbm>> -> memref<10000x128xf32, #tpu.memory_space<hbm>>
      tpu.wait_indirect_dma semaphore(%arg14 : memref<!tpu.dma_semaphore, #tpu.memory_space<semaphore_mem>>) src(%dma_wait3A_176 : memref<10000x128xf32, #tpu.memory_space<hbm>>) dst(%arg10 : memref<128x128xf32, #tpu.memory_space<vmem>>)
      "tpu.region"() ({
        %run_scoped3A = tpu.sem_alloc : memref<!tpu.dma_semaphore, #tpu.memory_space<semaphore_mem>>
        %dma_start3A_214 = arith.constant 0 : i32
        %dma_start3A_215 = arith.constant 0 : i32
        %dma_start3A_216 = tpu.memref_slice %arg13[%dma_start3A_214, %dma_start3A_215] : memref<10240x128xf32, #tpu.memory_space<vmem_shared>> -> memref<10240x128xf32, #tpu.memory_space<vmem_shared>>
        tpu.enqueue_indirect_dma source(%arg10 : memref<128x128xf32, #tpu.memory_space<vmem>>) target(%dma_start3A_216 : memref<10240x128xf32, #tpu.memory_space<vmem_shared>>) offsets(%arg7 : memref<128xi32, #tpu.memory_space<vmem>>) semaphore(%run_scoped3A : memref<!tpu.dma_semaphore, #tpu.memory_space<semaphore_mem>>) {add = true}
        %dma_wait3A_217 = arith.constant 0 : i32
        %dma_wait3A_218 = arith.constant 0 : i32
        %dma_wait3A_219 = tpu.memref_slice %arg13[%dma_wait3A_217, %dma_wait3A_218] : memref<10240x128xf32, #tpu.memory_space<vmem_shared>> -> memref<10240x128xf32, #tpu.memory_space<vmem_shared>>
        tpu.wait_indirect_dma semaphore(%run_scoped3A : memref<!tpu.dma_semaphore, #tpu.memory_space<semaphore_mem>>) src(%arg10 : memref<128x128xf32, #tpu.memory_space<vmem>>) dst(%dma_wait3A_219 : memref<10240x128xf32, #tpu.memory_space<vmem_shared>>)
        tpu.yield
      }) : () -> ()
      %mul3A_177 = arith.constant 2 : i32
      %mul3A_178 = arith.muli %mul3A_177, %scan3A_167 : i32
      %add3A_179 = arith.constant 2 : i32
      %add3A_180 = arith.addi %mul3A_178, %add3A_179 : i32
      %mul3A_181 = arith.constant 128 : i32
      %mul3A_182 = arith.muli %add3A_180, %mul3A_181 : i32
      %multiple_of3A_183 = tpu.assume_multiple %mul3A_182, 8 : i32
      %add3A_184 = arith.addi %mul3A_2, %multiple_of3A_183 : i32
      %dma_start3A_185 = tpu.memref_slice %arg4[%add3A_184] : memref<320000xi32, #tpu.memory_space<hbm>> -> memref<128xi32, #tpu.memory_space<hbm>>
      %dma_start3A_186 = tpu.memref_slice %arg4[%add3A_184] : memref<320000xi32, #tpu.memory_space<hbm>> -> memref<128xi32, #tpu.memory_space<hbm>>
      tpu.enqueue_dma source(%dma_start3A_186 : memref<128xi32, #tpu.memory_space<hbm>>) target(%arg7 : memref<128xi32, #tpu.memory_space<vmem>>) target_semaphore(%arg16 : memref<!tpu.dma_semaphore, #tpu.memory_space<semaphore_mem>>)
      %dma_start3A_187 = tpu.memref_slice %arg6[%multiple_of3A_183] : memref<10000xi32, #tpu.memory_space<vmem>> -> memref<128xi32, #tpu.memory_space<vmem>>
      %dma_start3A_188 = arith.constant 0 : i32
      %dma_start3A_189 = arith.constant 0 : i32
      %dma_start3A_190 = tpu.memref_slice %arg2[%dma_start3A_188, %dma_start3A_189] : memref<10000x128xf32, #tpu.memory_space<hbm>> -> memref<10000x128xf32, #tpu.memory_space<hbm>>
      tpu.enqueue_indirect_dma source(%dma_start3A_190 : memref<10000x128xf32, #tpu.memory_space<hbm>>) target(%arg10 : memref<128x128xf32, #tpu.memory_space<vmem>>) offsets(%dma_start3A_187 : memref<128xi32, #tpu.memory_space<vmem>>) semaphore(%arg14 : memref<!tpu.dma_semaphore, #tpu.memory_space<semaphore_mem>>)
      %dma_wait3A_191 = arith.constant 0 : i32
      %dma_wait3A_192 = tpu.memref_slice %arg4[%dma_wait3A_191] : memref<320000xi32, #tpu.memory_space<hbm>> -> memref<128xi32, #tpu.memory_space<hbm>>
      %dma_wait3A_193 = arith.constant 0 : i32
      %dma_wait3A_194 = tpu.memref_slice %arg4[%dma_wait3A_193] : memref<320000xi32, #tpu.memory_space<hbm>> -> memref<128xi32, #tpu.memory_space<hbm>>
      tpu.wait_dma2 semaphore(%arg17 : memref<!tpu.dma_semaphore, #tpu.memory_space<semaphore_mem>>) src(%dma_wait3A_194 : memref<128xi32, #tpu.memory_space<hbm>>) dst(%arg8 : memref<128xi32, #tpu.memory_space<vmem>>)
      %dma_wait3A_195 = arith.constant 0 : i32
      %dma_wait3A_196 = tpu.memref_slice %arg6[%dma_wait3A_195] : memref<10000xi32, #tpu.memory_space<vmem>> -> memref<128xi32, #tpu.memory_space<vmem>>
      %dma_wait3A_197 = arith.constant 0 : i32
      %dma_wait3A_198 = arith.constant 0 : i32
      %dma_wait3A_199 = tpu.memref_slice %arg2[%dma_wait3A_197, %dma_wait3A_198] : memref<10000x128xf32, #tpu.memory_space<hbm>> -> memref<10000x128xf32, #tpu.memory_space<hbm>>
      tpu.wait_indirect_dma semaphore(%arg15 : memref<!tpu.dma_semaphore, #tpu.memory_space<semaphore_mem>>) src(%dma_wait3A_199 : memref<10000x128xf32, #tpu.memory_space<hbm>>) dst(%arg11 : memref<128x128xf32, #tpu.memory_space<vmem>>)
      "tpu.region"() ({
        %run_scoped3A = tpu.sem_alloc : memref<!tpu.dma_semaphore, #tpu.memory_space<semaphore_mem>>
        %dma_start3A_214 = arith.constant 0 : i32
        %dma_start3A_215 = arith.constant 0 : i32
        %dma_start3A_216 = tpu.memref_slice %arg13[%dma_start3A_214, %dma_start3A_215] : memref<10240x128xf32, #tpu.memory_space<vmem_shared>> -> memref<10240x128xf32, #tpu.memory_space<vmem_shared>>
        tpu.enqueue_indirect_dma source(%arg11 : memref<128x128xf32, #tpu.memory_space<vmem>>) target(%dma_start3A_216 : memref<10240x128xf32, #tpu.memory_space<vmem_shared>>) offsets(%arg8 : memref<128xi32, #tpu.memory_space<vmem>>) semaphore(%run_scoped3A : memref<!tpu.dma_semaphore, #tpu.memory_space<semaphore_mem>>) {add = true}
        %dma_wait3A_217 = arith.constant 0 : i32
        %dma_wait3A_218 = arith.constant 0 : i32
        %dma_wait3A_219 = tpu.memref_slice %arg13[%dma_wait3A_217, %dma_wait3A_218] : memref<10240x128xf32, #tpu.memory_space<vmem_shared>> -> memref<10240x128xf32, #tpu.memory_space<vmem_shared>>
        tpu.wait_indirect_dma semaphore(%run_scoped3A : memref<!tpu.dma_semaphore, #tpu.memory_space<semaphore_mem>>) src(%arg11 : memref<128x128xf32, #tpu.memory_space<vmem>>) dst(%dma_wait3A_219 : memref<10240x128xf32, #tpu.memory_space<vmem_shared>>)
        tpu.yield
      }) : () -> ()
      %mul3A_200 = arith.constant 2 : i32
      %mul3A_201 = arith.muli %mul3A_200, %scan3A_167 : i32
      %add3A_202 = arith.constant 3 : i32
      %add3A_203 = arith.addi %mul3A_201, %add3A_202 : i32
      %mul3A_204 = arith.constant 128 : i32
      %mul3A_205 = arith.muli %add3A_203, %mul3A_204 : i32
      %multiple_of3A_206 = tpu.assume_multiple %mul3A_205, 8 : i32
      %add3A_207 = arith.addi %mul3A_2, %multiple_of3A_206 : i32
      %dma_start3A_208 = tpu.memref_slice %arg4[%add3A_207] : memref<320000xi32, #tpu.memory_space<hbm>> -> memref<128xi32, #tpu.memory_space<hbm>>
      %dma_start3A_209 = tpu.memref_slice %arg4[%add3A_207] : memref<320000xi32, #tpu.memory_space<hbm>> -> memref<128xi32, #tpu.memory_space<hbm>>
      tpu.enqueue_dma source(%dma_start3A_209 : memref<128xi32, #tpu.memory_space<hbm>>) target(%arg8 : memref<128xi32, #tpu.memory_space<vmem>>) target_semaphore(%arg17 : memref<!tpu.dma_semaphore, #tpu.memory_space<semaphore_mem>>)
      %dma_start3A_210 = tpu.memref_slice %arg6[%multiple_of3A_206] : memref<10000xi32, #tpu.memory_space<vmem>> -> memref<128xi32, #tpu.memory_space<vmem>>
      %dma_start3A_211 = arith.constant 0 : i32
      %dma_start3A_212 = arith.constant 0 : i32
      %dma_start3A_213 = tpu.memref_slice %arg2[%dma_start3A_211, %dma_start3A_212] : memref<10000x128xf32, #tpu.memory_space<hbm>> -> memref<10000x128xf32, #tpu.memory_space<hbm>>
      tpu.enqueue_indirect_dma source(%dma_start3A_213 : memref<10000x128xf32, #tpu.memory_space<hbm>>) target(%arg11 : memref<128x128xf32, #tpu.memory_space<vmem>>) offsets(%dma_start3A_210 : memref<128xi32, #tpu.memory_space<vmem>>) semaphore(%arg15 : memref<!tpu.dma_semaphore, #tpu.memory_space<semaphore_mem>>)
    }
    %scan3A_102 = arith.constant 37 : i32
    %dma_wait3A_103 = arith.constant 0 : i32
    %dma_wait3A_104 = tpu.memref_slice %arg4[%dma_wait3A_103] : memref<320000xi32, #tpu.memory_space<hbm>> -> memref<128xi32, #tpu.memory_space<hbm>>
    %dma_wait3A_105 = arith.constant 0 : i32
    %dma_wait3A_106 = tpu.memref_slice %arg4[%dma_wait3A_105] : memref<320000xi32, #tpu.memory_space<hbm>> -> memref<128xi32, #tpu.memory_space<hbm>>
    tpu.wait_dma2 semaphore(%arg16 : memref<!tpu.dma_semaphore, #tpu.memory_space<semaphore_mem>>) src(%dma_wait3A_106 : memref<128xi32, #tpu.memory_space<hbm>>) dst(%arg7 : memref<128xi32, #tpu.memory_space<vmem>>)
    %dma_wait3A_107 = arith.constant 0 : i32
    %dma_wait3A_108 = tpu.memref_slice %arg6[%dma_wait3A_107] : memref<10000xi32, #tpu.memory_space<vmem>> -> memref<128xi32, #tpu.memory_space<vmem>>
    %dma_wait3A_109 = arith.constant 0 : i32
    %dma_wait3A_110 = arith.constant 0 : i32
    %dma_wait3A_111 = tpu.memref_slice %arg2[%dma_wait3A_109, %dma_wait3A_110] : memref<10000x128xf32, #tpu.memory_space<hbm>> -> memref<10000x128xf32, #tpu.memory_space<hbm>>
    tpu.wait_indirect_dma semaphore(%arg14 : memref<!tpu.dma_semaphore, #tpu.memory_space<semaphore_mem>>) src(%dma_wait3A_111 : memref<10000x128xf32, #tpu.memory_space<hbm>>) dst(%arg10 : memref<128x128xf32, #tpu.memory_space<vmem>>)
    "tpu.region"() ({
      %run_scoped3A = tpu.sem_alloc : memref<!tpu.dma_semaphore, #tpu.memory_space<semaphore_mem>>
      %dma_start3A_167 = arith.constant 0 : i32
      %dma_start3A_168 = arith.constant 0 : i32
      %dma_start3A_169 = tpu.memref_slice %arg13[%dma_start3A_167, %dma_start3A_168] : memref<10240x128xf32, #tpu.memory_space<vmem_shared>> -> memref<10240x128xf32, #tpu.memory_space<vmem_shared>>
      tpu.enqueue_indirect_dma source(%arg10 : memref<128x128xf32, #tpu.memory_space<vmem>>) target(%dma_start3A_169 : memref<10240x128xf32, #tpu.memory_space<vmem_shared>>) offsets(%arg7 : memref<128xi32, #tpu.memory_space<vmem>>) semaphore(%run_scoped3A : memref<!tpu.dma_semaphore, #tpu.memory_space<semaphore_mem>>) {add = true}
      %dma_wait3A_170 = arith.constant 0 : i32
      %dma_wait3A_171 = arith.constant 0 : i32
      %dma_wait3A_172 = tpu.memref_slice %arg13[%dma_wait3A_170, %dma_wait3A_171] : memref<10240x128xf32, #tpu.memory_space<vmem_shared>> -> memref<10240x128xf32, #tpu.memory_space<vmem_shared>>
      tpu.wait_indirect_dma semaphore(%run_scoped3A : memref<!tpu.dma_semaphore, #tpu.memory_space<semaphore_mem>>) src(%arg10 : memref<128x128xf32, #tpu.memory_space<vmem>>) dst(%dma_wait3A_172 : memref<10240x128xf32, #tpu.memory_space<vmem_shared>>)
      tpu.yield
    }) : () -> ()
    %multiple_of3A_112 = arith.constant 9728 : i32
    %multiple_of3A_113 = tpu.assume_multiple %multiple_of3A_112, 8 : i32
    %add3A_114 = arith.addi %mul3A_2, %multiple_of3A_113 : i32
    %dma_start3A_115 = tpu.memref_slice %arg4[%add3A_114] : memref<320000xi32, #tpu.memory_space<hbm>> -> memref<128xi32, #tpu.memory_space<hbm>>
    %dma_start3A_116 = tpu.memref_slice %arg4[%add3A_114] : memref<320000xi32, #tpu.memory_space<hbm>> -> memref<128xi32, #tpu.memory_space<hbm>>
    tpu.enqueue_dma source(%dma_start3A_116 : memref<128xi32, #tpu.memory_space<hbm>>) target(%arg7 : memref<128xi32, #tpu.memory_space<vmem>>) target_semaphore(%arg16 : memref<!tpu.dma_semaphore, #tpu.memory_space<semaphore_mem>>)
    %dma_start3A_117 = tpu.memref_slice %arg6[%multiple_of3A_113] : memref<10000xi32, #tpu.memory_space<vmem>> -> memref<128xi32, #tpu.memory_space<vmem>>
    %dma_start3A_118 = arith.constant 0 : i32
    %dma_start3A_119 = arith.constant 0 : i32
    %dma_start3A_120 = tpu.memref_slice %arg2[%dma_start3A_118, %dma_start3A_119] : memref<10000x128xf32, #tpu.memory_space<hbm>> -> memref<10000x128xf32, #tpu.memory_space<hbm>>
    tpu.enqueue_indirect_dma source(%dma_start3A_120 : memref<10000x128xf32, #tpu.memory_space<hbm>>) target(%arg10 : memref<128x128xf32, #tpu.memory_space<vmem>>) offsets(%dma_start3A_117 : memref<128xi32, #tpu.memory_space<vmem>>) semaphore(%arg14 : memref<!tpu.dma_semaphore, #tpu.memory_space<semaphore_mem>>)
    %dma_wait3A_121 = arith.constant 0 : i32
    %dma_wait3A_122 = tpu.memref_slice %arg4[%dma_wait3A_121] : memref<320000xi32, #tpu.memory_space<hbm>> -> memref<128xi32, #tpu.memory_space<hbm>>
    %dma_wait3A_123 = arith.constant 0 : i32
    %dma_wait3A_124 = tpu.memref_slice %arg4[%dma_wait3A_123] : memref<320000xi32, #tpu.memory_space<hbm>> -> memref<128xi32, #tpu.memory_space<hbm>>
    tpu.wait_dma2 semaphore(%arg17 : memref<!tpu.dma_semaphore, #tpu.memory_space<semaphore_mem>>) src(%dma_wait3A_124 : memref<128xi32, #tpu.memory_space<hbm>>) dst(%arg8 : memref<128xi32, #tpu.memory_space<vmem>>)
    %dma_wait3A_125 = arith.constant 0 : i32
    %dma_wait3A_126 = tpu.memref_slice %arg6[%dma_wait3A_125] : memref<10000xi32, #tpu.memory_space<vmem>> -> memref<128xi32, #tpu.memory_space<vmem>>
    %dma_wait3A_127 = arith.constant 0 : i32
    %dma_wait3A_128 = arith.constant 0 : i32
    %dma_wait3A_129 = tpu.memref_slice %arg2[%dma_wait3A_127, %dma_wait3A_128] : memref<10000x128xf32, #tpu.memory_space<hbm>> -> memref<10000x128xf32, #tpu.memory_space<hbm>>
    tpu.wait_indirect_dma semaphore(%arg15 : memref<!tpu.dma_semaphore, #tpu.memory_space<semaphore_mem>>) src(%dma_wait3A_129 : memref<10000x128xf32, #tpu.memory_space<hbm>>) dst(%arg11 : memref<128x128xf32, #tpu.memory_space<vmem>>)
    "tpu.region"() ({
      %run_scoped3A = tpu.sem_alloc : memref<!tpu.dma_semaphore, #tpu.memory_space<semaphore_mem>>
      %dma_start3A_167 = arith.constant 0 : i32
      %dma_start3A_168 = arith.constant 0 : i32
      %dma_start3A_169 = tpu.memref_slice %arg13[%dma_start3A_167, %dma_start3A_168] : memref<10240x128xf32, #tpu.memory_space<vmem_shared>> -> memref<10240x128xf32, #tpu.memory_space<vmem_shared>>
      tpu.enqueue_indirect_dma source(%arg11 : memref<128x128xf32, #tpu.memory_space<vmem>>) target(%dma_start3A_169 : memref<10240x128xf32, #tpu.memory_space<vmem_shared>>) offsets(%arg8 : memref<128xi32, #tpu.memory_space<vmem>>) semaphore(%run_scoped3A : memref<!tpu.dma_semaphore, #tpu.memory_space<semaphore_mem>>) {add = true}
      %dma_wait3A_170 = arith.constant 0 : i32
      %dma_wait3A_171 = arith.constant 0 : i32
      %dma_wait3A_172 = tpu.memref_slice %arg13[%dma_wait3A_170, %dma_wait3A_171] : memref<10240x128xf32, #tpu.memory_space<vmem_shared>> -> memref<10240x128xf32, #tpu.memory_space<vmem_shared>>
      tpu.wait_indirect_dma semaphore(%run_scoped3A : memref<!tpu.dma_semaphore, #tpu.memory_space<semaphore_mem>>) src(%arg11 : memref<128x128xf32, #tpu.memory_space<vmem>>) dst(%dma_wait3A_172 : memref<10240x128xf32, #tpu.memory_space<vmem_shared>>)
      tpu.yield
    }) : () -> ()
    %multiple_of3A_130 = arith.constant 9856 : i32
    %multiple_of3A_131 = tpu.assume_multiple %multiple_of3A_130, 8 : i32
    %add3A_132 = arith.addi %mul3A_2, %multiple_of3A_131 : i32
    %dma_start3A_133 = tpu.memref_slice %arg4[%add3A_132] : memref<320000xi32, #tpu.memory_space<hbm>> -> memref<128xi32, #tpu.memory_space<hbm>>
    %dma_start3A_134 = tpu.memref_slice %arg4[%add3A_132] : memref<320000xi32, #tpu.memory_space<hbm>> -> memref<128xi32, #tpu.memory_space<hbm>>
    tpu.enqueue_dma source(%dma_start3A_134 : memref<128xi32, #tpu.memory_space<hbm>>) target(%arg8 : memref<128xi32, #tpu.memory_space<vmem>>) target_semaphore(%arg17 : memref<!tpu.dma_semaphore, #tpu.memory_space<semaphore_mem>>)
    %dma_start3A_135 = tpu.memref_slice %arg6[%multiple_of3A_131] : memref<10000xi32, #tpu.memory_space<vmem>> -> memref<128xi32, #tpu.memory_space<vmem>>
    %dma_start3A_136 = arith.constant 0 : i32
    %dma_start3A_137 = arith.constant 0 : i32
    %dma_start3A_138 = tpu.memref_slice %arg2[%dma_start3A_136, %dma_start3A_137] : memref<10000x128xf32, #tpu.memory_space<hbm>> -> memref<10000x128xf32, #tpu.memory_space<hbm>>
    tpu.enqueue_indirect_dma source(%dma_start3A_138 : memref<10000x128xf32, #tpu.memory_space<hbm>>) target(%arg11 : memref<128x128xf32, #tpu.memory_space<vmem>>) offsets(%dma_start3A_135 : memref<128xi32, #tpu.memory_space<vmem>>) semaphore(%arg15 : memref<!tpu.dma_semaphore, #tpu.memory_space<semaphore_mem>>)
    %dma_wait3A_139 = arith.constant 0 : i32
    %dma_wait3A_140 = tpu.memref_slice %arg4[%dma_wait3A_139] : memref<320000xi32, #tpu.memory_space<hbm>> -> memref<128xi32, #tpu.memory_space<hbm>>
    %dma_wait3A_141 = arith.constant 0 : i32
    %dma_wait3A_142 = tpu.memref_slice %arg4[%dma_wait3A_141] : memref<320000xi32, #tpu.memory_space<hbm>> -> memref<128xi32, #tpu.memory_space<hbm>>
    tpu.wait_dma2 semaphore(%arg16 : memref<!tpu.dma_semaphore, #tpu.memory_space<semaphore_mem>>) src(%dma_wait3A_142 : memref<128xi32, #tpu.memory_space<hbm>>) dst(%arg7 : memref<128xi32, #tpu.memory_space<vmem>>)
    %dma_wait3A_143 = arith.constant 0 : i32
    %dma_wait3A_144 = tpu.memref_slice %arg6[%dma_wait3A_143] : memref<10000xi32, #tpu.memory_space<vmem>> -> memref<128xi32, #tpu.memory_space<vmem>>
    %dma_wait3A_145 = arith.constant 0 : i32
    %dma_wait3A_146 = arith.constant 0 : i32
    %dma_wait3A_147 = tpu.memref_slice %arg2[%dma_wait3A_145, %dma_wait3A_146] : memref<10000x128xf32, #tpu.memory_space<hbm>> -> memref<10000x128xf32, #tpu.memory_space<hbm>>
    tpu.wait_indirect_dma semaphore(%arg14 : memref<!tpu.dma_semaphore, #tpu.memory_space<semaphore_mem>>) src(%dma_wait3A_147 : memref<10000x128xf32, #tpu.memory_space<hbm>>) dst(%arg10 : memref<128x128xf32, #tpu.memory_space<vmem>>)
    "tpu.region"() ({
      %run_scoped3A = tpu.sem_alloc : memref<!tpu.dma_semaphore, #tpu.memory_space<semaphore_mem>>
      %dma_start3A_167 = arith.constant 0 : i32
      %dma_start3A_168 = arith.constant 0 : i32
      %dma_start3A_169 = tpu.memref_slice %arg13[%dma_start3A_167, %dma_start3A_168] : memref<10240x128xf32, #tpu.memory_space<vmem_shared>> -> memref<10240x128xf32, #tpu.memory_space<vmem_shared>>
      tpu.enqueue_indirect_dma source(%arg10 : memref<128x128xf32, #tpu.memory_space<vmem>>) target(%dma_start3A_169 : memref<10240x128xf32, #tpu.memory_space<vmem_shared>>) offsets(%arg7 : memref<128xi32, #tpu.memory_space<vmem>>) semaphore(%run_scoped3A : memref<!tpu.dma_semaphore, #tpu.memory_space<semaphore_mem>>) {add = true}
      %dma_wait3A_170 = arith.constant 0 : i32
      %dma_wait3A_171 = arith.constant 0 : i32
      %dma_wait3A_172 = tpu.memref_slice %arg13[%dma_wait3A_170, %dma_wait3A_171] : memref<10240x128xf32, #tpu.memory_space<vmem_shared>> -> memref<10240x128xf32, #tpu.memory_space<vmem_shared>>
      tpu.wait_indirect_dma semaphore(%run_scoped3A : memref<!tpu.dma_semaphore, #tpu.memory_space<semaphore_mem>>) src(%arg10 : memref<128x128xf32, #tpu.memory_space<vmem>>) dst(%dma_wait3A_172 : memref<10240x128xf32, #tpu.memory_space<vmem_shared>>)
      tpu.yield
    }) : () -> ()
    %dma_wait3A_148 = arith.constant 0 : i32
    %dma_wait3A_149 = tpu.memref_slice %arg4[%dma_wait3A_148] : memref<320000xi32, #tpu.memory_space<hbm>> -> memref<128xi32, #tpu.memory_space<hbm>>
    %dma_wait3A_150 = arith.constant 0 : i32
    %dma_wait3A_151 = tpu.memref_slice %arg4[%dma_wait3A_150] : memref<320000xi32, #tpu.memory_space<hbm>> -> memref<128xi32, #tpu.memory_space<hbm>>
    tpu.wait_dma2 semaphore(%arg17 : memref<!tpu.dma_semaphore, #tpu.memory_space<semaphore_mem>>) src(%dma_wait3A_151 : memref<128xi32, #tpu.memory_space<hbm>>) dst(%arg8 : memref<128xi32, #tpu.memory_space<vmem>>)
    %dma_wait3A_152 = arith.constant 0 : i32
    %dma_wait3A_153 = tpu.memref_slice %arg6[%dma_wait3A_152] : memref<10000xi32, #tpu.memory_space<vmem>> -> memref<128xi32, #tpu.memory_space<vmem>>
    %dma_wait3A_154 = arith.constant 0 : i32
    %dma_wait3A_155 = arith.constant 0 : i32
    %dma_wait3A_156 = tpu.memref_slice %arg2[%dma_wait3A_154, %dma_wait3A_155] : memref<10000x128xf32, #tpu.memory_space<hbm>> -> memref<10000x128xf32, #tpu.memory_space<hbm>>
    tpu.wait_indirect_dma semaphore(%arg15 : memref<!tpu.dma_semaphore, #tpu.memory_space<semaphore_mem>>) src(%dma_wait3A_156 : memref<10000x128xf32, #tpu.memory_space<hbm>>) dst(%arg11 : memref<128x128xf32, #tpu.memory_space<vmem>>)
    "tpu.region"() ({
      %run_scoped3A = tpu.sem_alloc : memref<!tpu.dma_semaphore, #tpu.memory_space<semaphore_mem>>
      %dma_start3A_167 = arith.constant 0 : i32
      %dma_start3A_168 = arith.constant 0 : i32
      %dma_start3A_169 = tpu.memref_slice %arg13[%dma_start3A_167, %dma_start3A_168] : memref<10240x128xf32, #tpu.memory_space<vmem_shared>> -> memref<10240x128xf32, #tpu.memory_space<vmem_shared>>
      tpu.enqueue_indirect_dma source(%arg11 : memref<128x128xf32, #tpu.memory_space<vmem>>) target(%dma_start3A_169 : memref<10240x128xf32, #tpu.memory_space<vmem_shared>>) offsets(%arg8 : memref<128xi32, #tpu.memory_space<vmem>>) semaphore(%run_scoped3A : memref<!tpu.dma_semaphore, #tpu.memory_space<semaphore_mem>>) {add = true}
      %dma_wait3A_170 = arith.constant 0 : i32
      %dma_wait3A_171 = arith.constant 0 : i32
      %dma_wait3A_172 = tpu.memref_slice %arg13[%dma_wait3A_170, %dma_wait3A_171] : memref<10240x128xf32, #tpu.memory_space<vmem_shared>> -> memref<10240x128xf32, #tpu.memory_space<vmem_shared>>
      tpu.wait_indirect_dma semaphore(%run_scoped3A : memref<!tpu.dma_semaphore, #tpu.memory_space<semaphore_mem>>) src(%arg11 : memref<128x128xf32, #tpu.memory_space<vmem>>) dst(%dma_wait3A_172 : memref<10240x128xf32, #tpu.memory_space<vmem_shared>>)
      tpu.yield
    }) : () -> ()
    %dma_wait3A_157 = arith.constant 0 : i32
    %dma_wait3A_158 = tpu.memref_slice %arg4[%dma_wait3A_157] : memref<320000xi32, #tpu.memory_space<hbm>> -> memref<16xi32, #tpu.memory_space<hbm>>
    %dma_wait3A_159 = arith.constant 0 : i32
    %dma_wait3A_160 = tpu.memref_slice %arg4[%dma_wait3A_159] : memref<320000xi32, #tpu.memory_space<hbm>> -> memref<16xi32, #tpu.memory_space<hbm>>
    tpu.wait_dma2 semaphore(%arg18 : memref<!tpu.dma_semaphore, #tpu.memory_space<semaphore_mem>>) src(%dma_wait3A_160 : memref<16xi32, #tpu.memory_space<hbm>>) dst(%arg9 : memref<16xi32, #tpu.memory_space<vmem>>)
    %dma_wait3A_161 = arith.constant 0 : i32
    %dma_wait3A_162 = tpu.memref_slice %arg6[%dma_wait3A_161] : memref<10000xi32, #tpu.memory_space<vmem>> -> memref<16xi32, #tpu.memory_space<vmem>>
    %dma_wait3A_163 = arith.constant 0 : i32
    %dma_wait3A_164 = arith.constant 0 : i32
    %dma_wait3A_165 = tpu.memref_slice %arg2[%dma_wait3A_163, %dma_wait3A_164] : memref<10000x128xf32, #tpu.memory_space<hbm>> -> memref<10000x128xf32, #tpu.memory_space<hbm>>
    tpu.wait_indirect_dma semaphore(%arg18 : memref<!tpu.dma_semaphore, #tpu.memory_space<semaphore_mem>>) src(%dma_wait3A_165 : memref<10000x128xf32, #tpu.memory_space<hbm>>) dst(%arg12 : memref<16x128xf32, #tpu.memory_space<vmem>>)
    "tpu.region"() ({
      %run_scoped3A = tpu.sem_alloc : memref<!tpu.dma_semaphore, #tpu.memory_space<semaphore_mem>>
      %dma_start3A_167 = arith.constant 0 : i32
      %dma_start3A_168 = arith.constant 0 : i32
      %dma_start3A_169 = tpu.memref_slice %arg13[%dma_start3A_167, %dma_start3A_168] : memref<10240x128xf32, #tpu.memory_space<vmem_shared>> -> memref<10240x128xf32, #tpu.memory_space<vmem_shared>>
      tpu.enqueue_indirect_dma source(%arg12 : memref<16x128xf32, #tpu.memory_space<vmem>>) target(%dma_start3A_169 : memref<10240x128xf32, #tpu.memory_space<vmem_shared>>) offsets(%arg9 : memref<16xi32, #tpu.memory_space<vmem>>) semaphore(%run_scoped3A : memref<!tpu.dma_semaphore, #tpu.memory_space<semaphore_mem>>) {add = true}
      %dma_wait3A_170 = arith.constant 0 : i32
      %dma_wait3A_171 = arith.constant 0 : i32
      %dma_wait3A_172 = tpu.memref_slice %arg13[%dma_wait3A_170, %dma_wait3A_171] : memref<10240x128xf32, #tpu.memory_space<vmem_shared>> -> memref<10240x128xf32, #tpu.memory_space<vmem_shared>>
      tpu.wait_indirect_dma semaphore(%run_scoped3A : memref<!tpu.dma_semaphore, #tpu.memory_space<semaphore_mem>>) src(%arg12 : memref<16x128xf32, #tpu.memory_space<vmem>>) dst(%dma_wait3A_172 : memref<10240x128xf32, #tpu.memory_space<vmem_shared>>)
      tpu.yield
    }) : () -> ()
    %barrier3A_166 = arith.constant 0 : index
    tpu.barrier barrier_id(%barrier3A_166)
    "tpu.region"() ({
      %run_scoped3A = tpu.sem_alloc : memref<!tpu.dma_semaphore, #tpu.memory_space<semaphore_mem>>
      %dma_start3A_167 = arith.constant 0 : i32
      %dma_start3A_168 = tpu.memref_slice %arg5[%arg0, %mul3A_28, %dma_start3A_167] : memref<2x10240x128xf32, #tpu.memory_space<hbm>> -> memref<1x640x128xf32, #tpu.memory_space<hbm>>
      %dma_start3A_169 = tpu.memref_squeeze %dma_start3A_168 : memref<1x640x128xf32, #tpu.memory_space<hbm>> -> memref<640x128xf32, #tpu.memory_space<hbm>>
      %dma_start3A_170 = arith.constant 0 : i32
      %dma_start3A_171 = tpu.memref_slice %arg13[%mul3A_28, %dma_start3A_170] : memref<10240x128xf32, #tpu.memory_space<vmem_shared>> -> memref<640x128xf32, #tpu.memory_space<vmem_shared>>
      tpu.enqueue_dma source(%dma_start3A_171 : memref<640x128xf32, #tpu.memory_space<vmem_shared>>) target(%dma_start3A_169 : memref<640x128xf32, #tpu.memory_space<hbm>>) target_semaphore(%run_scoped3A : memref<!tpu.dma_semaphore, #tpu.memory_space<semaphore_mem>>)
      %dma_wait3A_172 = arith.constant 0 : i32
      %dma_wait3A_173 = tpu.memref_slice %arg5[%arg0, %mul3A_28, %dma_wait3A_172] : memref<2x10240x128xf32, #tpu.memory_space<hbm>> -> memref<1x640x128xf32, #tpu.memory_space<hbm>>
      %dma_wait3A_174 = tpu.memref_squeeze %dma_wait3A_173 : memref<1x640x128xf32, #tpu.memory_space<hbm>> -> memref<640x128xf32, #tpu.memory_space<hbm>>
      %dma_wait3A_175 = arith.constant 0 : i32
      %dma_wait3A_176 = tpu.memref_slice %arg13[%mul3A_28, %dma_wait3A_175] : memref<10240x128xf32, #tpu.memory_space<vmem_shared>> -> memref<640x128xf32, #tpu.memory_space<vmem_shared>>
      tpu.wait_dma2 semaphore(%run_scoped3A : memref<!tpu.dma_semaphore, #tpu.memory_space<semaphore_mem>>) src(%dma_wait3A_176 : memref<640x128xf32, #tpu.memory_space<vmem_shared>>) dst(%dma_wait3A_174 : memref<640x128xf32, #tpu.memory_space<hbm>>)
      tpu.yield
    }) : () -> ()
    return
  }
}

module attributes {stable_mosaic.version = 14 : i64} {
  func.func @body(%arg0: i32, %arg1: memref<2000x128xf32, #tpu.memory_space<vmem>>, %arg2: memref<2x2000x128xf32, #tpu.memory_space<vmem>>, %arg3: memref<1x1x2000xi32, #tpu.memory_space<vmem>>, %arg4: memref<128x128xf32, #tpu.memory_space<vmem>>, %arg5: memref<1x128xf32, #tpu.memory_space<vmem>>, %arg6: memref<128x128xf32, #tpu.memory_space<vmem>>, %arg7: memref<1x128xf32, #tpu.memory_space<vmem>>, %arg8: memref<2000x128xf32, #tpu.memory_space<vmem>>, %arg9: memref<128x128xf32, #tpu.memory_space<vmem>>) attributes {dimension_semantics = [#tpu.dimension_semantics<arbitrary>], iteration_bounds = array<i64: 5>, scalar_prefetch = 0 : i64, scratch_operands = 0 : i64, tpu.core_type = #tpu.core_type<tc>, window_params = [{transform_indices = @transform_0, window_bounds = array<i64: 2000, 128>}, {transform_indices = @transform_1, window_bounds = array<i64: 2, 2000, 128>}, {transform_indices = @transform_2, window_bounds = array<i64: 1, 1, 2000>}, {pipeline_mode = #tpu.pipeline_mode<synchronous>, transform_indices = @transform_3, window_bounds = array<i64: 128, 128>}, {pipeline_mode = #tpu.pipeline_mode<synchronous>, transform_indices = @transform_4, window_bounds = array<i64: 1, 128>}, {pipeline_mode = #tpu.pipeline_mode<synchronous>, transform_indices = @transform_5, window_bounds = array<i64: 128, 128>}, {pipeline_mode = #tpu.pipeline_mode<synchronous>, transform_indices = @transform_6, window_bounds = array<i64: 1, 128>}, {transform_indices = @transform_7, window_bounds = array<i64: 2000, 128>}, {pipeline_mode = #tpu.pipeline_mode<synchronous>, transform_indices = @transform_8, window_bounds = array<i64: 128, 128>}]} {
    %eq3A = arith.constant 0 : i32
    %eq3A_0 = arith.cmpi eq, %arg0, %eq3A : i32
    %convert_element_type3A = arith.extui %eq3A_0 : i1 to i32
    %cond3A = arith.constant 0 : i32
    %cond3A_1 = arith.cmpi ne, %convert_element_type3A, %cond3A : i32
    scf.if %cond3A_1 {
      %broadcast_in_dim3A = arith.constant 0.000000e+00 : f32
      %broadcast_in_dim3A_60 = vector.broadcast %broadcast_in_dim3A : f32 to vector<128x128xf32>
      %swap3A_61 = arith.constant 0 : index
      %swap3A_62 = arith.constant 0 : index
      %swap3A_63 = vector.load %arg9[%swap3A_61, %swap3A_62] : memref<128x128xf32, #tpu.memory_space<vmem>>, vector<128x128xf32>
      tpu.vector_store %arg9[%swap3A_61, %swap3A_62], %broadcast_in_dim3A_60 {strides = array<i32>} : memref<128x128xf32, #tpu.memory_space<vmem>>, vector<128x128xf32>,
    } else {
    }
    %get3A = arith.constant 0 : index
    %get3A_2 = arith.constant 0 : index
    %get3A_3 = arith.constant 0 : index
    %get3A_4 = vector.load %arg2[%get3A, %get3A_2, %get3A_3] : memref<2x2000x128xf32, #tpu.memory_space<vmem>>, vector<1x2000x128xf32>
    %get3A_5 = vector.shape_cast %get3A_4 : vector<1x2000x128xf32> to vector<2000x128xf32>
    %get3A_6 = arith.constant 1 : index
    %get3A_7 = arith.constant 0 : index
    %get3A_8 = arith.constant 0 : index
    %get3A_9 = vector.load %arg2[%get3A_6, %get3A_7, %get3A_8] : memref<2x2000x128xf32, #tpu.memory_space<vmem>>, vector<1x2000x128xf32>
    %get3A_10 = vector.shape_cast %get3A_9 : vector<1x2000x128xf32> to vector<2000x128xf32>
    %add3A = arith.addf %get3A_5, %get3A_10 : vector<2000x128xf32>
    %get3A_11 = arith.constant 0 : index
    %get3A_12 = arith.constant 0 : index
    %get3A_13 = vector.load %arg1[%get3A_11, %get3A_12] : memref<2000x128xf32, #tpu.memory_space<vmem>>, vector<2000x128xf32>
    %add3A_14 = arith.addf %add3A, %get3A_13 : vector<2000x128xf32>
    %get3A_15 = arith.constant 0 : index
    %get3A_16 = arith.constant 0 : index
    %get3A_17 = vector.load %arg4[%get3A_15, %get3A_16] : memref<128x128xf32, #tpu.memory_space<vmem>>, vector<128x128xf32>
    %dot_general3A = arith.constant dense<0.000000e+00> : vector<2000x128xf32>
    %dot_general3A_18 = tpu.matmul %add3A_14, %get3A_17, %dot_general3A {dimension_numbers = #tpu.dot_dimension_numbers<[1], [0], [0], [1], [0, 0, 1, 1], [], []>, transpose_lhs_hint = false} : vector<2000x128xf32>, vector<128x128xf32>, vector<2000x128xf32> -> vector<2000x128xf32>
    %get3A_19 = arith.constant 0 : index
    %get3A_20 = arith.constant 0 : index
    %get3A_21 = vector.load %arg5[%get3A_19, %get3A_20] : memref<1x128xf32, #tpu.memory_space<vmem>>, vector<1x128xf32>
    %add3A_22 = vector.broadcast %get3A_21 : vector<1x128xf32> to vector<2000x128xf32>
    %add3A_23 = arith.addf %dot_general3A_18, %add3A_22 : vector<2000x128xf32>
    %max3A = arith.constant 0.000000e+00 : f32
    %max3A_24 = vector.broadcast %max3A : f32 to vector<2000x128xf32>
    %max3A_25 = arith.maximumf %add3A_23, %max3A_24 : vector<2000x128xf32>
    %get3A_26 = arith.constant 0 : index
    %get3A_27 = arith.constant 0 : index
    %get3A_28 = vector.load %arg6[%get3A_26, %get3A_27] : memref<128x128xf32, #tpu.memory_space<vmem>>, vector<128x128xf32>
    %dot_general3A_29 = arith.constant dense<0.000000e+00> : vector<2000x128xf32>
    %dot_general3A_30 = tpu.matmul %max3A_25, %get3A_28, %dot_general3A_29 {dimension_numbers = #tpu.dot_dimension_numbers<[1], [0], [0], [1], [0, 0, 1, 1], [], []>, transpose_lhs_hint = false} : vector<2000x128xf32>, vector<128x128xf32>, vector<2000x128xf32> -> vector<2000x128xf32>
    %get3A_31 = arith.constant 0 : index
    %get3A_32 = arith.constant 0 : index
    %get3A_33 = vector.load %arg7[%get3A_31, %get3A_32] : memref<1x128xf32, #tpu.memory_space<vmem>>, vector<1x128xf32>
    %add3A_34 = vector.broadcast %get3A_33 : vector<1x128xf32> to vector<2000x128xf32>
    %add3A_35 = arith.addf %dot_general3A_30, %add3A_34 : vector<2000x128xf32>
    %max3A_36 = arith.constant 0.000000e+00 : f32
    %max3A_37 = vector.broadcast %max3A_36 : f32 to vector<2000x128xf32>
    %max3A_38 = arith.maximumf %add3A_35, %max3A_37 : vector<2000x128xf32>
    %mul3A = arith.constant 0.999994993 : f32
    %mul3A_39 = vector.broadcast %mul3A : f32 to vector<2000x128xf32>
    %mul3A_40 = arith.mulf %max3A_38, %mul3A_39 : vector<2000x128xf32>
    %swap3A = arith.constant 0 : index
    %swap3A_41 = arith.constant 0 : index
    %swap3A_42 = vector.load %arg8[%swap3A, %swap3A_41] : memref<2000x128xf32, #tpu.memory_space<vmem>>, vector<2000x128xf32>
    tpu.vector_store %arg8[%swap3A, %swap3A_41], %mul3A_40 {strides = array<i32>} : memref<2000x128xf32, #tpu.memory_space<vmem>>, vector<2000x128xf32>,
    %iota3A = tpu.iota {dimensions = array<i32: 0>} : vector<128x2000xi32>
    %get3A_43 = arith.constant 0 : index
    %get3A_44 = arith.constant 0 : index
    %get3A_45 = arith.constant 0 : index
    %get3A_46 = vector.load %arg3[%get3A_43, %get3A_44, %get3A_45] : memref<1x1x2000xi32, #tpu.memory_space<vmem>>, vector<1x1x2000xi32>
    %reshape3A = vector.shape_cast %get3A_46 : vector<1x1x2000xi32> to vector<1x2000xi32>
    %eq3A_47 = vector.broadcast %reshape3A : vector<1x2000xi32> to vector<128x2000xi32>
    %eq3A_48 = arith.cmpi eq, %iota3A, %eq3A_47 : vector<128x2000xi32>
    %convert_element_type3A_49 = arith.extui %eq3A_48 : vector<128x2000xi1> to vector<128x2000xi32>
    %convert_element_type3A_50 = arith.sitofp %convert_element_type3A_49 : vector<128x2000xi32> to vector<128x2000xf32>
    %dot_general3A_51 = arith.constant dense<0.000000e+00> : vector<128x128xf32>
    %dot_general3A_52 = tpu.matmul %convert_element_type3A_50, %mul3A_40, %dot_general3A_51 {dimension_numbers = #tpu.dot_dimension_numbers<[1], [0], [0], [1], [0, 0, 1, 1], [], []>, transpose_lhs_hint = false} : vector<128x2000xf32>, vector<2000x128xf32>, vector<128x128xf32> -> vector<128x128xf32>
    %get3A_53 = arith.constant 0 : index
    %get3A_54 = arith.constant 0 : index
    %get3A_55 = vector.load %arg9[%get3A_53, %get3A_54] : memref<128x128xf32, #tpu.memory_space<vmem>>, vector<128x128xf32>
    %add3A_56 = arith.addf %get3A_55, %dot_general3A_52 : vector<128x128xf32>
    %swap3A_57 = arith.constant 0 : index
    %swap3A_58 = arith.constant 0 : index
    %swap3A_59 = vector.load %arg9[%swap3A_57, %swap3A_58] : memref<128x128xf32, #tpu.memory_space<vmem>>, vector<128x128xf32>
    tpu.vector_store %arg9[%swap3A_57, %swap3A_58], %add3A_56 {strides = array<i32>} : memref<128x128xf32, #tpu.memory_space<vmem>>, vector<128x128xf32>,
    return
  }
  func.func @transform_0(%arg0: i32) -> (i32, i32) {
    %c0_i32 = arith.constant 0 : i32
    %c0_i32_0 = arith.constant 0 : i32
    return %arg0, %c0_i32 : i32, i32
  }
  func.func @transform_1(%arg0: i32) -> (i32, i32, i32) {
    %c0_i32 = arith.constant 0 : i32
    %c0_i32_0 = arith.constant 0 : i32
    %c0_i32_1 = arith.constant 0 : i32
    return %c0_i32, %arg0, %c0_i32_0 : i32, i32, i32
  }
  func.func @transform_2(%arg0: i32) -> (i32, i32, i32) {
    %c0_i32 = arith.constant 0 : i32
    %c0_i32_0 = arith.constant 0 : i32
    %c0_i32_1 = arith.constant 0 : i32
    return %arg0, %c0_i32, %c0_i32_0 : i32, i32, i32
  }
  func.func @transform_3(%arg0: i32) -> (i32, i32) {
    %c0_i32 = arith.constant 0 : i32
    %c0_i32_0 = arith.constant 0 : i32
    %c0_i32_1 = arith.constant 0 : i32
    return %c0_i32, %c0_i32_0 : i32, i32
  }
  func.func @transform_4(%arg0: i32) -> (i32, i32) {
    %c0_i32 = arith.constant 0 : i32
    %c0_i32_0 = arith.constant 0 : i32
    %c0_i32_1 = arith.constant 0 : i32
    return %c0_i32, %c0_i32_0 : i32, i32
  }
  func.func @transform_5(%arg0: i32) -> (i32, i32) {
    %c0_i32 = arith.constant 0 : i32
    %c0_i32_0 = arith.constant 0 : i32
    %c0_i32_1 = arith.constant 0 : i32
    return %c0_i32, %c0_i32_0 : i32, i32
  }
  func.func @transform_6(%arg0: i32) -> (i32, i32) {
    %c0_i32 = arith.constant 0 : i32
    %c0_i32_0 = arith.constant 0 : i32
    %c0_i32_1 = arith.constant 0 : i32
    return %c0_i32, %c0_i32_0 : i32, i32
  }
  func.func @transform_7(%arg0: i32) -> (i32, i32) {
    %c0_i32 = arith.constant 0 : i32
    %c0_i32_0 = arith.constant 0 : i32
    return %arg0, %c0_i32 : i32, i32
  }
  func.func @transform_8(%arg0: i32) -> (i32, i32) {
    %c0_i32 = arith.constant 0 : i32
    %c0_i32_0 = arith.constant 0 : i32
    %c0_i32_1 = arith.constant 0 : i32
    return %c0_i32, %c0_i32_0 : i32, i32
  }
}

module attributes {stable_mosaic.version = 14 : i64} {
  func.func @body(%arg0: i32, %arg1: memref<2000x128xf32, #tpu.memory_space<vmem>>, %arg2: memref<2x2000x128xf32, #tpu.memory_space<vmem>>, %arg3: memref<1x1x2000xi32, #tpu.memory_space<vmem>>, %arg4: memref<128x128xf32, #tpu.memory_space<vmem>>, %arg5: memref<1x128xf32, #tpu.memory_space<vmem>>, %arg6: memref<128x128xf32, #tpu.memory_space<vmem>>, %arg7: memref<1x128xf32, #tpu.memory_space<vmem>>, %arg8: memref<128x128xf32, #tpu.memory_space<vmem>>, %arg9: memref<128x128xf32, #tpu.memory_space<vmem>>, %arg10: memref<2000x128xf32, #tpu.memory_space<vmem>>, %arg11: memref<128x384xf32, #tpu.memory_space<vmem>>) attributes {dimension_semantics = [#tpu.dimension_semantics<arbitrary>], iteration_bounds = array<i64: 5>, scalar_prefetch = 0 : i64, scratch_operands = 0 : i64, tpu.core_type = #tpu.core_type<tc>, window_params = [{transform_indices = @transform_0, window_bounds = array<i64: 2000, 128>}, {transform_indices = @transform_1, window_bounds = array<i64: 2, 2000, 128>}, {transform_indices = @transform_2, window_bounds = array<i64: 1, 1, 2000>}, {pipeline_mode = #tpu.pipeline_mode<synchronous>, transform_indices = @transform_3, window_bounds = array<i64: 128, 128>}, {pipeline_mode = #tpu.pipeline_mode<synchronous>, transform_indices = @transform_4, window_bounds = array<i64: 1, 128>}, {pipeline_mode = #tpu.pipeline_mode<synchronous>, transform_indices = @transform_5, window_bounds = array<i64: 128, 128>}, {pipeline_mode = #tpu.pipeline_mode<synchronous>, transform_indices = @transform_6, window_bounds = array<i64: 1, 128>}, {pipeline_mode = #tpu.pipeline_mode<synchronous>, transform_indices = @transform_7, window_bounds = array<i64: 128, 128>}, {pipeline_mode = #tpu.pipeline_mode<synchronous>, transform_indices = @transform_8, window_bounds = array<i64: 128, 128>}, {transform_indices = @transform_9, window_bounds = array<i64: 2000, 128>}, {pipeline_mode = #tpu.pipeline_mode<synchronous>, transform_indices = @transform_10, window_bounds = array<i64: 128, 384>}]} {
    %eq3A = arith.constant 0 : i32
    %eq3A_0 = arith.cmpi eq, %arg0, %eq3A : i32
    %convert_element_type3A = arith.extui %eq3A_0 : i1 to i32
    %cond3A = arith.constant 0 : i32
    %cond3A_1 = arith.cmpi ne, %convert_element_type3A, %cond3A : i32
    scf.if %cond3A_1 {
      %get3A_60 = arith.constant 0 : index
      %get3A_61 = arith.constant 0 : index
      %get3A_62 = vector.load %arg8[%get3A_60, %get3A_61] : memref<128x128xf32, #tpu.memory_space<vmem>>, vector<128x128xf32>
      %swap3A_63 = arith.constant 0 : index
      %swap3A_64 = arith.constant 0 : index
      %swap3A_65 = vector.load %arg11[%swap3A_63, %swap3A_64] : memref<128x384xf32, #tpu.memory_space<vmem>>, vector<128x128xf32>
      tpu.vector_store %arg11[%swap3A_63, %swap3A_64], %get3A_62 {strides = array<i32>} : memref<128x384xf32, #tpu.memory_space<vmem>>, vector<128x128xf32>,
      %get3A_66 = arith.constant 0 : index
      %get3A_67 = arith.constant 0 : index
      %get3A_68 = vector.load %arg9[%get3A_66, %get3A_67] : memref<128x128xf32, #tpu.memory_space<vmem>>, vector<128x128xf32>
      %swap3A_69 = arith.constant 0 : index
      %swap3A_70 = arith.constant 128 : index
      %swap3A_71 = vector.load %arg11[%swap3A_69, %swap3A_70] : memref<128x384xf32, #tpu.memory_space<vmem>>, vector<128x128xf32>
      tpu.vector_store %arg11[%swap3A_69, %swap3A_70], %get3A_68 {strides = array<i32>} : memref<128x384xf32, #tpu.memory_space<vmem>>, vector<128x128xf32>,
      %broadcast_in_dim3A = arith.constant 0.000000e+00 : f32
      %broadcast_in_dim3A_72 = vector.broadcast %broadcast_in_dim3A : f32 to vector<128x128xf32>
      %swap3A_73 = arith.constant 0 : index
      %swap3A_74 = arith.constant 256 : index
      %swap3A_75 = vector.load %arg11[%swap3A_73, %swap3A_74] : memref<128x384xf32, #tpu.memory_space<vmem>>, vector<128x128xf32>
      tpu.vector_store %arg11[%swap3A_73, %swap3A_74], %broadcast_in_dim3A_72 {strides = array<i32>} : memref<128x384xf32, #tpu.memory_space<vmem>>, vector<128x128xf32>,
    } else {
    }
    %get3A = arith.constant 0 : index
    %get3A_2 = arith.constant 0 : index
    %get3A_3 = arith.constant 0 : index
    %get3A_4 = vector.load %arg2[%get3A, %get3A_2, %get3A_3] : memref<2x2000x128xf32, #tpu.memory_space<vmem>>, vector<1x2000x128xf32>
    %get3A_5 = vector.shape_cast %get3A_4 : vector<1x2000x128xf32> to vector<2000x128xf32>
    %get3A_6 = arith.constant 1 : index
    %get3A_7 = arith.constant 0 : index
    %get3A_8 = arith.constant 0 : index
    %get3A_9 = vector.load %arg2[%get3A_6, %get3A_7, %get3A_8] : memref<2x2000x128xf32, #tpu.memory_space<vmem>>, vector<1x2000x128xf32>
    %get3A_10 = vector.shape_cast %get3A_9 : vector<1x2000x128xf32> to vector<2000x128xf32>
    %add3A = arith.addf %get3A_5, %get3A_10 : vector<2000x128xf32>
    %get3A_11 = arith.constant 0 : index
    %get3A_12 = arith.constant 0 : index
    %get3A_13 = vector.load %arg1[%get3A_11, %get3A_12] : memref<2000x128xf32, #tpu.memory_space<vmem>>, vector<2000x128xf32>
    %add3A_14 = arith.addf %add3A, %get3A_13 : vector<2000x128xf32>
    %get3A_15 = arith.constant 0 : index
    %get3A_16 = arith.constant 0 : index
    %get3A_17 = vector.load %arg4[%get3A_15, %get3A_16] : memref<128x128xf32, #tpu.memory_space<vmem>>, vector<128x128xf32>
    %dot_general3A = arith.constant dense<0.000000e+00> : vector<2000x128xf32>
    %dot_general3A_18 = tpu.matmul %add3A_14, %get3A_17, %dot_general3A {dimension_numbers = #tpu.dot_dimension_numbers<[1], [0], [0], [1], [0, 0, 1, 1], [], []>, transpose_lhs_hint = false} : vector<2000x128xf32>, vector<128x128xf32>, vector<2000x128xf32> -> vector<2000x128xf32>
    %get3A_19 = arith.constant 0 : index
    %get3A_20 = arith.constant 0 : index
    %get3A_21 = vector.load %arg5[%get3A_19, %get3A_20] : memref<1x128xf32, #tpu.memory_space<vmem>>, vector<1x128xf32>
    %add3A_22 = vector.broadcast %get3A_21 : vector<1x128xf32> to vector<2000x128xf32>
    %add3A_23 = arith.addf %dot_general3A_18, %add3A_22 : vector<2000x128xf32>
    %max3A = arith.constant 0.000000e+00 : f32
    %max3A_24 = vector.broadcast %max3A : f32 to vector<2000x128xf32>
    %max3A_25 = arith.maximumf %add3A_23, %max3A_24 : vector<2000x128xf32>
    %get3A_26 = arith.constant 0 : index
    %get3A_27 = arith.constant 0 : index
    %get3A_28 = vector.load %arg6[%get3A_26, %get3A_27] : memref<128x128xf32, #tpu.memory_space<vmem>>, vector<128x128xf32>
    %dot_general3A_29 = arith.constant dense<0.000000e+00> : vector<2000x128xf32>
    %dot_general3A_30 = tpu.matmul %max3A_25, %get3A_28, %dot_general3A_29 {dimension_numbers = #tpu.dot_dimension_numbers<[1], [0], [0], [1], [0, 0, 1, 1], [], []>, transpose_lhs_hint = false} : vector<2000x128xf32>, vector<128x128xf32>, vector<2000x128xf32> -> vector<2000x128xf32>
    %get3A_31 = arith.constant 0 : index
    %get3A_32 = arith.constant 0 : index
    %get3A_33 = vector.load %arg7[%get3A_31, %get3A_32] : memref<1x128xf32, #tpu.memory_space<vmem>>, vector<1x128xf32>
    %add3A_34 = vector.broadcast %get3A_33 : vector<1x128xf32> to vector<2000x128xf32>
    %add3A_35 = arith.addf %dot_general3A_30, %add3A_34 : vector<2000x128xf32>
    %max3A_36 = arith.constant 0.000000e+00 : f32
    %max3A_37 = vector.broadcast %max3A_36 : f32 to vector<2000x128xf32>
    %max3A_38 = arith.maximumf %add3A_35, %max3A_37 : vector<2000x128xf32>
    %mul3A = arith.constant 0.999994993 : f32
    %mul3A_39 = vector.broadcast %mul3A : f32 to vector<2000x128xf32>
    %mul3A_40 = arith.mulf %max3A_38, %mul3A_39 : vector<2000x128xf32>
    %swap3A = arith.constant 0 : index
    %swap3A_41 = arith.constant 0 : index
    %swap3A_42 = vector.load %arg10[%swap3A, %swap3A_41] : memref<2000x128xf32, #tpu.memory_space<vmem>>, vector<2000x128xf32>
    tpu.vector_store %arg10[%swap3A, %swap3A_41], %mul3A_40 {strides = array<i32>} : memref<2000x128xf32, #tpu.memory_space<vmem>>, vector<2000x128xf32>,
    %iota3A = tpu.iota {dimensions = array<i32: 0>} : vector<128x2000xi32>
    %get3A_43 = arith.constant 0 : index
    %get3A_44 = arith.constant 0 : index
    %get3A_45 = arith.constant 0 : index
    %get3A_46 = vector.load %arg3[%get3A_43, %get3A_44, %get3A_45] : memref<1x1x2000xi32, #tpu.memory_space<vmem>>, vector<1x1x2000xi32>
    %reshape3A = vector.shape_cast %get3A_46 : vector<1x1x2000xi32> to vector<1x2000xi32>
    %eq3A_47 = vector.broadcast %reshape3A : vector<1x2000xi32> to vector<128x2000xi32>
    %eq3A_48 = arith.cmpi eq, %iota3A, %eq3A_47 : vector<128x2000xi32>
    %convert_element_type3A_49 = arith.extui %eq3A_48 : vector<128x2000xi1> to vector<128x2000xi32>
    %convert_element_type3A_50 = arith.sitofp %convert_element_type3A_49 : vector<128x2000xi32> to vector<128x2000xf32>
    %dot_general3A_51 = arith.constant dense<0.000000e+00> : vector<128x128xf32>
    %dot_general3A_52 = tpu.matmul %convert_element_type3A_50, %mul3A_40, %dot_general3A_51 {dimension_numbers = #tpu.dot_dimension_numbers<[1], [0], [0], [1], [0, 0, 1, 1], [], []>, transpose_lhs_hint = false} : vector<128x2000xf32>, vector<2000x128xf32>, vector<128x128xf32> -> vector<128x128xf32>
    %get3A_53 = arith.constant 0 : index
    %get3A_54 = arith.constant 256 : index
    %get3A_55 = vector.load %arg11[%get3A_53, %get3A_54] : memref<128x384xf32, #tpu.memory_space<vmem>>, vector<128x128xf32>
    %add3A_56 = arith.addf %get3A_55, %dot_general3A_52 : vector<128x128xf32>
    %swap3A_57 = arith.constant 0 : index
    %swap3A_58 = arith.constant 256 : index
    %swap3A_59 = vector.load %arg11[%swap3A_57, %swap3A_58] : memref<128x384xf32, #tpu.memory_space<vmem>>, vector<128x128xf32>
    tpu.vector_store %arg11[%swap3A_57, %swap3A_58], %add3A_56 {strides = array<i32>} : memref<128x384xf32, #tpu.memory_space<vmem>>, vector<128x128xf32>,
    return
  }
  func.func @transform_0(%arg0: i32) -> (i32, i32) {
    %c0_i32 = arith.constant 0 : i32
    %c0_i32_0 = arith.constant 0 : i32
    return %arg0, %c0_i32 : i32, i32
  }
  func.func @transform_1(%arg0: i32) -> (i32, i32, i32) {
    %c0_i32 = arith.constant 0 : i32
    %c0_i32_0 = arith.constant 0 : i32
    %c0_i32_1 = arith.constant 0 : i32
    return %c0_i32, %arg0, %c0_i32_0 : i32, i32, i32
  }
  func.func @transform_2(%arg0: i32) -> (i32, i32, i32) {
    %c0_i32 = arith.constant 0 : i32
    %c0_i32_0 = arith.constant 0 : i32
    %c0_i32_1 = arith.constant 0 : i32
    return %arg0, %c0_i32, %c0_i32_0 : i32, i32, i32
  }
  func.func @transform_3(%arg0: i32) -> (i32, i32) {
    %c0_i32 = arith.constant 0 : i32
    %c0_i32_0 = arith.constant 0 : i32
    %c0_i32_1 = arith.constant 0 : i32
    return %c0_i32, %c0_i32_0 : i32, i32
  }
  func.func @transform_4(%arg0: i32) -> (i32, i32) {
    %c0_i32 = arith.constant 0 : i32
    %c0_i32_0 = arith.constant 0 : i32
    %c0_i32_1 = arith.constant 0 : i32
    return %c0_i32, %c0_i32_0 : i32, i32
  }
  func.func @transform_5(%arg0: i32) -> (i32, i32) {
    %c0_i32 = arith.constant 0 : i32
    %c0_i32_0 = arith.constant 0 : i32
    %c0_i32_1 = arith.constant 0 : i32
    return %c0_i32, %c0_i32_0 : i32, i32
  }
  func.func @transform_6(%arg0: i32) -> (i32, i32) {
    %c0_i32 = arith.constant 0 : i32
    %c0_i32_0 = arith.constant 0 : i32
    %c0_i32_1 = arith.constant 0 : i32
    return %c0_i32, %c0_i32_0 : i32, i32
  }
  func.func @transform_7(%arg0: i32) -> (i32, i32) {
    %c0_i32 = arith.constant 0 : i32
    %c0_i32_0 = arith.constant 0 : i32
    %c0_i32_1 = arith.constant 0 : i32
    return %c0_i32, %c0_i32_0 : i32, i32
  }
  func.func @transform_8(%arg0: i32) -> (i32, i32) {
    %c0_i32 = arith.constant 0 : i32
    %c0_i32_0 = arith.constant 0 : i32
    %c0_i32_1 = arith.constant 0 : i32
    return %c0_i32, %c0_i32_0 : i32, i32
  }
  func.func @transform_9(%arg0: i32) -> (i32, i32) {
    %c0_i32 = arith.constant 0 : i32
    %c0_i32_0 = arith.constant 0 : i32
    return %arg0, %c0_i32 : i32, i32
  }
  func.func @transform_10(%arg0: i32) -> (i32, i32) {
    %c0_i32 = arith.constant 0 : i32
    %c0_i32_0 = arith.constant 0 : i32
    %c0_i32_1 = arith.constant 0 : i32
    return %c0_i32, %c0_i32_0 : i32, i32
  }
}

</mosaic_0001>

<sc_bundles>
// kernel: kernel.11.cloned.1.call-start
scs
__scs_entry_jumppad:
0x0: {  	(pc) =	sbr.rel $0x88, $3  }
0x1: {  	(tag) =	ssettag $0x0;
	lr =	simm.s32 $0x1  }
0x2: {  	[smem:$0x3F92] =	sst lr;
	_ =	strace $0xD0000000  }
0x3: {  	_ = 	snop  }
0x4: {  	_ = 	snop  }
0x5: {  	_ = 	snop  }
0x6: {  	_ = 	snop  }
0x7: {  	_ = 	snop  }
__scs_overlays_trampoline_lowered:
0x8: {  	[smem:$0x3FA1] =	sst s0  }
0x9: {  	[smem:$0x3FA2] =	sst s1  }
0xa: {  	[smem:$0x3FA3] =	sst s2  }
0xb: {  	[smem:$0x3FA4] =	sst s3  }
0xc: {  	[smem:$0x3FA5] =	sst s4  }
0xd: {  	[smem:$0x3FA6] =	sst s5  }
0xe: {  	[smem:$0x3FA7] =	sst s6  }
0xf: {  	[smem:$0x3FA8] =	sst s7  }
0x10: {  	[smem:$0x3FA9] =	sst s8  }
0x11: {  	[smem:$0x3FAA] =	sst s9;
	s0 =	simm.s32 @!p0 $0x0  }
0x12: {  	s1 =	sld [smem:$0x3F90];
	s0 =	simm.s32 @p0 $0x1  }
0x13: {  	[smem:$0x3FAB] =	sst s0;
	s0 =	simm.s32 @!p1 $0x0  }
0x14: {  	s2 =	sld [smem:$0x3F8F];
	s0 =	simm.s32 @p1 $0x1  }
0x15: {  	[smem:$0x3FAC] =	sst s0;
	s0 =	simm.s32 @!p2 $0x0  }
0x16: {  	s3 =	sld [smem:$0x3FDB];
	s0 =	simm.s32 @p2 $0x1  }
0x17: {  	s4 =	simm.s32 $0x1BF5;
	[smem:$0x3FAE] =	sst s0  }
0x18: {  	s0 =	sld [smem:$0x3F91];
	_ =	swait.ge [sflag:s4], $0x0  }
0x19: {  	s7 =	sld [smem:$0x3F92]  }
0x1a: {  	s8 =	sadd.s32 $0xFFFFE003, lr  }
0x1b: {  	s9 =	sadd.s32 $0xFFFFFEF7, lr;
	s5 =	simm.s32 $0xFFFFFFFF;
	p2 =	slt.u32 s8, $0xFFFFF086  }
0x1c: {  	p1 =	slt.u32 s9, $0xF7A;
	s5 =	simm.s32 @!p2 $0x0  }
0x1d: {  	s5 =	simm.s32 @p1 $0x1;
	p0 =	seq.s32 s7, s2  }
0x1e: {  	s7 =	smul.u32 @!p0 $0xF7A, s2;
	p2 =	seq.s32 @!p0 s5, $0x0  }
0x1f: {  	s9 =	smul.u32 $0xF7A, s1;
	s8 =	simm.s32 @!p0 $0x1BF5;
	p2 =	por !p2, p0  }
0x20: {  	[sflag:s8] =	ssyncset.s32 @!p0 $0xFFFFF086;
	s6 =	sadd.s32 @!p0 s3, s7;
	s7 =	simm.s32 @!p0 $0x108  }
0x21: {  	s3 =	sadd.s32 s3, s9;
	s6 =	sadd.s32 @!p0 $0x88, s6;
	s7 =	simm.s32 @p2 $0x1082  }
0x22: {  	[simem:s7], [sflag:s8] =	dma.local @!p0 [hbm:s6], $0xF7A  }
0x23: {  	s9 =	sor.u32 $0xD0000000, s2;
	s6 =	simm.s32 $0x108;
	_ =	swait.ge @!p0 [sflag:s8], $0x0  }
0x24: {  	s3 =	sadd.s32 $0x88, s3;
	s6 =	simm.s32 @!p1 $0x1082;
	[sflag:s4] =	ssyncset.s32 $0xFFFFF086  }
0x25: {  	[simem:s6], [sflag:s4] =	dma.local [hbm:s3], $0xF7A  }
0x26: {  	[smem:$0x3F92] =	sst s1;
	(tag) =	ssettag s2;
	_ =	strace s9  }
0x27: {  	s1 =	sld [smem:$0x3FA2]  }
0x28: {  	s2 =	sld [smem:$0x3FA3]  }
0x29: {  	s4 =	sld [smem:$0x3FA5]  }
0x2a: {  	p0 =	seq.s32 s5, $0x0;
	s5 =	sld [smem:$0x3FA6]  }
0x2b: {  	s6 =	sld [smem:$0x3FA7]  }
0x2c: {  	s7 =	sld [smem:$0x3FA8]  }
0x2d: {  	s3 =	simm.s32 $0x108;
	s8 =	sld [smem:$0x3FA9]  }
0x2e: {  	s3 =	simm.s32 @!p0 $0x1082;
	s9 =	sld [smem:$0x3FAA]  }
0x2f: {  	lr =	sadd.s32 s0, s3;
	s0 =	sld [smem:$0x3FA1]  }
0x30: {  	s3 =	sld [smem:$0x3FA4]  }
0x31: {  	[smem:$0x3FAD] =	sst s10  }
0x32: {  	s10 =	sld [smem:$0x3FAB];
	_ =	sdelay $0x3  }
0x33: {  	p0 =	seq.s32 s10, $0x1;
	s10 =	sld [smem:$0x3FAD];
	_ =	sdelay $0x3  }
0x34: {  	[smem:$0x3FAD] =	sst s10  }
0x35: {  	s10 =	sld [smem:$0x3FAC];
	_ =	sdelay $0x3  }
0x36: {  	p1 =	seq.s32 s10, $0x1;
	s10 =	sld [smem:$0x3FAD];
	_ =	sdelay $0x3  }
0x37: {  	[smem:$0x3FAD] =	sst s10  }
0x38: {  	s10 =	sld [smem:$0x3FAE]  }
0x39: {  	_ = 	snop;
	(pc) =	sbr.ind lr, $3  }
0x3a: {  	_ = 	snop  }
0x3b: {  	_ = 	snop  }
0x3c: {  	p2 =	seq.s32 s10, $0x1;
	s10 =	sld [smem:$0x3FAD]  }
0x3d: {  	_ =	shalt  }
0x3e: {  	_ =	shalt  }
0x3f: {  	_ =	shalt  }
0x40: {  	_ =	shalt  }
0x41: {  	_ =	shalt  }
0x42: {  	_ =	shalt  }
0x43: {  	_ =	shalt  }
0x44: {  	_ =	shalt  }
0x45: {  	_ =	shalt  }
0x46: {  	_ =	shalt  }
0x47: {  	_ =	shalt  }
0x48: {  	_ =	shalt  }
0x49: {  	_ =	shalt  }
0x4a: {  	_ =	shalt  }
0x4b: {  	_ =	shalt  }
0x4c: {  	_ =	shalt  }
0x4d: {  	_ =	shalt  }
0x4e: {  	_ =	shalt  }
0x4f: {  	_ =	shalt  }
0x50: {  	_ =	shalt  }
0x51: {  	_ =	shalt  }
0x52: {  	_ =	shalt  }
0x53: {  	_ =	shalt  }
0x54: {  	_ =	shalt  }
0x55: {  	_ =	shalt  }
0x56: {  	_ =	shalt  }
0x57: {  	_ =	shalt  }
0x58: {  	_ =	shalt  }
0x59: {  	_ =	shalt  }
0x5a: {  	_ =	shalt  }
0x5b: {  	_ =	shalt  }
0x5c: {  	_ =	shalt  }
0x5d: {  	_ =	shalt  }
0x5e: {  	_ =	shalt  }
0x5f: {  	_ =	shalt  }
0x60: {  	_ =	shalt  }
0x61: {  	_ =	shalt  }
0x62: {  	_ =	shalt  }
0x63: {  	_ =	shalt  }
0x64: {  	_ =	shalt  }
0x65: {  	_ =	shalt  }
0x66: {  	_ =	shalt  }
0x67: {  	_ =	shalt  }
0x68: {  	_ =	shalt  }
0x69: {  	_ =	shalt  }
0x6a: {  	_ =	shalt  }
0x6b: {  	_ =	shalt  }
0x6c: {  	_ =	shalt  }
0x6d: {  	_ =	shalt  }
0x6e: {  	_ =	shalt  }
0x6f: {  	_ =	shalt  }
0x70: {  	_ =	shalt  }
0x71: {  	_ =	shalt  }
0x72: {  	_ =	shalt  }
0x73: {  	_ =	shalt  }
0x74: {  	_ =	shalt  }
0x75: {  	_ =	shalt  }
0x76: {  	_ =	shalt  }
0x77: {  	_ =	shalt  }
0x78: {  	_ =	shalt  }
0x79: {  	_ =	shalt  }
0x7a: {  	_ =	shalt  }
0x7b: {  	_ =	shalt  }
0x7c: {  	_ =	shalt  }
0x7d: {  	_ =	shalt  }
0x7e: {  	_ =	shalt  }
0x7f: {  	_ =	shalt  }
0x80: {  	_ =	shalt  }
0x81: {  	_ =	shalt  }
0x82: {  	_ =	shalt  }
0x83: {  	_ =	shalt  }
0x84: {  	_ =	shalt  }
0x85: {  	_ =	shalt  }
0x86: {  	_ =	shalt  }
0x87: {  	_ =	shalt  }
.Lfunc_end0:
.L_simem_size_0:
called_computation.1_lowered:
.L_overlay_start_0:
0x88: {  	s2 =	sld [smem:$0x3FD9]  }
0x89: {  	s3 =	sld [smem:$0x3FFE];
	_ =	sdelay $0x1  }
0x8a: {  	s1 =	srdreg.scid  }
0x8b: {  	s0 =	sand.u32 $0x1, s1  }
0x8c: {  	s16 =	sshll.u32 s0, $0xA;
	s2 =	sadd.s32 s3, s2  }
0x8d: {  	s2 =	sadd.s32 s2, s16  }
0x8e: {  	[smem:$0x3FB9] =	sst s2  }
0x8f: {  	_ = 	snop  }
0x90: {  	(tm) =	ssettm $0x1  }
0x91: {  	s17 =	sld [smem:$0x3FFB];
	_ =	sdelay $0x3  }
0x92: {  	_ =	strace s17  }
0x93: {  	s2 =	sld [smem:$0x3FFC];
	_ =	sdelay $0x3  }
0x94: {  	_ =	strace s2  }
0x95: {  	s2 =	sld [smem:$0x3FFD];
	_ =	sdelay $0x3  }
0x96: {  	_ =	strace s2  }
0x97: {  	_ =	strace $0x8FFFFFFF  }
0x98: {  	s18 =	sld [smem:$0x3FDB];
	_ =	sdelay $0x1  }
0x99: {  	s19 =	simm.s32 $_scs_section_size  }
0x9a: {  	s4 =	simm.s32 $_size__tile_overlayer_lowered;
	s5 =	simm.s32 $_tile_overlayer_lowered  }
0x9b: {  	s22 =	simm.s32 $0x1BFF;
	s21 =	sshll.u32 s5, $0x1;
	s2 =	sadd.s32 s19, s18  }
0x9c: {  	s6 =	simm.s32 $0x0;
	s20 =	sshll.u32 s4, $0x1;
	s4 =	sadd.s32 s21, s2  }
0x9d: {  	[timem:s6], [sflag:s22] =	dma.local [hbm:s4], s20  }
0x9e: {  	_ =	swait.ge [sflag:s22], s20  }
0x9f: {  	s3 =	ssub.s32 $0x0, s20;
	[sflag:s22] =	ssyncset.done $0x0  }
0xa0: {  	[sflag:s22] =	ssyncadd.s32 s3;
	_ =	sdelay $0x1  }
0xa1: {  	s23 =	simm.s32 $0x1B8B  }
0xa2: {  	_ =	swait.ge [sflag:s23], $0x1  }
0xa3: {  	[sflag:s23] =	ssyncset.done $0x0  }
0xa4: {  	s25 =	simm.s32 $0x1B8E;
	s24 =	sld [smem:$0x3FFE];
	[sflag:s23] =	ssyncadd.s32 $0xFFFFFFFF  }
0xa5: {  	s26 =	simm.s32 $execute0_lowered;
	[smem:$0x3FD2] =	sst s25  }
0xa6: {  	s4 =	sshll.u32 s26, $0x1;
	_ =	strace $0x80000049;
	[dreg:$0x1] =	wrdreg $0xFFFFFFFF  }
0xa7: {  	s28 =	simm.s32 $_size_execute0_lowered;
	s2 =	sadd.s32 s2, s4;
	[dreg:$0x0] =	wrdreg $0x0  }
0xa8: {  	s4 =	sshll.u32 s28, $0x1;
	[dreg:$0x2] =	wrdreg s2  }
0xa9: {  	[dreg:$0x3] =	wrdreg s4  }
0xaa: {  	[dreg:$0x4] =	wrdreg $0xC0  }
0xab: {  	_ =	task [dreg:s6], $0x5FFFF  }
0xac: {  	[dreg:$0x1] =	wrdreg $0xFFFFFFFF  }
0xad: {  	[dreg:$0x0] =	wrdreg $0x60  }
0xae: {  	[dreg:$0x2] =	wrdreg s24  }
0xaf: {  	[dreg:$0x3] =	wrdreg $0xB1000  }
0xb0: {  	[dreg:$0x4] =	wrdreg $0x9  }
0xb1: {  	_ =	task.clear_ibuf [dreg:s6], $0x5FFFF;
	_ =	strace $0x90000049  }
0xb2: {  	s29 =	simm.s32 $0x9;
	_ =	strace $0x8000004B  }
0xb3: {  	_ =	swait.ge [sflag:s29], $0x1  }
0xb4: {  	[sflag:s29] =	ssyncadd.s32 $0xFFFFFFFF  }
0xb5: {  	_ =	strace $0x9000004B  }
0xb6: {  	_ =	sfence  }
0xb7: {  	s30 =	sld [smem:$0x0];
	_ =	sdelay $0x2  }
0xb8: {  	s31 =	sshll.u32 s1, $0xD;
	s1 =	sshrl.u32 s1, $0x2  }
0xb9: {  	s3 =	sand.u32 $0x4000, s31;
	s1 =	sadd.s32 s1, s30  }
0xba: {  	s0 =	sor.u32 s3, s0;
	s1 =	sshll.u32 s1, $0x11  }
0xbb: {  	s0 =	sor.u32 s1, s0  }
0xbc: {  	s0 =	sadd.s32 $0x8F2B, s0  }
0xbd: {  	[sflag:s0] =	ssyncadd.remote.s32 $0x1  }
0xbe: {  	_ =	sfence.sel $0xFFFF  }
0xbf: {  	[dreg:$0x0] =	wrdreg $0xFFFFFFFF;
	(pc) =	sbr.abs _section_cstart, $3  }
0xc0: {  	[dreg:$0x1] =	wrdreg $0xFFFFFFFF  }
0xc1: {  	_ =	task.clear_ibuf [dreg:s6], $0x2FFFF;
	_ =	strace $0x9FFFFFFF  }
0xc2: {  	(tm) =	ssettm $0x7FFFFFFF  }
0xc3: {  	_ =	shalt  }
tec
execute0_lowered:
.L_overlay_start_1:
0x0: {  	(tag) =	ssettag $0x1  }
0x1: {  	s0 =	srdreg.scid  }
0x2: {  	s12 =	stileid.u32;
	s1 =	rddreg [dreg:$0x0]  }
0x3: {  	s2 =	rddreg [dreg:$0x1];
	s28 =	simm.s32 $0x4;
	s8 =	smul.u32 $0x14000, s12  }
0x4: {  	s29 =	simm.s32 $0x2800;
	s10 =	sshrl.u32 s12, $0x2;
	s16 =	smul.u32 $0x4E20, s12  }
0x5: {  	s30 =	simm.s32 $0x2880;
	s0 =	sand.u32 $0x1, s0;
	s4 =	smul.u32 $0x13C00, s10  }
0x6: {  	s31 =	simm.s32 $0x10;
	s3 =	sshll.u32 s12, $0x1;
	s7 =	smul.u32 $0x140000, s0  }
0x7: {  	s6 =	sor.u32 s0, s3;
	s3 =	simm.s32 $0x0;
	s10 =	smul.u32 $0x50000, s12  }
0x8: {  	s11 =	ssub.s32 $0x2, s0;
	s0 =	smul.u32 $0x2710, s0;
	s5 =	sshll.u32 s6, $0x7  }
0x9: {  	[smem:$0x7FF] =	sst s3;
	s13 =	sshrl.u32 s11, $0x1;
	s6 =	smul.u32 $0x2710, s6  }
0xa: {  	s5 =	sand.u32 $0x380, s5;
	_ =	strace $0x8000004A;
	s7 =	sadd.s32 s8, s7  }
0xb: {  	s11 =	ssub.s32 s11, s13;
	s15 =	sshrl.u32 s10, $0x2;
	s0 =	sadd.s32 s0, s16  }
0xc: {  	s10 =	simm.s32 $0x0;
	s5 =	sor.u32 s4, s5;
	s4 =	sadd.s32 $0x18200, s1  }
0xd: {  	s7 =	sshrl.u32 s7, $0x3;
	s6 =	sshrl.u32 s6, $0x3;
	s5 =	sshrl.u32 s5, $0x3  }
0xe: {  	s25 =	sadd.s32 $0x180, s0;
	s9 =	sadd.s32 s5, s1;
	s5 =	sadd.s32 $0x4600, s1  }
0xf: {  	s1 =	sadd.s32 s7, s1;
	s7 =	sadd.s32 s15, s2;
	s14 =	sadd.s32 $0xE400, s9  }
0x10: {  	s26 =	sshrl.u32 s25, $0x3;
	s17 =	sadd.s32 $0x4000, s7;
	[dreg:$0x3] =	wrdreg s14  }
0x11: {  	s25 =	simm.s32 $0x2900;
	s18 =	sadd.s32 $0x8000, s7;
	[dreg:$0x4] =	wrdreg s17  }
0x12: {  	s8 =	sadd.s32 s5, s6;
	s19 =	sadd.s32 $0xC000, s7;
	[dreg:$0x5] =	wrdreg s18  }
0x13: {  	s20 =	sadd.s32 $0x10000, s7;
	s6 =	simm.s32 $0x2;
	[dreg:$0x6] =	wrdreg s19  }
0x14: {  	s9 =	simm.s32 $0x5;
	[dreg:$0x7] =	wrdreg s20;
	s21 =	sadd.s32 $0x10, s8  }
0x15: {  	s22 =	sadd.s32 $0x4E0, s8;
	s23 =	sadd.s32 $0x4C0, s8;
	s24 =	sadd.s32 $0x4D0, s8  }
0x16: {  	s17 =	sadd.s32 $0x3F400, s1;
	s18 =	smax.u32 s11, $0x1;
	[dreg:$0x8] =	wrdreg s21  }
0x17: {  	s19 =	sadd.s32 s26, s5;
	s20 =	sadd.s32 $0x100, s0;
	[dreg:$0x9] =	wrdreg s22  }
0x18: {  	s26 =	simm.s32 $0x6900;
	s0 =	simm.s32 $0xA900;
	[dreg:$0xa] =	wrdreg s23  }
0x19: {  	s1 =	simm.s32 $0x6;
	[dreg:$0xb] =	wrdreg s24;
	s21 =	simm.s32 $0x80  }
0x1a: {  	v0 =	vimm.f32 $0.0e+00;
	s23 =	simm.s32 $0x3;
	s24 =	simm.s32 $0x2780;
	s22 =	simm.s32 $0x1  }
.LBB2_1:
0x1b: {  	s11 =	rddreg [dreg:$0x3];
	s12 =	simm.s32 $0x400  }
0x1c: {  	[tilespmem:s3], [sflag:$0x3] =	stream.strided.gather [hbm4b:s11+s21], $0x2780, s12, s21, $0x38;
	[tilespmem:$0x1F100] =	vst v63  }
0x1d: {  	s11 =	simm.s32 $0x0;
	s12 =	simm.s32 $0x200  }
.LBB2_2:
0x1e: {  	p0 =	sne.s32 s12, $0xFE00;
	[tilespmem:s11+$0x6970] =	vst v0  }
0x1f: {  	[tilespmem:s11+$0x6900] =	vst v0  }
0x20: {  	[tilespmem:s11+$0x6910] =	vst v0  }
.Ltmp0:
0x21: {  	[tilespmem:s11+$0x6920] =	vst v0;
	(pc) =	sbr.rel @p0 .LBB2_2-.Ltmp0, $4  }
0x22: {  	[tilespmem:s11+$0x6930] =	vst v0  }
0x23: {  	[tilespmem:s11+$0x6940] =	vst v0  }
0x24: {  	[tilespmem:s11+$0x6950] =	vst v0  }
0x25: {  	[tilespmem:s11+$0x6960] =	vst v0;
	s11 =	sshra.s32 s12, $0x2;
	s12 =	sadd.s32 $0x200, s12  }
0x26: {  	[tilespmem:s11+$0x6970] =	vst v0  }
0x27: {  	[tilespmem:s11+$0x6900] =	vst v0  }
0x28: {  	[tilespmem:s11+$0x6910] =	vst v0  }
0x29: {  	[tilespmem:s11+$0x6920] =	vst v0  }
0x2a: {  	[tilespmem:s11+$0x6930] =	vst v0  }
0x2b: {  	[tilespmem:s11+$0x6940] =	vst v0  }
0x2c: {  	[tilespmem:s11+$0x6950] =	vst v0  }
0x2d: {  	[tilespmem:s11+$0x6960] =	vst v0  }
0x2e: {  	_ =	swait.ge [sflag:s23], $0x2780  }
0x2f: {  	[sflag:s23] =	ssyncset.done $0x0  }
0x30: {  	s11 =	simm.s32 $0x0;
	[sflag:s23] =	ssyncadd.s32 $0xFFFFD880  }
0x31: {  	[tilespmem:s24], [sflag:$0x3] =	stream.linear.gather [hbm4b:s8+s11], $0x80, $0x38;
	[tilespmem:$0x1F100] =	vst v63  }
0x32: {  	_ = 	snop  }
0x33: {  	[tilespmem:s25], [sflag:$0x1] =	stream.indirect.gather [hbm4b:s4+s21], $0x80, s11, s21, $0xb8;
	[tilespmem:$0x1F100] =	vst v63  }
0x34: {  	_ = 	snop  }
0x35: {  	[spmem:s7] =	stream.linear.scatter [tilespmem:s26], [sflag:$0x4], $0x4000, $0x38;
	[tilespmem:$0x1F100] =	vst v63  }
0x36: {  	s12 =	rddreg [dreg:$0x4]  }
0x37: {  	[spmem:s12] =	stream.linear.scatter [tilespmem:s26], [sflag:$0x4], $0x4000, $0x38;
	[tilespmem:$0x1F100] =	vst v63  }
0x38: {  	s16 =	rddreg [dreg:$0x5]  }
0x39: {  	[spmem:s16] =	stream.linear.scatter [tilespmem:s26], [sflag:$0x4], $0x4000, $0x38;
	[tilespmem:$0x1F100] =	vst v63  }
0x3a: {  	s13 =	rddreg [dreg:$0x6]  }
0x3b: {  	[spmem:s13] =	stream.linear.scatter [tilespmem:s26], [sflag:$0x4], $0x4000, $0x38;
	[tilespmem:$0x1F100] =	vst v63  }
0x3c: {  	s14 =	rddreg [dreg:$0x7]  }
0x3d: {  	[spmem:s14] =	stream.linear.scatter [tilespmem:s26], [sflag:$0x4], $0x4000, $0x38;
	[tilespmem:$0x1F100] =	vst v63  }
0x3e: {  	_ =	swait.ge [sflag:s28], $0x4000  }
0x3f: {  	[sflag:s28] =	ssyncset.done $0x0  }
0x40: {  	[sflag:s28] =	ssyncadd.s32 $0xFFFFC000  }
0x41: {  	_ =	swait.ge [sflag:s28], $0x4000  }
0x42: {  	[sflag:s28] =	ssyncset.done $0x0  }
0x43: {  	[sflag:s28] =	ssyncadd.s32 $0xFFFFC000  }
0x44: {  	_ =	swait.ge [sflag:s28], $0x4000  }
0x45: {  	[sflag:s28] =	ssyncset.done $0x0  }
0x46: {  	[sflag:s28] =	ssyncadd.s32 $0xFFFFC000  }
0x47: {  	_ =	swait.ge [sflag:s28], $0x4000  }
0x48: {  	[sflag:s28] =	ssyncset.done $0x0  }
0x49: {  	[sflag:s28] =	ssyncadd.s32 $0xFFFFC000  }
0x4a: {  	_ =	swait.ge [sflag:s28], $0x4000  }
0x4b: {  	[sflag:s28] =	ssyncset.done $0x0  }
0x4c: {  	s15 =	rddreg [dreg:$0x8];
	[sflag:s28] =	ssyncadd.s32 $0xFFFFC000  }
0x4d: {  	[tilespmem:s29], [sflag:$0x4] =	stream.linear.gather [hbm4b:s15+s11], $0x80, $0x38;
	[tilespmem:$0x1F100] =	vst v63  }
0x4e: {  	_ = 	snop  }
0x4f: {  	[tilespmem:s26], [sflag:$0x2] =	stream.indirect.gather [hbm4b:s4+s21], $0x80, s21, s21, $0xb8;
	[tilespmem:$0x1F100] =	vst v63  }
0x50: {  	s16 =	rddreg [dreg:$0x9]  }
0x51: {  	[tilespmem:s30], [sflag:$0x5] =	stream.linear.gather [hbm4b:s16+s11], $0x10, $0x38;
	[tilespmem:$0x1F100] =	vst v63  }
0x52: {  	s13 =	simm.s32 $0x2700  }
0x53: {  	[tilespmem:s0], [sflag:$0x5] =	stream.indirect.gather [hbm4b:s4+s31], $0x80, s13, s31, $0xb8;
	[tilespmem:$0x1F100] =	vst v63  }
0x54: {  	[bflag:$0x0] =	sbarrier.arrive $0xFFFF  }
0x55: {  	_ =	swait.ge [sflag:s23], $0x80  }
0x56: {  	[sflag:s23] =	ssyncset.done $0x0  }
0x57: {  	[sflag:s23] =	ssyncadd.s32 $0xFFFFFF80  }
0x58: {  	_ =	swait.ge [sflag:s22], $0x4000  }
0x59: {  	[sflag:s22] =	ssyncset.done $0x0  }
0x5a: {  	[sflag:s22] =	ssyncadd.s32 $0xFFFFC000  }
0x5b: {  	[spmem:s2] =	stream.indirect.scatter.add.f32 [tilespmem:s25], [sflag:$0x6], $0x80, s24, s21, $0xb8;
	[tilespmem:$0x1F100] =	vst v63  }
0x5c: {  	_ =	swait.ge [sflag:s1], $0x4000  }
0x5d: {  	s14 =	sshrl.u32 s20, $0x3;
	[sflag:s1] =	ssyncset.done $0x0  }
0x5e: {  	s11 =	sadd.s32 s5, s14;
	[sflag:s1] =	ssyncadd.s32 $0xFFFFC000  }
0x5f: {  	[tilespmem:s24], [sflag:$0x3] =	stream.linear.gather [hbm4b:s11+s3], $0x80, $0x38;
	[tilespmem:$0x1F100] =	vst v63  }
0x60: {  	s15 =	simm.s32 $0x100  }
0x61: {  	[tilespmem:s25], [sflag:$0x1] =	stream.indirect.gather [hbm4b:s4+s21], $0x80, s15, s21, $0xb8;
	[tilespmem:$0x1F100] =	vst v63  }
0x62: {  	_ =	swait.ge [sflag:s28], $0x80  }
0x63: {  	[sflag:s28] =	ssyncset.done $0x0  }
0x64: {  	[sflag:s28] =	ssyncadd.s32 $0xFFFFFF80  }
0x65: {  	_ =	swait.ge [sflag:s6], $0x4000  }
0x66: {  	[sflag:s6] =	ssyncset.done $0x0  }
0x67: {  	[sflag:s6] =	ssyncadd.s32 $0xFFFFC000  }
0x68: {  	[spmem:s2] =	stream.indirect.scatter.add.f32 [tilespmem:s26], [sflag:$0x6], $0x80, s29, s21, $0xb8;
	[tilespmem:$0x1F100] =	vst v63  }
0x69: {  	s12 =	simm.s32 $0x20;
	_ =	swait.ge [sflag:s1], $0x4000  }
0x6a: {  	s16 =	sadd.s32 $0x0, s19;
	s14 =	sadd.s32 $0x100, s20;
	[sflag:s1] =	ssyncset.done $0x0  }
0x6b: {  	s13 =	simm.s32 $0x280;
	s11 =	simm.s32 $0x180;
	[sflag:s1] =	ssyncadd.s32 $0xFFFFC000  }
0x6c: {  	[tilespmem:s29], [sflag:$0x4] =	stream.linear.gather [hbm4b:s16+s3], $0x80, $0x38;
	[tilespmem:$0x1F100] =	vst v63  }
.LBB2_4:
0x6d: {  	[tilespmem:s26], [sflag:$0x2] =	stream.indirect.gather [hbm4b:s4+s21], $0x80, s11, s21, $0xb8;
	[tilespmem:$0x1F100] =	vst v63  }
0x6e: {  	s15 =	smov.u32 s12;
	s11 =	smov.u32 s13  }
0x6f: {  	p0 =	sne.s32 s12, $0x480;
	s12 =	sadd.s32 $0x20, s12;
	_ =	swait.ge [sflag:s23], $0x80  }
0x70: {  	[sflag:s23] =	ssyncset.done $0x0  }
0x71: {  	[sflag:s23] =	ssyncadd.s32 $0xFFFFFF80  }
0x72: {  	_ =	swait.ge [sflag:s22], $0x4000  }
0x73: {  	[sflag:s22] =	ssyncset.done $0x0  }
0x74: {  	[sflag:s22] =	ssyncadd.s32 $0xFFFFC000  }
0x75: {  	[spmem:s2] =	stream.indirect.scatter.add.f32 [tilespmem:s25], [sflag:$0x6], $0x80, s24, s21, $0xb8;
	[tilespmem:$0x1F100] =	vst v63  }
0x76: {  	_ =	swait.ge [sflag:s1], $0x4000  }
0x77: {  	s16 =	sshrl.u32 s14, $0x3;
	[sflag:s1] =	ssyncset.done $0x0  }
0x78: {  	s16 =	sadd.s32 s5, s16;
	[sflag:s1] =	ssyncadd.s32 $0xFFFFC000  }
0x79: {  	[tilespmem:s24], [sflag:$0x3] =	stream.linear.gather [hbm4b:s16+s3], $0x80, $0x38;
	[tilespmem:$0x1F100] =	vst v63  }
0x7a: {  	s16 =	sadd.s32 $0xFFFFFF80, s13  }
0x7b: {  	[tilespmem:s25], [sflag:$0x1] =	stream.indirect.gather [hbm4b:s4+s21], $0x80, s16, s21, $0xb8;
	[tilespmem:$0x1F100] =	vst v63  }
0x7c: {  	_ =	swait.ge [sflag:s28], $0x80  }
0x7d: {  	[sflag:s28] =	ssyncset.done $0x0  }
0x7e: {  	[sflag:s28] =	ssyncadd.s32 $0xFFFFFF80  }
0x7f: {  	_ =	swait.ge [sflag:s6], $0x4000  }
0x80: {  	[sflag:s6] =	ssyncset.done $0x0  }
0x81: {  	[sflag:s6] =	ssyncadd.s32 $0xFFFFC000  }
0x82: {  	[spmem:s2] =	stream.indirect.scatter.add.f32 [tilespmem:s26], [sflag:$0x6], $0x80, s29, s21, $0xb8;
	[tilespmem:$0x1F100] =	vst v63  }
.Ltmp1:
0x83: {  	_ =	swait.ge [sflag:s1], $0x4000;
	(pc) =	sbr.rel @p0 .LBB2_4-.Ltmp1, $4  }
0x84: {  	[sflag:s1] =	ssyncset.done $0x0  }
0x85: {  	s15 =	sadd.s32 s15, s19;
	[sflag:s1] =	ssyncadd.s32 $0xFFFFC000  }
0x86: {  	[tilespmem:s29], [sflag:$0x4] =	stream.linear.gather [hbm4b:s15+s3], $0x80, $0x38;
	[tilespmem:$0x1F100] =	vst v63  }
0x87: {  	s14 =	sadd.s32 $0x100, s14;
	s13 =	sadd.s32 $0x100, s13  }
0x88: {  	[tilespmem:s26], [sflag:$0x2] =	stream.indirect.gather [hbm4b:s4+s21], $0x80, s11, s21, $0xb8;
	[tilespmem:$0x1F100] =	vst v63  }
0x89: {  	_ =	swait.ge [sflag:s23], $0x80  }
0x8a: {  	[sflag:s23] =	ssyncset.done $0x0  }
0x8b: {  	[sflag:s23] =	ssyncadd.s32 $0xFFFFFF80  }
0x8c: {  	_ =	swait.ge [sflag:s22], $0x4000  }
0x8d: {  	[sflag:s22] =	ssyncset.done $0x0  }
0x8e: {  	[sflag:s22] =	ssyncadd.s32 $0xFFFFC000  }
0x8f: {  	[spmem:s2] =	stream.indirect.scatter.add.f32 [tilespmem:s25], [sflag:$0x6], $0x80, s24, s21, $0xb8;
	[tilespmem:$0x1F100] =	vst v63  }
0x90: {  	_ =	swait.ge [sflag:s1], $0x4000  }
0x91: {  	[sflag:s1] =	ssyncset.done $0x0  }
0x92: {  	s12 =	rddreg [dreg:$0xa];
	[sflag:s1] =	ssyncadd.s32 $0xFFFFC000  }
0x93: {  	[tilespmem:s24], [sflag:$0x3] =	stream.linear.gather [hbm4b:s12+s3], $0x80, $0x38;
	[tilespmem:$0x1F100] =	vst v63  }
0x94: {  	s13 =	simm.s32 $0x2600  }
0x95: {  	[tilespmem:s25], [sflag:$0x1] =	stream.indirect.gather [hbm4b:s4+s21], $0x80, s13, s21, $0xb8;
	[tilespmem:$0x1F100] =	vst v63  }
0x96: {  	_ =	swait.ge [sflag:s28], $0x80  }
0x97: {  	[sflag:s28] =	ssyncset.done $0x0  }
0x98: {  	[sflag:s28] =	ssyncadd.s32 $0xFFFFFF80  }
0x99: {  	_ =	swait.ge [sflag:s6], $0x4000  }
0x9a: {  	[sflag:s6] =	ssyncset.done $0x0  }
0x9b: {  	[sflag:s6] =	ssyncadd.s32 $0xFFFFC000  }
0x9c: {  	[spmem:s2] =	stream.indirect.scatter.add.f32 [tilespmem:s26], [sflag:$0x6], $0x80, s29, s21, $0xb8;
	[tilespmem:$0x1F100] =	vst v63  }
0x9d: {  	_ =	swait.ge [sflag:s1], $0x4000  }
0x9e: {  	[sflag:s1] =	ssyncset.done $0x0  }
0x9f: {  	s14 =	rddreg [dreg:$0xb];
	[sflag:s1] =	ssyncadd.s32 $0xFFFFC000  }
0xa0: {  	[tilespmem:s29], [sflag:$0x4] =	stream.linear.gather [hbm4b:s14+s3], $0x80, $0x38;
	[tilespmem:$0x1F100] =	vst v63  }
0xa1: {  	s15 =	simm.s32 $0x2680  }
0xa2: {  	[tilespmem:s26], [sflag:$0x2] =	stream.indirect.gather [hbm4b:s4+s21], $0x80, s15, s21, $0xb8;
	[tilespmem:$0x1F100] =	vst v63  }
0xa3: {  	_ =	swait.ge [sflag:s23], $0x80  }
0xa4: {  	[sflag:s23] =	ssyncset.done $0x0  }
0xa5: {  	[sflag:s23] =	ssyncadd.s32 $0xFFFFFF80  }
0xa6: {  	_ =	swait.ge [sflag:s22], $0x4000  }
0xa7: {  	[sflag:s22] =	ssyncset.done $0x0  }
0xa8: {  	[sflag:s22] =	ssyncadd.s32 $0xFFFFC000  }
0xa9: {  	[spmem:s2] =	stream.indirect.scatter.add.f32 [tilespmem:s25], [sflag:$0x6], $0x80, s24, s21, $0xb8;
	[tilespmem:$0x1F100] =	vst v63  }
0xaa: {  	_ =	swait.ge [sflag:s1], $0x4000  }
0xab: {  	[sflag:s1] =	ssyncset.done $0x0  }
0xac: {  	[sflag:s1] =	ssyncadd.s32 $0xFFFFC000  }
0xad: {  	_ =	swait.ge [sflag:s28], $0x80  }
0xae: {  	[sflag:s28] =	ssyncset.done $0x0  }
0xaf: {  	[sflag:s28] =	ssyncadd.s32 $0xFFFFFF80  }
0xb0: {  	_ =	swait.ge [sflag:s6], $0x4000  }
0xb1: {  	[sflag:s6] =	ssyncset.done $0x0  }
0xb2: {  	[sflag:s6] =	ssyncadd.s32 $0xFFFFC000  }
0xb3: {  	[spmem:s2] =	stream.indirect.scatter.add.f32 [tilespmem:s26], [sflag:$0x6], $0x80, s29, s21, $0xb8;
	[tilespmem:$0x1F100] =	vst v63  }
0xb4: {  	_ =	swait.ge [sflag:s1], $0x4000  }
0xb5: {  	[sflag:s1] =	ssyncset.done $0x0  }
0xb6: {  	[sflag:s1] =	ssyncadd.s32 $0xFFFFC000  }
0xb7: {  	_ =	swait.ge [sflag:s9], $0x10  }
0xb8: {  	[sflag:s9] =	ssyncset.done $0x0  }
0xb9: {  	[sflag:s9] =	ssyncadd.s32 $0xFFFFFFF0  }
0xba: {  	_ =	swait.ge [sflag:s9], $0x800  }
0xbb: {  	[sflag:s9] =	ssyncset.done $0x0  }
0xbc: {  	[sflag:s9] =	ssyncadd.s32 $0xFFFFF800  }
0xbd: {  	[spmem:s2] =	stream.indirect.scatter.add.f32 [tilespmem:s0], [sflag:$0x6], $0x80, s30, s31, $0xb8;
	[tilespmem:$0x1F100] =	vst v63  }
0xbe: {  	s16 =	stileid.u32;
	_ =	swait.ge [sflag:s1], $0x800  }
0xbf: {  	s10 =	sadd.s32 $0x1, s10;
	s11 =	sshll.u32 s16, $0x6;
	[sflag:s1] =	ssyncset.done $0x0  }
0xc0: {  	p0 =	sne.s32 s10, s18;
	s11 =	sor.u32 $0x1C06, s11;
	[sflag:s1] =	ssyncadd.s32 $0xFFFFF800  }
.Ltmp2:
0xc1: {  	s12 =	sshrl.u32 s7, $0x3;
	[bflag:$0x0] =	sbarrier.arrive $0xFFFF;
	(pc) =	sbr.rel @p0 .LBB2_1-.Ltmp2, $4  }
0xc2: {  	[hbm:s17], [sflag:s11] =	dma.local [spmem:s12], $0x2800  }
0xc3: {  	_ =	swait.ge [sflag:s1], $0x2800  }
0xc4: {  	[sflag:s1] =	ssyncset.done $0x0  }
0xc5: {  	[sflag:s1] =	ssyncadd.s32 $0xFFFFD800  }
0xc6: {  	_ =	sfence.sel $0x180000  }
0xc7: {  	[bflag:$0x0] =	sbarrier.arrive $0xFFFF  }
0xc8: {  	_ =	strace $0x9000004A  }
0xc9: {  	s0 =	stileid.u32;
	[bflag:$0x2] =	sbarrier.arrive $0xFFFF  }
0xca: {  	p0 =	sne.s32 s0, $0x0;
	s0 =	rddreg [dreg:$0x2]  }
0xcb: {  	s0 =	sadd.s32 @!p0 $0x100000, s0  }
0xcc: {  	[sflag:s0] =	ssyncadd.tile.s32 @!p0 $0x1;
	_ =	shalt  }
.Lfunc_end2:
_tile_overlayer_lowered:
.L_overlay_start_2:
0xcd: {  	(tag) =	ssettag $0x2  }
0xce: {  	s0 =	rddreg [dreg:$0x0];
	s2 =	stileid.u32  }
0xcf: {  	s1 =	rddreg [dreg:$0x1];
	p0 =	sne.s32 s2, $0x0  }
0xd0: {  	s3 =	rddreg [dreg:$0x2];
	[bflag:$0x3] =	sbarrier.arrive $0xFFFF;
	s2 =	simm.s32 @!p0 $0x1C06  }
0xd1: {  	[timem:s3], [sflag:s2] =	dma.local @!p0 [hbm:s0], s1  }
0xd2: {  	s0 =	simm.s32 @!p0 $0x6  }
0xd3: {  	_ =	swait.ge @!p0 [sflag:s0], s1  }
0xd4: {  	s1 =	ssub.s32 @!p0 $0x0, s1;
	[sflag:s0] =	ssyncset.done @!p0 $0x0  }
0xd5: {  	[sflag:s0] =	ssyncadd.s32 @!p0 s1  }
0xd6: {  	[bflag:$0x3] =	sbarrier.arrive $0xFFFF  }
0xd7: {  	_ =	shalt  }

// kernel: kernel.14.cloned.1.call-start
scs
__scs_entry_jumppad:
0x0: {  	(pc) =	sbr.rel $0x88, $3  }
0x1: {  	(tag) =	ssettag $0x0;
	lr =	simm.s32 $0x1  }
0x2: {  	[smem:$0x3F92] =	sst lr;
	_ =	strace $0xD0000000  }
0x3: {  	_ = 	snop  }
0x4: {  	_ = 	snop  }
0x5: {  	_ = 	snop  }
0x6: {  	_ = 	snop  }
0x7: {  	_ = 	snop  }
__scs_overlays_trampoline_lowered:
0x8: {  	[smem:$0x3FA1] =	sst s0  }
0x9: {  	[smem:$0x3FA2] =	sst s1  }
0xa: {  	[smem:$0x3FA3] =	sst s2  }
0xb: {  	[smem:$0x3FA4] =	sst s3  }
0xc: {  	[smem:$0x3FA5] =	sst s4  }
0xd: {  	[smem:$0x3FA6] =	sst s5  }
0xe: {  	[smem:$0x3FA7] =	sst s6  }
0xf: {  	[smem:$0x3FA8] =	sst s7  }
0x10: {  	[smem:$0x3FA9] =	sst s8  }
0x11: {  	[smem:$0x3FAA] =	sst s9;
	s0 =	simm.s32 @!p0 $0x0  }
0x12: {  	s1 =	sld [smem:$0x3F90];
	s0 =	simm.s32 @p0 $0x1  }
0x13: {  	[smem:$0x3FAB] =	sst s0;
	s0 =	simm.s32 @!p1 $0x0  }
0x14: {  	s2 =	sld [smem:$0x3F8F];
	s0 =	simm.s32 @p1 $0x1  }
0x15: {  	[smem:$0x3FAC] =	sst s0;
	s0 =	simm.s32 @!p2 $0x0  }
0x16: {  	s3 =	sld [smem:$0x3FDB];
	s0 =	simm.s32 @p2 $0x1  }
0x17: {  	s4 =	simm.s32 $0x1BF5;
	[smem:$0x3FAE] =	sst s0  }
0x18: {  	s0 =	sld [smem:$0x3F91];
	_ =	swait.ge [sflag:s4], $0x0  }
0x19: {  	s7 =	sld [smem:$0x3F92]  }
0x1a: {  	s8 =	sadd.s32 $0xFFFFE003, lr  }
0x1b: {  	s9 =	sadd.s32 $0xFFFFFEF7, lr;
	s5 =	simm.s32 $0xFFFFFFFF;
	p2 =	slt.u32 s8, $0xFFFFF086  }
0x1c: {  	p1 =	slt.u32 s9, $0xF7A;
	s5 =	simm.s32 @!p2 $0x0  }
0x1d: {  	s5 =	simm.s32 @p1 $0x1;
	p0 =	seq.s32 s7, s2  }
0x1e: {  	s7 =	smul.u32 @!p0 $0xF7A, s2;
	p2 =	seq.s32 @!p0 s5, $0x0  }
0x1f: {  	s9 =	smul.u32 $0xF7A, s1;
	s8 =	simm.s32 @!p0 $0x1BF5;
	p2 =	por !p2, p0  }
0x20: {  	[sflag:s8] =	ssyncset.s32 @!p0 $0xFFFFF086;
	s6 =	sadd.s32 @!p0 s3, s7;
	s7 =	simm.s32 @!p0 $0x108  }
0x21: {  	s3 =	sadd.s32 s3, s9;
	s6 =	sadd.s32 @!p0 $0x88, s6;
	s7 =	simm.s32 @p2 $0x1082  }
0x22: {  	[simem:s7], [sflag:s8] =	dma.local @!p0 [hbm:s6], $0xF7A  }
0x23: {  	s9 =	sor.u32 $0xD0000000, s2;
	s6 =	simm.s32 $0x108;
	_ =	swait.ge @!p0 [sflag:s8], $0x0  }
0x24: {  	s3 =	sadd.s32 $0x88, s3;
	s6 =	simm.s32 @!p1 $0x1082;
	[sflag:s4] =	ssyncset.s32 $0xFFFFF086  }
0x25: {  	[simem:s6], [sflag:s4] =	dma.local [hbm:s3], $0xF7A  }
0x26: {  	[smem:$0x3F92] =	sst s1;
	(tag) =	ssettag s2;
	_ =	strace s9  }
0x27: {  	s1 =	sld [smem:$0x3FA2]  }
0x28: {  	s2 =	sld [smem:$0x3FA3]  }
0x29: {  	s4 =	sld [smem:$0x3FA5]  }
0x2a: {  	p0 =	seq.s32 s5, $0x0;
	s5 =	sld [smem:$0x3FA6]  }
0x2b: {  	s6 =	sld [smem:$0x3FA7]  }
0x2c: {  	s7 =	sld [smem:$0x3FA8]  }
0x2d: {  	s3 =	simm.s32 $0x108;
	s8 =	sld [smem:$0x3FA9]  }
0x2e: {  	s3 =	simm.s32 @!p0 $0x1082;
	s9 =	sld [smem:$0x3FAA]  }
0x2f: {  	lr =	sadd.s32 s0, s3;
	s0 =	sld [smem:$0x3FA1]  }
0x30: {  	s3 =	sld [smem:$0x3FA4]  }
0x31: {  	[smem:$0x3FAD] =	sst s10  }
0x32: {  	s10 =	sld [smem:$0x3FAB];
	_ =	sdelay $0x3  }
0x33: {  	p0 =	seq.s32 s10, $0x1;
	s10 =	sld [smem:$0x3FAD];
	_ =	sdelay $0x3  }
0x34: {  	[smem:$0x3FAD] =	sst s10  }
0x35: {  	s10 =	sld [smem:$0x3FAC];
	_ =	sdelay $0x3  }
0x36: {  	p1 =	seq.s32 s10, $0x1;
	s10 =	sld [smem:$0x3FAD];
	_ =	sdelay $0x3  }
0x37: {  	[smem:$0x3FAD] =	sst s10  }
0x38: {  	s10 =	sld [smem:$0x3FAE]  }
0x39: {  	_ = 	snop;
	(pc) =	sbr.ind lr, $3  }
0x3a: {  	_ = 	snop  }
0x3b: {  	_ = 	snop  }
0x3c: {  	p2 =	seq.s32 s10, $0x1;
	s10 =	sld [smem:$0x3FAD]  }
0x3d: {  	_ =	shalt  }
0x3e: {  	_ =	shalt  }
0x3f: {  	_ =	shalt  }
0x40: {  	_ =	shalt  }
0x41: {  	_ =	shalt  }
0x42: {  	_ =	shalt  }
0x43: {  	_ =	shalt  }
0x44: {  	_ =	shalt  }
0x45: {  	_ =	shalt  }
0x46: {  	_ =	shalt  }
0x47: {  	_ =	shalt  }
0x48: {  	_ =	shalt  }
0x49: {  	_ =	shalt  }
0x4a: {  	_ =	shalt  }
0x4b: {  	_ =	shalt  }
0x4c: {  	_ =	shalt  }
0x4d: {  	_ =	shalt  }
0x4e: {  	_ =	shalt  }
0x4f: {  	_ =	shalt  }
0x50: {  	_ =	shalt  }
0x51: {  	_ =	shalt  }
0x52: {  	_ =	shalt  }
0x53: {  	_ =	shalt  }
0x54: {  	_ =	shalt  }
0x55: {  	_ =	shalt  }
0x56: {  	_ =	shalt  }
0x57: {  	_ =	shalt  }
0x58: {  	_ =	shalt  }
0x59: {  	_ =	shalt  }
0x5a: {  	_ =	shalt  }
0x5b: {  	_ =	shalt  }
0x5c: {  	_ =	shalt  }
0x5d: {  	_ =	shalt  }
0x5e: {  	_ =	shalt  }
0x5f: {  	_ =	shalt  }
0x60: {  	_ =	shalt  }
0x61: {  	_ =	shalt  }
0x62: {  	_ =	shalt  }
0x63: {  	_ =	shalt  }
0x64: {  	_ =	shalt  }
0x65: {  	_ =	shalt  }
0x66: {  	_ =	shalt  }
0x67: {  	_ =	shalt  }
0x68: {  	_ =	shalt  }
0x69: {  	_ =	shalt  }
0x6a: {  	_ =	shalt  }
0x6b: {  	_ =	shalt  }
0x6c: {  	_ =	shalt  }
0x6d: {  	_ =	shalt  }
0x6e: {  	_ =	shalt  }
0x6f: {  	_ =	shalt  }
0x70: {  	_ =	shalt  }
0x71: {  	_ =	shalt  }
0x72: {  	_ =	shalt  }
0x73: {  	_ =	shalt  }
0x74: {  	_ =	shalt  }
0x75: {  	_ =	shalt  }
0x76: {  	_ =	shalt  }
0x77: {  	_ =	shalt  }
0x78: {  	_ =	shalt  }
0x79: {  	_ =	shalt  }
0x7a: {  	_ =	shalt  }
0x7b: {  	_ =	shalt  }
0x7c: {  	_ =	shalt  }
0x7d: {  	_ =	shalt  }
0x7e: {  	_ =	shalt  }
0x7f: {  	_ =	shalt  }
0x80: {  	_ =	shalt  }
0x81: {  	_ =	shalt  }
0x82: {  	_ =	shalt  }
0x83: {  	_ =	shalt  }
0x84: {  	_ =	shalt  }
0x85: {  	_ =	shalt  }
0x86: {  	_ =	shalt  }
0x87: {  	_ =	shalt  }
.Lfunc_end0:
.L_simem_size_0:
called_computation.2_lowered:
.L_overlay_start_0:
0x88: {  	s2 =	sld [smem:$0x3FD9]  }
0x89: {  	s3 =	sld [smem:$0x3FFE];
	_ =	sdelay $0x1  }
0x8a: {  	s1 =	srdreg.scid  }
0x8b: {  	s0 =	sand.u32 $0x1, s1  }
0x8c: {  	s16 =	sshll.u32 s0, $0xA;
	s2 =	sadd.s32 s3, s2  }
0x8d: {  	s2 =	sadd.s32 s2, s16  }
0x8e: {  	[smem:$0x3FB9] =	sst s2  }
0x8f: {  	_ = 	snop  }
0x90: {  	(tm) =	ssettm $0x1  }
0x91: {  	s17 =	sld [smem:$0x3FFB];
	_ =	sdelay $0x3  }
0x92: {  	_ =	strace s17  }
0x93: {  	s2 =	sld [smem:$0x3FFC];
	_ =	sdelay $0x3  }
0x94: {  	_ =	strace s2  }
0x95: {  	s2 =	sld [smem:$0x3FFD];
	_ =	sdelay $0x3  }
0x96: {  	_ =	strace s2  }
0x97: {  	_ =	strace $0x8FFFFFFF  }
0x98: {  	s18 =	sld [smem:$0x3FDB];
	_ =	sdelay $0x1  }
0x99: {  	s19 =	simm.s32 $_scs_section_size  }
0x9a: {  	s4 =	simm.s32 $_size__tile_overlayer_lowered;
	s5 =	simm.s32 $_tile_overlayer_lowered  }
0x9b: {  	s22 =	simm.s32 $0x1BFF;
	s21 =	sshll.u32 s5, $0x1;
	s2 =	sadd.s32 s19, s18  }
0x9c: {  	s6 =	simm.s32 $0x0;
	s20 =	sshll.u32 s4, $0x1;
	s4 =	sadd.s32 s21, s2  }
0x9d: {  	[timem:s6], [sflag:s22] =	dma.local [hbm:s4], s20  }
0x9e: {  	_ =	swait.ge [sflag:s22], s20  }
0x9f: {  	s3 =	ssub.s32 $0x0, s20;
	[sflag:s22] =	ssyncset.done $0x0  }
0xa0: {  	[sflag:s22] =	ssyncadd.s32 s3;
	_ =	sdelay $0x1  }
0xa1: {  	s23 =	simm.s32 $0x1B8B  }
0xa2: {  	_ =	swait.ge [sflag:s23], $0x1  }
0xa3: {  	[sflag:s23] =	ssyncset.done $0x0  }
0xa4: {  	s25 =	simm.s32 $0x1B8E;
	s24 =	sld [smem:$0x3FFE];
	[sflag:s23] =	ssyncadd.s32 $0xFFFFFFFF  }
0xa5: {  	s26 =	simm.s32 $execute0_lowered;
	[smem:$0x3FD2] =	sst s25  }
0xa6: {  	s4 =	sshll.u32 s26, $0x1;
	_ =	strace $0x8000004C;
	[dreg:$0x1] =	wrdreg $0xFFFFFFFF  }
0xa7: {  	s28 =	simm.s32 $_size_execute0_lowered;
	s2 =	sadd.s32 s2, s4;
	[dreg:$0x0] =	wrdreg $0x0  }
0xa8: {  	s4 =	sshll.u32 s28, $0x1;
	[dreg:$0x2] =	wrdreg s2  }
0xa9: {  	[dreg:$0x3] =	wrdreg s4  }
0xaa: {  	[dreg:$0x4] =	wrdreg $0xC0  }
0xab: {  	_ =	task [dreg:s6], $0x5FFFF  }
0xac: {  	[dreg:$0x1] =	wrdreg $0xFFFFFFFF  }
0xad: {  	[dreg:$0x0] =	wrdreg $0x60  }
0xae: {  	[dreg:$0x2] =	wrdreg s24  }
0xaf: {  	[dreg:$0x3] =	wrdreg $0xB1000  }
0xb0: {  	[dreg:$0x4] =	wrdreg $0x9  }
0xb1: {  	_ =	task.clear_ibuf [dreg:s6], $0x5FFFF;
	_ =	strace $0x9000004C  }
0xb2: {  	s29 =	simm.s32 $0x9;
	_ =	strace $0x8000004E  }
0xb3: {  	_ =	swait.ge [sflag:s29], $0x1  }
0xb4: {  	[sflag:s29] =	ssyncadd.s32 $0xFFFFFFFF  }
0xb5: {  	_ =	strace $0x9000004E  }
0xb6: {  	_ =	sfence  }
0xb7: {  	s30 =	sld [smem:$0x0];
	_ =	sdelay $0x2  }
0xb8: {  	s31 =	sshll.u32 s1, $0xD;
	s1 =	sshrl.u32 s1, $0x2  }
0xb9: {  	s3 =	sand.u32 $0x4000, s31;
	s1 =	sadd.s32 s1, s30  }
0xba: {  	s0 =	sor.u32 s3, s0;
	s1 =	sshll.u32 s1, $0x11  }
0xbb: {  	s0 =	sor.u32 s1, s0  }
0xbc: {  	s0 =	sadd.s32 $0x8F2B, s0  }
0xbd: {  	[sflag:s0] =	ssyncadd.remote.s32 $0x1  }
0xbe: {  	_ =	sfence.sel $0xFFFF  }
0xbf: {  	[dreg:$0x0] =	wrdreg $0xFFFFFFFF;
	(pc) =	sbr.abs _section_cstart, $3  }
0xc0: {  	[dreg:$0x1] =	wrdreg $0xFFFFFFFF  }
0xc1: {  	_ =	task.clear_ibuf [dreg:s6], $0x2FFFF;
	_ =	strace $0x9FFFFFFF  }
0xc2: {  	(tm) =	ssettm $0x7FFFFFFF  }
0xc3: {  	_ =	shalt  }
tec
execute0_lowered:
.L_overlay_start_1:
0x0: {  	(tag) =	ssettag $0x1  }
0x1: {  	s0 =	srdreg.scid  }
0x2: {  	s12 =	stileid.u32;
	s1 =	rddreg [dreg:$0x0]  }
0x3: {  	s2 =	rddreg [dreg:$0x1];
	s28 =	simm.s32 $0x4;
	s8 =	smul.u32 $0x14000, s12  }
0x4: {  	s29 =	simm.s32 $0x2800;
	s10 =	sshrl.u32 s12, $0x2;
	s16 =	smul.u32 $0x4E20, s12  }
0x5: {  	s30 =	simm.s32 $0x2880;
	s0 =	sand.u32 $0x1, s0;
	s4 =	smul.u32 $0x13C00, s10  }
0x6: {  	s31 =	simm.s32 $0x10;
	s3 =	sshll.u32 s12, $0x1;
	s7 =	smul.u32 $0x140000, s0  }
0x7: {  	s6 =	sor.u32 s0, s3;
	s3 =	simm.s32 $0x0;
	s10 =	smul.u32 $0x50000, s12  }
0x8: {  	s11 =	ssub.s32 $0x2, s0;
	s0 =	smul.u32 $0x2710, s0;
	s5 =	sshll.u32 s6, $0x7  }
0x9: {  	[smem:$0x7FF] =	sst s3;
	s13 =	sshrl.u32 s11, $0x1;
	s6 =	smul.u32 $0x2710, s6  }
0xa: {  	s5 =	sand.u32 $0x380, s5;
	_ =	strace $0x8000004D;
	s7 =	sadd.s32 s8, s7  }
0xb: {  	s11 =	ssub.s32 s11, s13;
	s15 =	sshrl.u32 s10, $0x2;
	s0 =	sadd.s32 s0, s16  }
0xc: {  	s10 =	simm.s32 $0x0;
	s5 =	sor.u32 s4, s5;
	s4 =	sadd.s32 $0x18200, s1  }
0xd: {  	s7 =	sshrl.u32 s7, $0x3;
	s6 =	sshrl.u32 s6, $0x3;
	s5 =	sshrl.u32 s5, $0x3  }
0xe: {  	s25 =	sadd.s32 $0x180, s0;
	s9 =	sadd.s32 s5, s1;
	s5 =	sadd.s32 $0x4600, s1  }
0xf: {  	s1 =	sadd.s32 s7, s1;
	s7 =	sadd.s32 s15, s2;
	s14 =	sadd.s32 $0xE400, s9  }
0x10: {  	s26 =	sshrl.u32 s25, $0x3;
	s17 =	sadd.s32 $0x4000, s7;
	[dreg:$0x3] =	wrdreg s14  }
0x11: {  	s25 =	simm.s32 $0x2900;
	s18 =	sadd.s32 $0x8000, s7;
	[dreg:$0x4] =	wrdreg s17  }
0x12: {  	s8 =	sadd.s32 s5, s6;
	s19 =	sadd.s32 $0xC000, s7;
	[dreg:$0x5] =	wrdreg s18  }
0x13: {  	s20 =	sadd.s32 $0x10000, s7;
	s6 =	simm.s32 $0x2;
	[dreg:$0x6] =	wrdreg s19  }
0x14: {  	s9 =	simm.s32 $0x5;
	[dreg:$0x7] =	wrdreg s20;
	s21 =	sadd.s32 $0x10, s8  }
0x15: {  	s22 =	sadd.s32 $0x4E0, s8;
	s23 =	sadd.s32 $0x4C0, s8;
	s24 =	sadd.s32 $0x4D0, s8  }
0x16: {  	s17 =	sadd.s32 $0x3F400, s1;
	s18 =	smax.u32 s11, $0x1;
	[dreg:$0x8] =	wrdreg s21  }
0x17: {  	s19 =	sadd.s32 s26, s5;
	s20 =	sadd.s32 $0x100, s0;
	[dreg:$0x9] =	wrdreg s22  }
0x18: {  	s26 =	simm.s32 $0x6900;
	s0 =	simm.s32 $0xA900;
	[dreg:$0xa] =	wrdreg s23  }
0x19: {  	s1 =	simm.s32 $0x6;
	[dreg:$0xb] =	wrdreg s24;
	s21 =	simm.s32 $0x80  }
0x1a: {  	v0 =	vimm.f32 $0.0e+00;
	s23 =	simm.s32 $0x3;
	s24 =	simm.s32 $0x2780;
	s22 =	simm.s32 $0x1  }
.LBB2_1:
0x1b: {  	s11 =	rddreg [dreg:$0x3];
	s12 =	simm.s32 $0x400  }
0x1c: {  	[tilespmem:s3], [sflag:$0x3] =	stream.strided.gather [hbm4b:s11+s21], $0x2780, s12, s21, $0x38;
	[tilespmem:$0x1F100] =	vst v63  }
0x1d: {  	s11 =	simm.s32 $0x0;
	s12 =	simm.s32 $0x200  }
.LBB2_2:
0x1e: {  	p0 =	sne.s32 s12, $0xFE00;
	[tilespmem:s11+$0x6970] =	vst v0  }
0x1f: {  	[tilespmem:s11+$0x6900] =	vst v0  }
0x20: {  	[tilespmem:s11+$0x6910] =	vst v0  }
.Ltmp0:
0x21: {  	[tilespmem:s11+$0x6920] =	vst v0;
	(pc) =	sbr.rel @p0 .LBB2_2-.Ltmp0, $4  }
0x22: {  	[tilespmem:s11+$0x6930] =	vst v0  }
0x23: {  	[tilespmem:s11+$0x6940] =	vst v0  }
0x24: {  	[tilespmem:s11+$0x6950] =	vst v0  }
0x25: {  	[tilespmem:s11+$0x6960] =	vst v0;
	s11 =	sshra.s32 s12, $0x2;
	s12 =	sadd.s32 $0x200, s12  }
0x26: {  	[tilespmem:s11+$0x6970] =	vst v0  }
0x27: {  	[tilespmem:s11+$0x6900] =	vst v0  }
0x28: {  	[tilespmem:s11+$0x6910] =	vst v0  }
0x29: {  	[tilespmem:s11+$0x6920] =	vst v0  }
0x2a: {  	[tilespmem:s11+$0x6930] =	vst v0  }
0x2b: {  	[tilespmem:s11+$0x6940] =	vst v0  }
0x2c: {  	[tilespmem:s11+$0x6950] =	vst v0  }
0x2d: {  	[tilespmem:s11+$0x6960] =	vst v0  }
0x2e: {  	_ =	swait.ge [sflag:s23], $0x2780  }
0x2f: {  	[sflag:s23] =	ssyncset.done $0x0  }
0x30: {  	s11 =	simm.s32 $0x0;
	[sflag:s23] =	ssyncadd.s32 $0xFFFFD880  }
0x31: {  	[tilespmem:s24], [sflag:$0x3] =	stream.linear.gather [hbm4b:s8+s11], $0x80, $0x38;
	[tilespmem:$0x1F100] =	vst v63  }
0x32: {  	_ = 	snop  }
0x33: {  	[tilespmem:s25], [sflag:$0x1] =	stream.indirect.gather [hbm4b:s4+s21], $0x80, s11, s21, $0xb8;
	[tilespmem:$0x1F100] =	vst v63  }
0x34: {  	_ = 	snop  }
0x35: {  	[spmem:s7] =	stream.linear.scatter [tilespmem:s26], [sflag:$0x4], $0x4000, $0x38;
	[tilespmem:$0x1F100] =	vst v63  }
0x36: {  	s12 =	rddreg [dreg:$0x4]  }
0x37: {  	[spmem:s12] =	stream.linear.scatter [tilespmem:s26], [sflag:$0x4], $0x4000, $0x38;
	[tilespmem:$0x1F100] =	vst v63  }
0x38: {  	s16 =	rddreg [dreg:$0x5]  }
0x39: {  	[spmem:s16] =	stream.linear.scatter [tilespmem:s26], [sflag:$0x4], $0x4000, $0x38;
	[tilespmem:$0x1F100] =	vst v63  }
0x3a: {  	s13 =	rddreg [dreg:$0x6]  }
0x3b: {  	[spmem:s13] =	stream.linear.scatter [tilespmem:s26], [sflag:$0x4], $0x4000, $0x38;
	[tilespmem:$0x1F100] =	vst v63  }
0x3c: {  	s14 =	rddreg [dreg:$0x7]  }
0x3d: {  	[spmem:s14] =	stream.linear.scatter [tilespmem:s26], [sflag:$0x4], $0x4000, $0x38;
	[tilespmem:$0x1F100] =	vst v63  }
0x3e: {  	_ =	swait.ge [sflag:s28], $0x4000  }
0x3f: {  	[sflag:s28] =	ssyncset.done $0x0  }
0x40: {  	[sflag:s28] =	ssyncadd.s32 $0xFFFFC000  }
0x41: {  	_ =	swait.ge [sflag:s28], $0x4000  }
0x42: {  	[sflag:s28] =	ssyncset.done $0x0  }
0x43: {  	[sflag:s28] =	ssyncadd.s32 $0xFFFFC000  }
0x44: {  	_ =	swait.ge [sflag:s28], $0x4000  }
0x45: {  	[sflag:s28] =	ssyncset.done $0x0  }
0x46: {  	[sflag:s28] =	ssyncadd.s32 $0xFFFFC000  }
0x47: {  	_ =	swait.ge [sflag:s28], $0x4000  }
0x48: {  	[sflag:s28] =	ssyncset.done $0x0  }
0x49: {  	[sflag:s28] =	ssyncadd.s32 $0xFFFFC000  }
0x4a: {  	_ =	swait.ge [sflag:s28], $0x4000  }
0x4b: {  	[sflag:s28] =	ssyncset.done $0x0  }
0x4c: {  	s15 =	rddreg [dreg:$0x8];
	[sflag:s28] =	ssyncadd.s32 $0xFFFFC000  }
0x4d: {  	[tilespmem:s29], [sflag:$0x4] =	stream.linear.gather [hbm4b:s15+s11], $0x80, $0x38;
	[tilespmem:$0x1F100] =	vst v63  }
0x4e: {  	_ = 	snop  }
0x4f: {  	[tilespmem:s26], [sflag:$0x2] =	stream.indirect.gather [hbm4b:s4+s21], $0x80, s21, s21, $0xb8;
	[tilespmem:$0x1F100] =	vst v63  }
0x50: {  	s16 =	rddreg [dreg:$0x9]  }
0x51: {  	[tilespmem:s30], [sflag:$0x5] =	stream.linear.gather [hbm4b:s16+s11], $0x10, $0x38;
	[tilespmem:$0x1F100] =	vst v63  }
0x52: {  	s13 =	simm.s32 $0x2700  }
0x53: {  	[tilespmem:s0], [sflag:$0x5] =	stream.indirect.gather [hbm4b:s4+s31], $0x80, s13, s31, $0xb8;
	[tilespmem:$0x1F100] =	vst v63  }
0x54: {  	[bflag:$0x0] =	sbarrier.arrive $0xFFFF  }
0x55: {  	_ =	swait.ge [sflag:s23], $0x80  }
0x56: {  	[sflag:s23] =	ssyncset.done $0x0  }
0x57: {  	[sflag:s23] =	ssyncadd.s32 $0xFFFFFF80  }
0x58: {  	_ =	swait.ge [sflag:s22], $0x4000  }
0x59: {  	[sflag:s22] =	ssyncset.done $0x0  }
0x5a: {  	[sflag:s22] =	ssyncadd.s32 $0xFFFFC000  }
0x5b: {  	[spmem:s2] =	stream.indirect.scatter.add.f32 [tilespmem:s25], [sflag:$0x6], $0x80, s24, s21, $0xb8;
	[tilespmem:$0x1F100] =	vst v63  }
0x5c: {  	_ =	swait.ge [sflag:s1], $0x4000  }
0x5d: {  	s14 =	sshrl.u32 s20, $0x3;
	[sflag:s1] =	ssyncset.done $0x0  }
0x5e: {  	s11 =	sadd.s32 s5, s14;
	[sflag:s1] =	ssyncadd.s32 $0xFFFFC000  }
0x5f: {  	[tilespmem:s24], [sflag:$0x3] =	stream.linear.gather [hbm4b:s11+s3], $0x80, $0x38;
	[tilespmem:$0x1F100] =	vst v63  }
0x60: {  	s15 =	simm.s32 $0x100  }
0x61: {  	[tilespmem:s25], [sflag:$0x1] =	stream.indirect.gather [hbm4b:s4+s21], $0x80, s15, s21, $0xb8;
	[tilespmem:$0x1F100] =	vst v63  }
0x62: {  	_ =	swait.ge [sflag:s28], $0x80  }
0x63: {  	[sflag:s28] =	ssyncset.done $0x0  }
0x64: {  	[sflag:s28] =	ssyncadd.s32 $0xFFFFFF80  }
0x65: {  	_ =	swait.ge [sflag:s6], $0x4000  }
0x66: {  	[sflag:s6] =	ssyncset.done $0x0  }
0x67: {  	[sflag:s6] =	ssyncadd.s32 $0xFFFFC000  }
0x68: {  	[spmem:s2] =	stream.indirect.scatter.add.f32 [tilespmem:s26], [sflag:$0x6], $0x80, s29, s21, $0xb8;
	[tilespmem:$0x1F100] =	vst v63  }
0x69: {  	s12 =	simm.s32 $0x20;
	_ =	swait.ge [sflag:s1], $0x4000  }
0x6a: {  	s16 =	sadd.s32 $0x0, s19;
	s14 =	sadd.s32 $0x100, s20;
	[sflag:s1] =	ssyncset.done $0x0  }
0x6b: {  	s13 =	simm.s32 $0x280;
	s11 =	simm.s32 $0x180;
	[sflag:s1] =	ssyncadd.s32 $0xFFFFC000  }
0x6c: {  	[tilespmem:s29], [sflag:$0x4] =	stream.linear.gather [hbm4b:s16+s3], $0x80, $0x38;
	[tilespmem:$0x1F100] =	vst v63  }
.LBB2_4:
0x6d: {  	[tilespmem:s26], [sflag:$0x2] =	stream.indirect.gather [hbm4b:s4+s21], $0x80, s11, s21, $0xb8;
	[tilespmem:$0x1F100] =	vst v63  }
0x6e: {  	s15 =	smov.u32 s12;
	s11 =	smov.u32 s13  }
0x6f: {  	p0 =	sne.s32 s12, $0x480;
	s12 =	sadd.s32 $0x20, s12;
	_ =	swait.ge [sflag:s23], $0x80  }
0x70: {  	[sflag:s23] =	ssyncset.done $0x0  }
0x71: {  	[sflag:s23] =	ssyncadd.s32 $0xFFFFFF80  }
0x72: {  	_ =	swait.ge [sflag:s22], $0x4000  }
0x73: {  	[sflag:s22] =	ssyncset.done $0x0  }
0x74: {  	[sflag:s22] =	ssyncadd.s32 $0xFFFFC000  }
0x75: {  	[spmem:s2] =	stream.indirect.scatter.add.f32 [tilespmem:s25], [sflag:$0x6], $0x80, s24, s21, $0xb8;
	[tilespmem:$0x1F100] =	vst v63  }
0x76: {  	_ =	swait.ge [sflag:s1], $0x4000  }
0x77: {  	s16 =	sshrl.u32 s14, $0x3;
	[sflag:s1] =	ssyncset.done $0x0  }
0x78: {  	s16 =	sadd.s32 s5, s16;
	[sflag:s1] =	ssyncadd.s32 $0xFFFFC000  }
0x79: {  	[tilespmem:s24], [sflag:$0x3] =	stream.linear.gather [hbm4b:s16+s3], $0x80, $0x38;
	[tilespmem:$0x1F100] =	vst v63  }
0x7a: {  	s16 =	sadd.s32 $0xFFFFFF80, s13  }
0x7b: {  	[tilespmem:s25], [sflag:$0x1] =	stream.indirect.gather [hbm4b:s4+s21], $0x80, s16, s21, $0xb8;
	[tilespmem:$0x1F100] =	vst v63  }
0x7c: {  	_ =	swait.ge [sflag:s28], $0x80  }
0x7d: {  	[sflag:s28] =	ssyncset.done $0x0  }
0x7e: {  	[sflag:s28] =	ssyncadd.s32 $0xFFFFFF80  }
0x7f: {  	_ =	swait.ge [sflag:s6], $0x4000  }
0x80: {  	[sflag:s6] =	ssyncset.done $0x0  }
0x81: {  	[sflag:s6] =	ssyncadd.s32 $0xFFFFC000  }
0x82: {  	[spmem:s2] =	stream.indirect.scatter.add.f32 [tilespmem:s26], [sflag:$0x6], $0x80, s29, s21, $0xb8;
	[tilespmem:$0x1F100] =	vst v63  }
.Ltmp1:
0x83: {  	_ =	swait.ge [sflag:s1], $0x4000;
	(pc) =	sbr.rel @p0 .LBB2_4-.Ltmp1, $4  }
0x84: {  	[sflag:s1] =	ssyncset.done $0x0  }
0x85: {  	s15 =	sadd.s32 s15, s19;
	[sflag:s1] =	ssyncadd.s32 $0xFFFFC000  }
0x86: {  	[tilespmem:s29], [sflag:$0x4] =	stream.linear.gather [hbm4b:s15+s3], $0x80, $0x38;
	[tilespmem:$0x1F100] =	vst v63  }
0x87: {  	s14 =	sadd.s32 $0x100, s14;
	s13 =	sadd.s32 $0x100, s13  }
0x88: {  	[tilespmem:s26], [sflag:$0x2] =	stream.indirect.gather [hbm4b:s4+s21], $0x80, s11, s21, $0xb8;
	[tilespmem:$0x1F100] =	vst v63  }
0x89: {  	_ =	swait.ge [sflag:s23], $0x80  }
0x8a: {  	[sflag:s23] =	ssyncset.done $0x0  }
0x8b: {  	[sflag:s23] =	ssyncadd.s32 $0xFFFFFF80  }
0x8c: {  	_ =	swait.ge [sflag:s22], $0x4000  }
0x8d: {  	[sflag:s22] =	ssyncset.done $0x0  }
0x8e: {  	[sflag:s22] =	ssyncadd.s32 $0xFFFFC000  }
0x8f: {  	[spmem:s2] =	stream.indirect.scatter.add.f32 [tilespmem:s25], [sflag:$0x6], $0x80, s24, s21, $0xb8;
	[tilespmem:$0x1F100] =	vst v63  }
0x90: {  	_ =	swait.ge [sflag:s1], $0x4000  }
0x91: {  	[sflag:s1] =	ssyncset.done $0x0  }
0x92: {  	s12 =	rddreg [dreg:$0xa];
	[sflag:s1] =	ssyncadd.s32 $0xFFFFC000  }
0x93: {  	[tilespmem:s24], [sflag:$0x3] =	stream.linear.gather [hbm4b:s12+s3], $0x80, $0x38;
	[tilespmem:$0x1F100] =	vst v63  }
0x94: {  	s13 =	simm.s32 $0x2600  }
0x95: {  	[tilespmem:s25], [sflag:$0x1] =	stream.indirect.gather [hbm4b:s4+s21], $0x80, s13, s21, $0xb8;
	[tilespmem:$0x1F100] =	vst v63  }
0x96: {  	_ =	swait.ge [sflag:s28], $0x80  }
0x97: {  	[sflag:s28] =	ssyncset.done $0x0  }
0x98: {  	[sflag:s28] =	ssyncadd.s32 $0xFFFFFF80  }
0x99: {  	_ =	swait.ge [sflag:s6], $0x4000  }
0x9a: {  	[sflag:s6] =	ssyncset.done $0x0  }
0x9b: {  	[sflag:s6] =	ssyncadd.s32 $0xFFFFC000  }
0x9c: {  	[spmem:s2] =	stream.indirect.scatter.add.f32 [tilespmem:s26], [sflag:$0x6], $0x80, s29, s21, $0xb8;
	[tilespmem:$0x1F100] =	vst v63  }
0x9d: {  	_ =	swait.ge [sflag:s1], $0x4000  }
0x9e: {  	[sflag:s1] =	ssyncset.done $0x0  }
0x9f: {  	s14 =	rddreg [dreg:$0xb];
	[sflag:s1] =	ssyncadd.s32 $0xFFFFC000  }
0xa0: {  	[tilespmem:s29], [sflag:$0x4] =	stream.linear.gather [hbm4b:s14+s3], $0x80, $0x38;
	[tilespmem:$0x1F100] =	vst v63  }
0xa1: {  	s15 =	simm.s32 $0x2680  }
0xa2: {  	[tilespmem:s26], [sflag:$0x2] =	stream.indirect.gather [hbm4b:s4+s21], $0x80, s15, s21, $0xb8;
	[tilespmem:$0x1F100] =	vst v63  }
0xa3: {  	_ =	swait.ge [sflag:s23], $0x80  }
0xa4: {  	[sflag:s23] =	ssyncset.done $0x0  }
0xa5: {  	[sflag:s23] =	ssyncadd.s32 $0xFFFFFF80  }
0xa6: {  	_ =	swait.ge [sflag:s22], $0x4000  }
0xa7: {  	[sflag:s22] =	ssyncset.done $0x0  }
0xa8: {  	[sflag:s22] =	ssyncadd.s32 $0xFFFFC000  }
0xa9: {  	[spmem:s2] =	stream.indirect.scatter.add.f32 [tilespmem:s25], [sflag:$0x6], $0x80, s24, s21, $0xb8;
	[tilespmem:$0x1F100] =	vst v63  }
0xaa: {  	_ =	swait.ge [sflag:s1], $0x4000  }
0xab: {  	[sflag:s1] =	ssyncset.done $0x0  }
0xac: {  	[sflag:s1] =	ssyncadd.s32 $0xFFFFC000  }
0xad: {  	_ =	swait.ge [sflag:s28], $0x80  }
0xae: {  	[sflag:s28] =	ssyncset.done $0x0  }
0xaf: {  	[sflag:s28] =	ssyncadd.s32 $0xFFFFFF80  }
0xb0: {  	_ =	swait.ge [sflag:s6], $0x4000  }
0xb1: {  	[sflag:s6] =	ssyncset.done $0x0  }
0xb2: {  	[sflag:s6] =	ssyncadd.s32 $0xFFFFC000  }
0xb3: {  	[spmem:s2] =	stream.indirect.scatter.add.f32 [tilespmem:s26], [sflag:$0x6], $0x80, s29, s21, $0xb8;
	[tilespmem:$0x1F100] =	vst v63  }
0xb4: {  	_ =	swait.ge [sflag:s1], $0x4000  }
0xb5: {  	[sflag:s1] =	ssyncset.done $0x0  }
0xb6: {  	[sflag:s1] =	ssyncadd.s32 $0xFFFFC000  }
0xb7: {  	_ =	swait.ge [sflag:s9], $0x10  }
0xb8: {  	[sflag:s9] =	ssyncset.done $0x0  }
0xb9: {  	[sflag:s9] =	ssyncadd.s32 $0xFFFFFFF0  }
0xba: {  	_ =	swait.ge [sflag:s9], $0x800  }
0xbb: {  	[sflag:s9] =	ssyncset.done $0x0  }
0xbc: {  	[sflag:s9] =	ssyncadd.s32 $0xFFFFF800  }
0xbd: {  	[spmem:s2] =	stream.indirect.scatter.add.f32 [tilespmem:s0], [sflag:$0x6], $0x80, s30, s31, $0xb8;
	[tilespmem:$0x1F100] =	vst v63  }
0xbe: {  	s16 =	stileid.u32;
	_ =	swait.ge [sflag:s1], $0x800  }
0xbf: {  	s10 =	sadd.s32 $0x1, s10;
	s11 =	sshll.u32 s16, $0x6;
	[sflag:s1] =	ssyncset.done $0x0  }
0xc0: {  	p0 =	sne.s32 s10, s18;
	s11 =	sor.u32 $0x1C06, s11;
	[sflag:s1] =	ssyncadd.s32 $0xFFFFF800  }
.Ltmp2:
0xc1: {  	s12 =	sshrl.u32 s7, $0x3;
	[bflag:$0x0] =	sbarrier.arrive $0xFFFF;
	(pc) =	sbr.rel @p0 .LBB2_1-.Ltmp2, $4  }
0xc2: {  	[hbm:s17], [sflag:s11] =	dma.local [spmem:s12], $0x2800  }
0xc3: {  	_ =	swait.ge [sflag:s1], $0x2800  }
0xc4: {  	[sflag:s1] =	ssyncset.done $0x0  }
0xc5: {  	[sflag:s1] =	ssyncadd.s32 $0xFFFFD800  }
0xc6: {  	_ =	sfence.sel $0x180000  }
0xc7: {  	[bflag:$0x0] =	sbarrier.arrive $0xFFFF  }
0xc8: {  	_ =	strace $0x9000004D  }
0xc9: {  	s0 =	stileid.u32;
	[bflag:$0x2] =	sbarrier.arrive $0xFFFF  }
0xca: {  	p0 =	sne.s32 s0, $0x0;
	s0 =	rddreg [dreg:$0x2]  }
0xcb: {  	s0 =	sadd.s32 @!p0 $0x100000, s0  }
0xcc: {  	[sflag:s0] =	ssyncadd.tile.s32 @!p0 $0x1;
	_ =	shalt  }
.Lfunc_end2:
_tile_overlayer_lowered:
.L_overlay_start_2:
0xcd: {  	(tag) =	ssettag $0x2  }
0xce: {  	s0 =	rddreg [dreg:$0x0];
	s2 =	stileid.u32  }
0xcf: {  	s1 =	rddreg [dreg:$0x1];
	p0 =	sne.s32 s2, $0x0  }
0xd0: {  	s3 =	rddreg [dreg:$0x2];
	[bflag:$0x3] =	sbarrier.arrive $0xFFFF;
	s2 =	simm.s32 @!p0 $0x1C06  }
0xd1: {  	[timem:s3], [sflag:s2] =	dma.local @!p0 [hbm:s0], s1  }
0xd2: {  	s0 =	simm.s32 @!p0 $0x6  }
0xd3: {  	_ =	swait.ge @!p0 [sflag:s0], s1  }
0xd4: {  	s1 =	ssub.s32 @!p0 $0x0, s1;
	[sflag:s0] =	ssyncset.done @!p0 $0x0  }
0xd5: {  	[sflag:s0] =	ssyncadd.s32 @!p0 s1  }
0xd6: {  	[bflag:$0x3] =	sbarrier.arrive $0xFFFF  }
0xd7: {  	_ =	shalt  }

// kernel: kernel.8.cloned.1.call-start
scs
__scs_entry_jumppad:
0x0: {  	(pc) =	sbr.rel $0x88, $3  }
0x1: {  	(tag) =	ssettag $0x0;
	lr =	simm.s32 $0x1  }
0x2: {  	[smem:$0x3F92] =	sst lr;
	_ =	strace $0xD0000000  }
0x3: {  	_ = 	snop  }
0x4: {  	_ = 	snop  }
0x5: {  	_ = 	snop  }
0x6: {  	_ = 	snop  }
0x7: {  	_ = 	snop  }
__scs_overlays_trampoline_lowered:
0x8: {  	[smem:$0x3FA1] =	sst s0  }
0x9: {  	[smem:$0x3FA2] =	sst s1  }
0xa: {  	[smem:$0x3FA3] =	sst s2  }
0xb: {  	[smem:$0x3FA4] =	sst s3  }
0xc: {  	[smem:$0x3FA5] =	sst s4  }
0xd: {  	[smem:$0x3FA6] =	sst s5  }
0xe: {  	[smem:$0x3FA7] =	sst s6  }
0xf: {  	[smem:$0x3FA8] =	sst s7  }
0x10: {  	[smem:$0x3FA9] =	sst s8  }
0x11: {  	[smem:$0x3FAA] =	sst s9;
	s0 =	simm.s32 @!p0 $0x0  }
0x12: {  	s1 =	sld [smem:$0x3F90];
	s0 =	simm.s32 @p0 $0x1  }
0x13: {  	[smem:$0x3FAB] =	sst s0;
	s0 =	simm.s32 @!p1 $0x0  }
0x14: {  	s2 =	sld [smem:$0x3F8F];
	s0 =	simm.s32 @p1 $0x1  }
0x15: {  	[smem:$0x3FAC] =	sst s0;
	s0 =	simm.s32 @!p2 $0x0  }
0x16: {  	s3 =	sld [smem:$0x3FDB];
	s0 =	simm.s32 @p2 $0x1  }
0x17: {  	s4 =	simm.s32 $0x1BF5;
	[smem:$0x3FAE] =	sst s0  }
0x18: {  	s0 =	sld [smem:$0x3F91];
	_ =	swait.ge [sflag:s4], $0x0  }
0x19: {  	s7 =	sld [smem:$0x3F92]  }
0x1a: {  	s8 =	sadd.s32 $0xFFFFE003, lr  }
0x1b: {  	s9 =	sadd.s32 $0xFFFFFEF7, lr;
	s5 =	simm.s32 $0xFFFFFFFF;
	p2 =	slt.u32 s8, $0xFFFFF086  }
0x1c: {  	p1 =	slt.u32 s9, $0xF7A;
	s5 =	simm.s32 @!p2 $0x0  }
0x1d: {  	s5 =	simm.s32 @p1 $0x1;
	p0 =	seq.s32 s7, s2  }
0x1e: {  	s7 =	smul.u32 @!p0 $0xF7A, s2;
	p2 =	seq.s32 @!p0 s5, $0x0  }
0x1f: {  	s9 =	smul.u32 $0xF7A, s1;
	s8 =	simm.s32 @!p0 $0x1BF5;
	p2 =	por !p2, p0  }
0x20: {  	[sflag:s8] =	ssyncset.s32 @!p0 $0xFFFFF086;
	s6 =	sadd.s32 @!p0 s3, s7;
	s7 =	simm.s32 @!p0 $0x108  }
0x21: {  	s3 =	sadd.s32 s3, s9;
	s6 =	sadd.s32 @!p0 $0x88, s6;
	s7 =	simm.s32 @p2 $0x1082  }
0x22: {  	[simem:s7], [sflag:s8] =	dma.local @!p0 [hbm:s6], $0xF7A  }
0x23: {  	s9 =	sor.u32 $0xD0000000, s2;
	s6 =	simm.s32 $0x108;
	_ =	swait.ge @!p0 [sflag:s8], $0x0  }
0x24: {  	s3 =	sadd.s32 $0x88, s3;
	s6 =	simm.s32 @!p1 $0x1082;
	[sflag:s4] =	ssyncset.s32 $0xFFFFF086  }
0x25: {  	[simem:s6], [sflag:s4] =	dma.local [hbm:s3], $0xF7A  }
0x26: {  	[smem:$0x3F92] =	sst s1;
	(tag) =	ssettag s2;
	_ =	strace s9  }
0x27: {  	s1 =	sld [smem:$0x3FA2]  }
0x28: {  	s2 =	sld [smem:$0x3FA3]  }
0x29: {  	s4 =	sld [smem:$0x3FA5]  }
0x2a: {  	p0 =	seq.s32 s5, $0x0;
	s5 =	sld [smem:$0x3FA6]  }
0x2b: {  	s6 =	sld [smem:$0x3FA7]  }
0x2c: {  	s7 =	sld [smem:$0x3FA8]  }
0x2d: {  	s3 =	simm.s32 $0x108;
	s8 =	sld [smem:$0x3FA9]  }
0x2e: {  	s3 =	simm.s32 @!p0 $0x1082;
	s9 =	sld [smem:$0x3FAA]  }
0x2f: {  	lr =	sadd.s32 s0, s3;
	s0 =	sld [smem:$0x3FA1]  }
0x30: {  	s3 =	sld [smem:$0x3FA4]  }
0x31: {  	[smem:$0x3FAD] =	sst s10  }
0x32: {  	s10 =	sld [smem:$0x3FAB];
	_ =	sdelay $0x3  }
0x33: {  	p0 =	seq.s32 s10, $0x1;
	s10 =	sld [smem:$0x3FAD];
	_ =	sdelay $0x3  }
0x34: {  	[smem:$0x3FAD] =	sst s10  }
0x35: {  	s10 =	sld [smem:$0x3FAC];
	_ =	sdelay $0x3  }
0x36: {  	p1 =	seq.s32 s10, $0x1;
	s10 =	sld [smem:$0x3FAD];
	_ =	sdelay $0x3  }
0x37: {  	[smem:$0x3FAD] =	sst s10  }
0x38: {  	s10 =	sld [smem:$0x3FAE]  }
0x39: {  	_ = 	snop;
	(pc) =	sbr.ind lr, $3  }
0x3a: {  	_ = 	snop  }
0x3b: {  	_ = 	snop  }
0x3c: {  	p2 =	seq.s32 s10, $0x1;
	s10 =	sld [smem:$0x3FAD]  }
0x3d: {  	_ =	shalt  }
0x3e: {  	_ =	shalt  }
0x3f: {  	_ =	shalt  }
0x40: {  	_ =	shalt  }
0x41: {  	_ =	shalt  }
0x42: {  	_ =	shalt  }
0x43: {  	_ =	shalt  }
0x44: {  	_ =	shalt  }
0x45: {  	_ =	shalt  }
0x46: {  	_ =	shalt  }
0x47: {  	_ =	shalt  }
0x48: {  	_ =	shalt  }
0x49: {  	_ =	shalt  }
0x4a: {  	_ =	shalt  }
0x4b: {  	_ =	shalt  }
0x4c: {  	_ =	shalt  }
0x4d: {  	_ =	shalt  }
0x4e: {  	_ =	shalt  }
0x4f: {  	_ =	shalt  }
0x50: {  	_ =	shalt  }
0x51: {  	_ =	shalt  }
0x52: {  	_ =	shalt  }
0x53: {  	_ =	shalt  }
0x54: {  	_ =	shalt  }
0x55: {  	_ =	shalt  }
0x56: {  	_ =	shalt  }
0x57: {  	_ =	shalt  }
0x58: {  	_ =	shalt  }
0x59: {  	_ =	shalt  }
0x5a: {  	_ =	shalt  }
0x5b: {  	_ =	shalt  }
0x5c: {  	_ =	shalt  }
0x5d: {  	_ =	shalt  }
0x5e: {  	_ =	shalt  }
0x5f: {  	_ =	shalt  }
0x60: {  	_ =	shalt  }
0x61: {  	_ =	shalt  }
0x62: {  	_ =	shalt  }
0x63: {  	_ =	shalt  }
0x64: {  	_ =	shalt  }
0x65: {  	_ =	shalt  }
0x66: {  	_ =	shalt  }
0x67: {  	_ =	shalt  }
0x68: {  	_ =	shalt  }
0x69: {  	_ =	shalt  }
0x6a: {  	_ =	shalt  }
0x6b: {  	_ =	shalt  }
0x6c: {  	_ =	shalt  }
0x6d: {  	_ =	shalt  }
0x6e: {  	_ =	shalt  }
0x6f: {  	_ =	shalt  }
0x70: {  	_ =	shalt  }
0x71: {  	_ =	shalt  }
0x72: {  	_ =	shalt  }
0x73: {  	_ =	shalt  }
0x74: {  	_ =	shalt  }
0x75: {  	_ =	shalt  }
0x76: {  	_ =	shalt  }
0x77: {  	_ =	shalt  }
0x78: {  	_ =	shalt  }
0x79: {  	_ =	shalt  }
0x7a: {  	_ =	shalt  }
0x7b: {  	_ =	shalt  }
0x7c: {  	_ =	shalt  }
0x7d: {  	_ =	shalt  }
0x7e: {  	_ =	shalt  }
0x7f: {  	_ =	shalt  }
0x80: {  	_ =	shalt  }
0x81: {  	_ =	shalt  }
0x82: {  	_ =	shalt  }
0x83: {  	_ =	shalt  }
0x84: {  	_ =	shalt  }
0x85: {  	_ =	shalt  }
0x86: {  	_ =	shalt  }
0x87: {  	_ =	shalt  }
.Lfunc_end0:
.L_simem_size_0:
called_computation_lowered:
.L_overlay_start_0:
0x88: {  	s2 =	sld [smem:$0x3FD9]  }
0x89: {  	s3 =	sld [smem:$0x3FFE];
	_ =	sdelay $0x1  }
0x8a: {  	s1 =	srdreg.scid  }
0x8b: {  	s0 =	sand.u32 $0x1, s1  }
0x8c: {  	s17 =	sshll.u32 s0, $0xA;
	s2 =	sadd.s32 s3, s2  }
0x8d: {  	s2 =	sadd.s32 s2, s17  }
0x8e: {  	[smem:$0x3FB9] =	sst s2  }
0x8f: {  	_ = 	snop  }
0x90: {  	s2 =	sld [smem:$0x3FC9];
	(tm) =	ssettm $0x1  }
0x91: {  	s18 =	sld [smem:$0x3FFB];
	_ =	sdelay $0x3  }
0x92: {  	_ =	strace s18  }
0x93: {  	s3 =	sld [smem:$0x3FFC];
	_ =	sdelay $0x3  }
0x94: {  	_ =	strace s3  }
0x95: {  	s3 =	sld [smem:$0x3FFD];
	_ =	sdelay $0x3  }
0x96: {  	_ =	strace s3  }
0x97: {  	_ =	strace $0x8FFFFFFF  }
0x98: {  	s19 =	sld [smem:$0x3FDB];
	_ =	sdelay $0x1  }
0x99: {  	s4 =	simm.s32 $_scs_section_size  }
0x9a: {  	s5 =	simm.s32 $_size__tile_overlayer_lowered;
	s6 =	simm.s32 $_tile_overlayer_lowered  }
0x9b: {  	s22 =	simm.s32 $0x1BFF;
	s21 =	sshll.u32 s6, $0x1;
	s3 =	sadd.s32 s4, s19  }
0x9c: {  	s7 =	simm.s32 $0x0;
	s20 =	sshll.u32 s5, $0x1;
	s5 =	sadd.s32 s21, s3  }
0x9d: {  	[timem:s7], [sflag:s22] =	dma.local [hbm:s5], s20  }
0x9e: {  	_ =	swait.ge [sflag:s22], s20  }
0x9f: {  	s4 =	ssub.s32 $0x0, s20;
	[sflag:s22] =	ssyncset.done $0x0  }
0xa0: {  	[sflag:s22] =	ssyncadd.s32 s4;
	_ =	sdelay $0x1  }
0xa1: {  	s23 =	simm.s32 $0x1B8B  }
0xa2: {  	_ =	swait.ge [sflag:s23], $0x1  }
0xa3: {  	[sflag:s23] =	ssyncset.done $0x0  }
0xa4: {  	s25 =	simm.s32 $0x1B8E;
	s24 =	sld [smem:$0x3FFE];
	[sflag:s23] =	ssyncadd.s32 $0xFFFFFFFF  }
0xa5: {  	s26 =	simm.s32 $execute0_lowered;
	[smem:$0x3FD2] =	sst s25  }
0xa6: {  	s5 =	sshll.u32 s26, $0x1;
	_ =	strace $0x80000046;
	[dreg:$0x1] =	wrdreg $0xFFFFFFFF  }
0xa7: {  	s28 =	simm.s32 $_size_execute0_lowered;
	s3 =	sadd.s32 s3, s5;
	[dreg:$0x0] =	wrdreg $0x0  }
0xa8: {  	s5 =	sshll.u32 s28, $0x1;
	[dreg:$0x2] =	wrdreg s3  }
0xa9: {  	[dreg:$0x3] =	wrdreg s5  }
0xaa: {  	[dreg:$0x4] =	wrdreg $0xC0  }
0xab: {  	_ =	task [dreg:s7], $0x5FFFF  }
0xac: {  	[dreg:$0x1] =	wrdreg $0xFFFFFFFF  }
0xad: {  	[dreg:$0x0] =	wrdreg $0x60  }
0xae: {  	[dreg:$0x2] =	wrdreg s2  }
0xaf: {  	[dreg:$0x3] =	wrdreg s24  }
0xb0: {  	[dreg:$0x4] =	wrdreg $0xB1000  }
0xb1: {  	[dreg:$0x5] =	wrdreg $0x9  }
0xb2: {  	_ =	task.clear_ibuf [dreg:s7], $0x6FFFF;
	_ =	strace $0x90000046  }
0xb3: {  	s29 =	simm.s32 $0x9;
	_ =	strace $0x80000048  }
0xb4: {  	_ =	swait.ge [sflag:s29], $0x1  }
0xb5: {  	[sflag:s29] =	ssyncadd.s32 $0xFFFFFFFF  }
0xb6: {  	_ =	strace $0x90000048  }
0xb7: {  	_ =	sfence  }
0xb8: {  	s30 =	sld [smem:$0x0];
	_ =	sdelay $0x2  }
0xb9: {  	s31 =	sshll.u32 s1, $0xD;
	s1 =	sshrl.u32 s1, $0x2  }
0xba: {  	s3 =	sand.u32 $0x4000, s31;
	s1 =	sadd.s32 s1, s30  }
0xbb: {  	s0 =	sor.u32 s3, s0;
	s1 =	sshll.u32 s1, $0x11  }
0xbc: {  	s0 =	sor.u32 s1, s0  }
0xbd: {  	s0 =	sadd.s32 $0x8F2B, s0  }
0xbe: {  	[sflag:s0] =	ssyncadd.remote.s32 $0x1  }
0xbf: {  	_ =	sfence.sel $0xFFFF  }
0xc0: {  	[dreg:$0x0] =	wrdreg $0xFFFFFFFF;
	(pc) =	sbr.abs _section_cstart, $3  }
0xc1: {  	[dreg:$0x1] =	wrdreg $0xFFFFFFFF  }
0xc2: {  	_ =	task.clear_ibuf [dreg:s7], $0x2FFFF;
	_ =	strace $0x9FFFFFFF  }
0xc3: {  	(tm) =	ssettm $0x7FFFFFFF  }
tec
execute0_lowered:
.L_overlay_start_1:
0x0: {  	(tag) =	ssettag $0x1  }
0x1: {  	s1 =	rddreg [dreg:$0x0]  }
0x2: {  	s0 =	srdreg.scid;
	s2 =	rddreg [dreg:$0x1]  }
0x3: {  	s12 =	stileid.u32;
	s3 =	rddreg [dreg:$0x2];
	s28 =	simm.s32 $0x4  }
0x4: {  	s29 =	simm.s32 $0x2800;
	s30 =	simm.s32 $0x2880;
	s10 =	smul.u32 $0x14000, s12  }
0x5: {  	s31 =	simm.s32 $0x10;
	s9 =	sshrl.u32 s12, $0x2;
	s16 =	smul.u32 $0x4E20, s12  }
0x6: {  	s0 =	sand.u32 $0x1, s0;
	s4 =	sshll.u32 s12, $0x1;
	s5 =	smul.u32 $0x13C00, s9  }
0x7: {  	s6 =	sor.u32 s0, s4;
	s4 =	simm.s32 $0x0;
	s8 =	smul.u32 $0x140000, s0  }
0x8: {  	s11 =	ssub.s32 $0x2, s0;
	s0 =	smul.u32 $0x2710, s0;
	s7 =	sshll.u32 s6, $0x7  }
0x9: {  	[smem:$0x7FF] =	sst s4;
	s13 =	sshrl.u32 s11, $0x1;
	s6 =	smul.u32 $0x2710, s6  }
0xa: {  	s7 =	sand.u32 $0x380, s7;
	_ =	strace $0x80000047;
	s11 =	ssub.s32 s11, s13  }
0xb: {  	s5 =	sor.u32 s5, s7;
	s7 =	sadd.s32 s10, s8;
	s10 =	smul.u32 $0x50000, s12  }
0xc: {  	s0 =	sadd.s32 s0, s16;
	s5 =	sshrl.u32 s5, $0x3;
	s7 =	sshrl.u32 s7, $0x3  }
0xd: {  	s9 =	sadd.s32 s5, s2;
	s5 =	sadd.s32 $0x4600, s2;
	s15 =	sshrl.u32 s10, $0x2  }
0xe: {  	s2 =	sadd.s32 s7, s2;
	s14 =	sadd.s32 $0xE400, s9;
	s7 =	sadd.s32 s15, s3  }
0xf: {  	s6 =	sshrl.u32 s6, $0x3;
	[dreg:$0x4] =	wrdreg s14;
	s17 =	sadd.s32 $0x4000, s7  }
0x10: {  	s25 =	sadd.s32 $0x180, s0;
	s18 =	sadd.s32 $0x8000, s7;
	[dreg:$0x5] =	wrdreg s17  }
0x11: {  	s26 =	sshrl.u32 s25, $0x3;
	s19 =	sadd.s32 $0xC000, s7;
	[dreg:$0x6] =	wrdreg s18  }
0x12: {  	s8 =	sadd.s32 s5, s6;
	s20 =	sadd.s32 $0x10000, s7;
	[dreg:$0x7] =	wrdreg s19  }
0x13: {  	s25 =	simm.s32 $0x2900;
	s21 =	sadd.s32 $0x10, s8;
	[dreg:$0x8] =	wrdreg s20  }
0x14: {  	s10 =	simm.s32 $0x0;
	s22 =	sadd.s32 $0x4E0, s8;
	[dreg:$0x9] =	wrdreg s21  }
0x15: {  	s6 =	simm.s32 $0x2;
	s23 =	sadd.s32 $0x4C0, s8;
	[dreg:$0xa] =	wrdreg s22  }
0x16: {  	s9 =	simm.s32 $0x5;
	s24 =	sadd.s32 $0x4D0, s8;
	[dreg:$0xb] =	wrdreg s23  }
0x17: {  	[dreg:$0xc] =	wrdreg s24;
	s17 =	sadd.s32 $0x18200, s2;
	s18 =	smax.u32 s11, $0x1  }
0x18: {  	s19 =	sadd.s32 s26, s5;
	s20 =	sadd.s32 $0x100, s0;
	s21 =	simm.s32 $0x80  }
0x19: {  	s23 =	simm.s32 $0x3;
	s24 =	simm.s32 $0x2780;
	s26 =	simm.s32 $0x6900  }
0x1a: {  	v0 =	vimm.f32 $0.0e+00;
	s0 =	simm.s32 $0xA900;
	s22 =	simm.s32 $0x1;
	s2 =	simm.s32 $0x6  }
.LBB2_1:
0x1b: {  	s11 =	rddreg [dreg:$0x4];
	s12 =	simm.s32 $0x400  }
0x1c: {  	[tilespmem:s4], [sflag:$0x3] =	stream.strided.gather [hbm4b:s11+s21], $0x2780, s12, s21, $0x38;
	[tilespmem:$0x1F100] =	vst v63  }
0x1d: {  	s11 =	simm.s32 $0x0;
	s12 =	simm.s32 $0x200  }
.LBB2_2:
0x1e: {  	p0 =	sne.s32 s12, $0xFE00;
	[tilespmem:s11+$0x6970] =	vst v0  }
0x1f: {  	[tilespmem:s11+$0x6900] =	vst v0  }
0x20: {  	[tilespmem:s11+$0x6910] =	vst v0  }
.Ltmp0:
0x21: {  	[tilespmem:s11+$0x6920] =	vst v0;
	(pc) =	sbr.rel @p0 .LBB2_2-.Ltmp0, $4  }
0x22: {  	[tilespmem:s11+$0x6930] =	vst v0  }
0x23: {  	[tilespmem:s11+$0x6940] =	vst v0  }
0x24: {  	[tilespmem:s11+$0x6950] =	vst v0  }
0x25: {  	[tilespmem:s11+$0x6960] =	vst v0;
	s11 =	sshra.s32 s12, $0x2;
	s12 =	sadd.s32 $0x200, s12  }
0x26: {  	[tilespmem:s11+$0x6970] =	vst v0  }
0x27: {  	[tilespmem:s11+$0x6900] =	vst v0  }
0x28: {  	[tilespmem:s11+$0x6910] =	vst v0  }
0x29: {  	[tilespmem:s11+$0x6920] =	vst v0  }
0x2a: {  	[tilespmem:s11+$0x6930] =	vst v0  }
0x2b: {  	[tilespmem:s11+$0x6940] =	vst v0  }
0x2c: {  	[tilespmem:s11+$0x6950] =	vst v0  }
0x2d: {  	[tilespmem:s11+$0x6960] =	vst v0  }
0x2e: {  	_ =	swait.ge [sflag:s23], $0x2780  }
0x2f: {  	[sflag:s23] =	ssyncset.done $0x0  }
0x30: {  	s11 =	simm.s32 $0x0;
	[sflag:s23] =	ssyncadd.s32 $0xFFFFD880  }
0x31: {  	[tilespmem:s24], [sflag:$0x3] =	stream.linear.gather [hbm4b:s8+s11], $0x80, $0x38;
	[tilespmem:$0x1F100] =	vst v63  }
0x32: {  	_ = 	snop  }
0x33: {  	[tilespmem:s25], [sflag:$0x1] =	stream.indirect.gather [hbm4b:s1+s21], $0x80, s11, s21, $0xb8;
	[tilespmem:$0x1F100] =	vst v63  }
0x34: {  	_ = 	snop  }
0x35: {  	[spmem:s7] =	stream.linear.scatter [tilespmem:s26], [sflag:$0x4], $0x4000, $0x38;
	[tilespmem:$0x1F100] =	vst v63  }
0x36: {  	s12 =	rddreg [dreg:$0x5]  }
0x37: {  	[spmem:s12] =	stream.linear.scatter [tilespmem:s26], [sflag:$0x4], $0x4000, $0x38;
	[tilespmem:$0x1F100] =	vst v63  }
0x38: {  	s16 =	rddreg [dreg:$0x6]  }
0x39: {  	[spmem:s16] =	stream.linear.scatter [tilespmem:s26], [sflag:$0x4], $0x4000, $0x38;
	[tilespmem:$0x1F100] =	vst v63  }
0x3a: {  	s13 =	rddreg [dreg:$0x7]  }
0x3b: {  	[spmem:s13] =	stream.linear.scatter [tilespmem:s26], [sflag:$0x4], $0x4000, $0x38;
	[tilespmem:$0x1F100] =	vst v63  }
0x3c: {  	s14 =	rddreg [dreg:$0x8]  }
0x3d: {  	[spmem:s14] =	stream.linear.scatter [tilespmem:s26], [sflag:$0x4], $0x4000, $0x38;
	[tilespmem:$0x1F100] =	vst v63  }
0x3e: {  	_ =	swait.ge [sflag:s28], $0x4000  }
0x3f: {  	[sflag:s28] =	ssyncset.done $0x0  }
0x40: {  	[sflag:s28] =	ssyncadd.s32 $0xFFFFC000  }
0x41: {  	_ =	swait.ge [sflag:s28], $0x4000  }
0x42: {  	[sflag:s28] =	ssyncset.done $0x0  }
0x43: {  	[sflag:s28] =	ssyncadd.s32 $0xFFFFC000  }
0x44: {  	_ =	swait.ge [sflag:s28], $0x4000  }
0x45: {  	[sflag:s28] =	ssyncset.done $0x0  }
0x46: {  	[sflag:s28] =	ssyncadd.s32 $0xFFFFC000  }
0x47: {  	_ =	swait.ge [sflag:s28], $0x4000  }
0x48: {  	[sflag:s28] =	ssyncset.done $0x0  }
0x49: {  	[sflag:s28] =	ssyncadd.s32 $0xFFFFC000  }
0x4a: {  	_ =	swait.ge [sflag:s28], $0x4000  }
0x4b: {  	[sflag:s28] =	ssyncset.done $0x0  }
0x4c: {  	s15 =	rddreg [dreg:$0x9];
	[sflag:s28] =	ssyncadd.s32 $0xFFFFC000  }
0x4d: {  	[tilespmem:s29], [sflag:$0x4] =	stream.linear.gather [hbm4b:s15+s11], $0x80, $0x38;
	[tilespmem:$0x1F100] =	vst v63  }
0x4e: {  	_ = 	snop  }
0x4f: {  	[tilespmem:s26], [sflag:$0x2] =	stream.indirect.gather [hbm4b:s1+s21], $0x80, s21, s21, $0xb8;
	[tilespmem:$0x1F100] =	vst v63  }
0x50: {  	s16 =	rddreg [dreg:$0xa]  }
0x51: {  	[tilespmem:s30], [sflag:$0x5] =	stream.linear.gather [hbm4b:s16+s11], $0x10, $0x38;
	[tilespmem:$0x1F100] =	vst v63  }
0x52: {  	s13 =	simm.s32 $0x2700  }
0x53: {  	[tilespmem:s0], [sflag:$0x5] =	stream.indirect.gather [hbm4b:s1+s31], $0x80, s13, s31, $0xb8;
	[tilespmem:$0x1F100] =	vst v63  }
0x54: {  	[bflag:$0x0] =	sbarrier.arrive $0xFFFF  }
0x55: {  	_ =	swait.ge [sflag:s23], $0x80  }
0x56: {  	[sflag:s23] =	ssyncset.done $0x0  }
0x57: {  	[sflag:s23] =	ssyncadd.s32 $0xFFFFFF80  }
0x58: {  	_ =	swait.ge [sflag:s22], $0x4000  }
0x59: {  	[sflag:s22] =	ssyncset.done $0x0  }
0x5a: {  	[sflag:s22] =	ssyncadd.s32 $0xFFFFC000  }
0x5b: {  	[spmem:s3] =	stream.indirect.scatter.add.f32 [tilespmem:s25], [sflag:$0x6], $0x80, s24, s21, $0xb8;
	[tilespmem:$0x1F100] =	vst v63  }
0x5c: {  	_ =	swait.ge [sflag:s2], $0x4000  }
0x5d: {  	s14 =	sshrl.u32 s20, $0x3;
	[sflag:s2] =	ssyncset.done $0x0  }
0x5e: {  	s11 =	sadd.s32 s5, s14;
	[sflag:s2] =	ssyncadd.s32 $0xFFFFC000  }
0x5f: {  	[tilespmem:s24], [sflag:$0x3] =	stream.linear.gather [hbm4b:s11+s4], $0x80, $0x38;
	[tilespmem:$0x1F100] =	vst v63  }
0x60: {  	s15 =	simm.s32 $0x100  }
0x61: {  	[tilespmem:s25], [sflag:$0x1] =	stream.indirect.gather [hbm4b:s1+s21], $0x80, s15, s21, $0xb8;
	[tilespmem:$0x1F100] =	vst v63  }
0x62: {  	_ =	swait.ge [sflag:s28], $0x80  }
0x63: {  	[sflag:s28] =	ssyncset.done $0x0  }
0x64: {  	[sflag:s28] =	ssyncadd.s32 $0xFFFFFF80  }
0x65: {  	_ =	swait.ge [sflag:s6], $0x4000  }
0x66: {  	[sflag:s6] =	ssyncset.done $0x0  }
0x67: {  	[sflag:s6] =	ssyncadd.s32 $0xFFFFC000  }
0x68: {  	[spmem:s3] =	stream.indirect.scatter.add.f32 [tilespmem:s26], [sflag:$0x6], $0x80, s29, s21, $0xb8;
	[tilespmem:$0x1F100] =	vst v63  }
0x69: {  	s12 =	simm.s32 $0x20;
	_ =	swait.ge [sflag:s2], $0x4000  }
0x6a: {  	s16 =	sadd.s32 $0x0, s19;
	s14 =	sadd.s32 $0x100, s20;
	[sflag:s2] =	ssyncset.done $0x0  }
0x6b: {  	s13 =	simm.s32 $0x280;
	s11 =	simm.s32 $0x180;
	[sflag:s2] =	ssyncadd.s32 $0xFFFFC000  }
0x6c: {  	[tilespmem:s29], [sflag:$0x4] =	stream.linear.gather [hbm4b:s16+s4], $0x80, $0x38;
	[tilespmem:$0x1F100] =	vst v63  }
.LBB2_4:
0x6d: {  	[tilespmem:s26], [sflag:$0x2] =	stream.indirect.gather [hbm4b:s1+s21], $0x80, s11, s21, $0xb8;
	[tilespmem:$0x1F100] =	vst v63  }
0x6e: {  	s15 =	smov.u32 s12;
	s11 =	smov.u32 s13  }
0x6f: {  	p0 =	sne.s32 s12, $0x480;
	s12 =	sadd.s32 $0x20, s12;
	_ =	swait.ge [sflag:s23], $0x80  }
0x70: {  	[sflag:s23] =	ssyncset.done $0x0  }
0x71: {  	[sflag:s23] =	ssyncadd.s32 $0xFFFFFF80  }
0x72: {  	_ =	swait.ge [sflag:s22], $0x4000  }
0x73: {  	[sflag:s22] =	ssyncset.done $0x0  }
0x74: {  	[sflag:s22] =	ssyncadd.s32 $0xFFFFC000  }
0x75: {  	[spmem:s3] =	stream.indirect.scatter.add.f32 [tilespmem:s25], [sflag:$0x6], $0x80, s24, s21, $0xb8;
	[tilespmem:$0x1F100] =	vst v63  }
0x76: {  	_ =	swait.ge [sflag:s2], $0x4000  }
0x77: {  	s16 =	sshrl.u32 s14, $0x3;
	[sflag:s2] =	ssyncset.done $0x0  }
0x78: {  	s16 =	sadd.s32 s5, s16;
	[sflag:s2] =	ssyncadd.s32 $0xFFFFC000  }
0x79: {  	[tilespmem:s24], [sflag:$0x3] =	stream.linear.gather [hbm4b:s16+s4], $0x80, $0x38;
	[tilespmem:$0x1F100] =	vst v63  }
0x7a: {  	s16 =	sadd.s32 $0xFFFFFF80, s13  }
0x7b: {  	[tilespmem:s25], [sflag:$0x1] =	stream.indirect.gather [hbm4b:s1+s21], $0x80, s16, s21, $0xb8;
	[tilespmem:$0x1F100] =	vst v63  }
0x7c: {  	_ =	swait.ge [sflag:s28], $0x80  }
0x7d: {  	[sflag:s28] =	ssyncset.done $0x0  }
0x7e: {  	[sflag:s28] =	ssyncadd.s32 $0xFFFFFF80  }
0x7f: {  	_ =	swait.ge [sflag:s6], $0x4000  }
0x80: {  	[sflag:s6] =	ssyncset.done $0x0  }
0x81: {  	[sflag:s6] =	ssyncadd.s32 $0xFFFFC000  }
0x82: {  	[spmem:s3] =	stream.indirect.scatter.add.f32 [tilespmem:s26], [sflag:$0x6], $0x80, s29, s21, $0xb8;
	[tilespmem:$0x1F100] =	vst v63  }
.Ltmp1:
0x83: {  	_ =	swait.ge [sflag:s2], $0x4000;
	(pc) =	sbr.rel @p0 .LBB2_4-.Ltmp1, $4  }
0x84: {  	[sflag:s2] =	ssyncset.done $0x0  }
0x85: {  	s15 =	sadd.s32 s15, s19;
	[sflag:s2] =	ssyncadd.s32 $0xFFFFC000  }
0x86: {  	[tilespmem:s29], [sflag:$0x4] =	stream.linear.gather [hbm4b:s15+s4], $0x80, $0x38;
	[tilespmem:$0x1F100] =	vst v63  }
0x87: {  	s14 =	sadd.s32 $0x100, s14;
	s13 =	sadd.s32 $0x100, s13  }
0x88: {  	[tilespmem:s26], [sflag:$0x2] =	stream.indirect.gather [hbm4b:s1+s21], $0x80, s11, s21, $0xb8;
	[tilespmem:$0x1F100] =	vst v63  }
0x89: {  	_ =	swait.ge [sflag:s23], $0x80  }
0x8a: {  	[sflag:s23] =	ssyncset.done $0x0  }
0x8b: {  	[sflag:s23] =	ssyncadd.s32 $0xFFFFFF80  }
0x8c: {  	_ =	swait.ge [sflag:s22], $0x4000  }
0x8d: {  	[sflag:s22] =	ssyncset.done $0x0  }
0x8e: {  	[sflag:s22] =	ssyncadd.s32 $0xFFFFC000  }
0x8f: {  	[spmem:s3] =	stream.indirect.scatter.add.f32 [tilespmem:s25], [sflag:$0x6], $0x80, s24, s21, $0xb8;
	[tilespmem:$0x1F100] =	vst v63  }
0x90: {  	_ =	swait.ge [sflag:s2], $0x4000  }
0x91: {  	[sflag:s2] =	ssyncset.done $0x0  }
0x92: {  	s12 =	rddreg [dreg:$0xb];
	[sflag:s2] =	ssyncadd.s32 $0xFFFFC000  }
0x93: {  	[tilespmem:s24], [sflag:$0x3] =	stream.linear.gather [hbm4b:s12+s4], $0x80, $0x38;
	[tilespmem:$0x1F100] =	vst v63  }
0x94: {  	s13 =	simm.s32 $0x2600  }
0x95: {  	[tilespmem:s25], [sflag:$0x1] =	stream.indirect.gather [hbm4b:s1+s21], $0x80, s13, s21, $0xb8;
	[tilespmem:$0x1F100] =	vst v63  }
0x96: {  	_ =	swait.ge [sflag:s28], $0x80  }
0x97: {  	[sflag:s28] =	ssyncset.done $0x0  }
0x98: {  	[sflag:s28] =	ssyncadd.s32 $0xFFFFFF80  }
0x99: {  	_ =	swait.ge [sflag:s6], $0x4000  }
0x9a: {  	[sflag:s6] =	ssyncset.done $0x0  }
0x9b: {  	[sflag:s6] =	ssyncadd.s32 $0xFFFFC000  }
0x9c: {  	[spmem:s3] =	stream.indirect.scatter.add.f32 [tilespmem:s26], [sflag:$0x6], $0x80, s29, s21, $0xb8;
	[tilespmem:$0x1F100] =	vst v63  }
0x9d: {  	_ =	swait.ge [sflag:s2], $0x4000  }
0x9e: {  	[sflag:s2] =	ssyncset.done $0x0  }
0x9f: {  	s14 =	rddreg [dreg:$0xc];
	[sflag:s2] =	ssyncadd.s32 $0xFFFFC000  }
0xa0: {  	[tilespmem:s29], [sflag:$0x4] =	stream.linear.gather [hbm4b:s14+s4], $0x80, $0x38;
	[tilespmem:$0x1F100] =	vst v63  }
0xa1: {  	s15 =	simm.s32 $0x2680  }
0xa2: {  	[tilespmem:s26], [sflag:$0x2] =	stream.indirect.gather [hbm4b:s1+s21], $0x80, s15, s21, $0xb8;
	[tilespmem:$0x1F100] =	vst v63  }
0xa3: {  	_ =	swait.ge [sflag:s23], $0x80  }
0xa4: {  	[sflag:s23] =	ssyncset.done $0x0  }
0xa5: {  	[sflag:s23] =	ssyncadd.s32 $0xFFFFFF80  }
0xa6: {  	_ =	swait.ge [sflag:s22], $0x4000  }
0xa7: {  	[sflag:s22] =	ssyncset.done $0x0  }
0xa8: {  	[sflag:s22] =	ssyncadd.s32 $0xFFFFC000  }
0xa9: {  	[spmem:s3] =	stream.indirect.scatter.add.f32 [tilespmem:s25], [sflag:$0x6], $0x80, s24, s21, $0xb8;
	[tilespmem:$0x1F100] =	vst v63  }
0xaa: {  	_ =	swait.ge [sflag:s2], $0x4000  }
0xab: {  	[sflag:s2] =	ssyncset.done $0x0  }
0xac: {  	[sflag:s2] =	ssyncadd.s32 $0xFFFFC000  }
0xad: {  	_ =	swait.ge [sflag:s28], $0x80  }
0xae: {  	[sflag:s28] =	ssyncset.done $0x0  }
0xaf: {  	[sflag:s28] =	ssyncadd.s32 $0xFFFFFF80  }
0xb0: {  	_ =	swait.ge [sflag:s6], $0x4000  }
0xb1: {  	[sflag:s6] =	ssyncset.done $0x0  }
0xb2: {  	[sflag:s6] =	ssyncadd.s32 $0xFFFFC000  }
0xb3: {  	[spmem:s3] =	stream.indirect.scatter.add.f32 [tilespmem:s26], [sflag:$0x6], $0x80, s29, s21, $0xb8;
	[tilespmem:$0x1F100] =	vst v63  }
0xb4: {  	_ =	swait.ge [sflag:s2], $0x4000  }
0xb5: {  	[sflag:s2] =	ssyncset.done $0x0  }
0xb6: {  	[sflag:s2] =	ssyncadd.s32 $0xFFFFC000  }
0xb7: {  	_ =	swait.ge [sflag:s9], $0x10  }
0xb8: {  	[sflag:s9] =	ssyncset.done $0x0  }
0xb9: {  	[sflag:s9] =	ssyncadd.s32 $0xFFFFFFF0  }
0xba: {  	_ =	swait.ge [sflag:s9], $0x800  }
0xbb: {  	[sflag:s9] =	ssyncset.done $0x0  }
0xbc: {  	[sflag:s9] =	ssyncadd.s32 $0xFFFFF800  }
0xbd: {  	[spmem:s3] =	stream.indirect.scatter.add.f32 [tilespmem:s0], [sflag:$0x6], $0x80, s30, s31, $0xb8;
	[tilespmem:$0x1F100] =	vst v63  }
0xbe: {  	s16 =	stileid.u32;
	_ =	swait.ge [sflag:s2], $0x800  }
0xbf: {  	s10 =	sadd.s32 $0x1, s10;
	s11 =	sshll.u32 s16, $0x6;
	[sflag:s2] =	ssyncset.done $0x0  }
0xc0: {  	p0 =	sne.s32 s10, s18;
	s11 =	sor.u32 $0x1C06, s11;
	[sflag:s2] =	ssyncadd.s32 $0xFFFFF800  }
.Ltmp2:
0xc1: {  	s12 =	sshrl.u32 s7, $0x3;
	[bflag:$0x0] =	sbarrier.arrive $0xFFFF;
	(pc) =	sbr.rel @p0 .LBB2_1-.Ltmp2, $4  }
0xc2: {  	[hbm:s17], [sflag:s11] =	dma.local [spmem:s12], $0x2800  }
0xc3: {  	_ =	swait.ge [sflag:s2], $0x2800  }
0xc4: {  	[sflag:s2] =	ssyncset.done $0x0  }
0xc5: {  	[sflag:s2] =	ssyncadd.s32 $0xFFFFD800  }
0xc6: {  	_ =	sfence.sel $0x180000  }
0xc7: {  	[bflag:$0x0] =	sbarrier.arrive $0xFFFF  }
0xc8: {  	_ =	strace $0x90000047  }
0xc9: {  	s0 =	stileid.u32;
	[bflag:$0x2] =	sbarrier.arrive $0xFFFF  }
0xca: {  	p0 =	sne.s32 s0, $0x0;
	s0 =	rddreg [dreg:$0x3]  }
0xcb: {  	s0 =	sadd.s32 @!p0 $0x100000, s0  }
0xcc: {  	[sflag:s0] =	ssyncadd.tile.s32 @!p0 $0x1;
	_ =	shalt  }
.Lfunc_end2:
_tile_overlayer_lowered:
.L_overlay_start_2:
0xcd: {  	(tag) =	ssettag $0x2  }
0xce: {  	s0 =	rddreg [dreg:$0x0];
	s2 =	stileid.u32  }
0xcf: {  	s1 =	rddreg [dreg:$0x1];
	p0 =	sne.s32 s2, $0x0  }
0xd0: {  	s3 =	rddreg [dreg:$0x2];
	[bflag:$0x3] =	sbarrier.arrive $0xFFFF;
	s2 =	simm.s32 @!p0 $0x1C06  }
0xd1: {  	[timem:s3], [sflag:s2] =	dma.local @!p0 [hbm:s0], s1  }
0xd2: {  	s0 =	simm.s32 @!p0 $0x6  }
0xd3: {  	_ =	swait.ge @!p0 [sflag:s0], s1  }
0xd4: {  	s1 =	ssub.s32 @!p0 $0x0, s1;
	[sflag:s0] =	ssyncset.done @!p0 $0x0  }
0xd5: {  	[sflag:s0] =	ssyncadd.s32 @!p0 s1  }
0xd6: {  	[bflag:$0x3] =	sbarrier.arrive $0xFFFF  }
0xd7: {  	_ =	shalt  }

</sc_bundles>
